<compile_context>
chip_gen: v7x
topology: tpu7x:2x2x1
jax: 0.10.2.dev20260603
libtpu: 0.0.44.dev20260713+nightly
codegen_flags: <defaults>
</compile_context>

<pallas_src>
import dataclasses
import functools

import jax
import jax.numpy as jnp
from jax import lax
from jax.experimental import pallas as pl
from jax.experimental.pallas import tpu as pltpu
from jax.experimental.pallas import tpu_sc as plsc

N_NODES = 10000
D = 128
N_EDGES = 320000
N_LABEL = 100000

NC = 2
NS = 16
NW = NC * NS
EBLK = 128

NBLK_E = 80
EPW = NBLK_E * EBLK
E_PAD = EPW * NW

N_PAD = 10112
ZROWS = N_PAD // NS
TRASH = N_NODES

NBLK_L = 26
NBLK_L_PAD = 32
LPW = NBLK_L * EBLK
L_PAD = LPW * NW

_mesh = plsc.VectorSubcoreMesh(core_axis_name="c", subcore_axis_name="s")

_cp = pltpu.CompilerParams()
if "needs_layout_passes" in pltpu.CompilerParams.__dataclass_fields__:
    _cp = dataclasses.replace(_cp, needs_layout_passes=False)



def _sc_hist(dst3):

    @functools.partial(
        pl.kernel,
        mesh=_mesh,
        out_type=jax.ShapeDtypeStruct((NW, N_PAD), jnp.float32),
        scratch_types=[
            pltpu.VMEM((NBLK_E, EBLK), jnp.int32),
            pltpu.VMEM((N_PAD,), jnp.float32),
        ],
        compiler_params=_cp,
    )
    def k(dst_hbm, out_hbm, di, hist):
        c = lax.axis_index("c")
        s = lax.axis_index("s")
        wid = c * NS + s
        pltpu.sync_copy(dst_hbm.at[wid], di)

        @pl.loop(0, N_PAD, step=16)
        def _(r):
            hist[pl.ds(r, 16)] = jnp.zeros((16,), jnp.float32)

        ones = jnp.ones((16,), jnp.float32)

        @pl.loop(0, NBLK_E)
        def _(b):
            for j in range(8):
                v = di[b, pl.ds(j * 16, 16)]
                plsc.addupdate_scatter(hist, [v], ones)

        pltpu.sync_copy(hist, out_hbm.at[wid])

    return k(dst3)


def _sc_segsum(table, src3, dst3, zeros):

    @functools.partial(
        pl.kernel,
        mesh=_mesh,
        out_type=jax.ShapeDtypeStruct((NC, N_PAD, D), jnp.float32),
        scratch_types=[
            pltpu.VMEM((NBLK_E // 2, EBLK), jnp.int32),
            pltpu.VMEM((NBLK_E // 2, EBLK), jnp.int32),
            pltpu.VMEM((EBLK, D), jnp.float32),
            pltpu.VMEM((EBLK, D), jnp.float32),
            pltpu.VMEM_SHARED((N_PAD, D), jnp.float32),
            pltpu.SemaphoreType.DMA,
            pltpu.SemaphoreType.DMA,
            pltpu.SemaphoreType.DMA,
            pltpu.SemaphoreType.DMA,
        ],
    )
    def k(tab_hbm, src_hbm, dst_hbm, z_hbm, out_hbm,
          si, di, rows0, rows1, acc, g0, g1, s0, s1):
        c = lax.axis_index("c")
        s = lax.axis_index("s")
        wid = c * NS + s
        HNB = NBLK_E // 2
        pltpu.sync_copy(z_hbm.at[pl.ds(s * ZROWS, ZROWS)],
                        acc.at[pl.ds(s * ZROWS, ZROWS)])
        plsc.subcore_barrier()

        for h in range(2):
            pltpu.sync_copy(src_hbm.at[wid].at[pl.ds(h * HNB, HNB)], si)
            pltpu.sync_copy(dst_hbm.at[wid].at[pl.ds(h * HNB, HNB)], di)
            pltpu.async_copy(tab_hbm.at[si.at[0]], rows0, g0)

            @pl.loop(0, HNB, step=2)
            def _(b):
                pltpu.make_async_copy(tab_hbm.at[si.at[b]], rows0, g0).wait()

                @pl.when(b > 0)
                def _():
                    pltpu.make_async_copy(rows1, acc.at[di.at[b]], s1).wait()

                pltpu.async_copy(tab_hbm.at[si.at[b + 1]], rows1, g1)
                pltpu.async_copy(rows0, acc.at[di.at[b]], s0, add=True)
                pltpu.make_async_copy(tab_hbm.at[si.at[b + 1]], rows1, g1).wait()
                pltpu.make_async_copy(rows0, acc.at[di.at[b]], s0).wait()

                @pl.when(b + 2 < HNB)
                def _():
                    pltpu.async_copy(tab_hbm.at[si.at[b + 2]], rows0, g0)

                pltpu.async_copy(rows1, acc.at[di.at[b + 1]], s1, add=True)

            pltpu.make_async_copy(rows1, acc.at[di.at[0]], s1).wait()

        plsc.subcore_barrier()
        pltpu.sync_copy(acc.at[pl.ds(s * ZROWS, ZROWS)],
                        out_hbm.at[c].at[pl.ds(s * ZROWS, ZROWS)])

    return k(table, src3, dst3, zeros)


def _sc_decode_gather(z, ls3, ld3):
    out_t = jax.ShapeDtypeStruct((L_PAD, D), jnp.float32)

    @functools.partial(
        pl.kernel,
        mesh=_mesh,
        out_type=(out_t, out_t),
        scratch_types=[
            pltpu.VMEM((NBLK_L_PAD, EBLK), jnp.int32),
            pltpu.VMEM((NBLK_L_PAD, EBLK), jnp.int32),
            pltpu.VMEM((EBLK, D), jnp.float32),
            pltpu.VMEM((EBLK, D), jnp.float32),
            pltpu.VMEM((EBLK, D), jnp.float32),
            pltpu.VMEM((EBLK, D), jnp.float32),
            pltpu.SemaphoreType.DMA,
            pltpu.SemaphoreType.DMA,
            pltpu.SemaphoreType.DMA,
            pltpu.SemaphoreType.DMA,
            pltpu.SemaphoreType.DMA,
            pltpu.SemaphoreType.DMA,
            pltpu.SemaphoreType.DMA,
            pltpu.SemaphoreType.DMA,
        ],
    )
    def k(z_hbm, s_hbm, d_hbm, os_hbm, od_hbm,
          si, di, sr0, dr0, sr1, dr1, gs0, gd0, gs1, gd1, ws0, wd0, ws1, wd1):
        c = lax.axis_index("c")
        s = lax.axis_index("s")
        wid = c * NS + s
        pltpu.sync_copy(s_hbm.at[wid], si)
        pltpu.sync_copy(d_hbm.at[wid], di)
        base = wid * LPW

        pltpu.async_copy(z_hbm.at[si.at[0]], sr0, gs0)
        pltpu.async_copy(z_hbm.at[di.at[0]], dr0, gd0)

        @pl.loop(0, NBLK_L, step=2)
        def _(b):
            off = base + b * EBLK
            pltpu.make_async_copy(z_hbm.at[si.at[b]], sr0, gs0).wait()
            pltpu.make_async_copy(z_hbm.at[di.at[b]], dr0, gd0).wait()

            @pl.when(b > 0)
            def _():
                pltpu.make_async_copy(sr1, os_hbm.at[pl.ds(off, EBLK)],
                                      ws1).wait()
                pltpu.make_async_copy(dr1, od_hbm.at[pl.ds(off, EBLK)],
                                      wd1).wait()

            pltpu.async_copy(z_hbm.at[si.at[b + 1]], sr1, gs1)
            pltpu.async_copy(z_hbm.at[di.at[b + 1]], dr1, gd1)
            pltpu.async_copy(sr0, os_hbm.at[pl.ds(off, EBLK)], ws0)
            pltpu.async_copy(dr0, od_hbm.at[pl.ds(off, EBLK)], wd0)
            pltpu.make_async_copy(z_hbm.at[si.at[b + 1]], sr1, gs1).wait()
            pltpu.make_async_copy(z_hbm.at[di.at[b + 1]], dr1, gd1).wait()
            pltpu.make_async_copy(sr0, os_hbm.at[pl.ds(off, EBLK)], ws0).wait()
            pltpu.make_async_copy(dr0, od_hbm.at[pl.ds(off, EBLK)], wd0).wait()

            @pl.when(b + 2 < NBLK_L)
            def _():
                pltpu.async_copy(z_hbm.at[si.at[b + 2]], sr0, gs0)
                pltpu.async_copy(z_hbm.at[di.at[b + 2]], dr0, gd0)

            pltpu.async_copy(sr1, os_hbm.at[pl.ds(off + EBLK, EBLK)], ws1)
            pltpu.async_copy(dr1, od_hbm.at[pl.ds(off + EBLK, EBLK)], wd1)

        pltpu.make_async_copy(sr1, os_hbm.at[pl.ds(base, EBLK)], ws1).wait()
        pltpu.make_async_copy(dr1, od_hbm.at[pl.ds(base, EBLK)], wd1).wait()

    return k(z, ls3, ld3)



def _tc_prep(hist, x, W1):
    def body(h_ref, x_ref, w_ref, dinv_ref, y_ref):
        deg = jnp.sum(h_ref[...], axis=0) + 1.0
        dinv = lax.rsqrt(deg)
        dinv_ref[...] = dinv[:, None]
        y_ref[...] = jnp.dot(x_ref[...], w_ref[...],
                             preferred_element_type=jnp.float32) * dinv[:, None]

    return pl.pallas_call(
        body,
        out_shape=(jax.ShapeDtypeStruct((N_PAD, 1), jnp.float32),
                   jax.ShapeDtypeStruct((N_PAD, D), jnp.float32)),
    )(hist, x, W1)


def _tc_mid(acc1, y1, dinv, b1, W2):
    def body(a_ref, y_ref, d_ref, b_ref, w_ref, o_ref):
        dinv = d_ref[...]
        h = jnp.maximum(dinv * (a_ref[0] + a_ref[1] + y_ref[...]) + b_ref[...],
                        0.0)
        o_ref[...] = jnp.dot(h, w_ref[...],
                             preferred_element_type=jnp.float32) * dinv

    return pl.pallas_call(
        body, out_shape=jax.ShapeDtypeStruct((N_PAD, D), jnp.float32),
    )(acc1, y1, dinv, b1, W2)


def _tc_fin(acc2, y2, dinv, b2):
    def body(a_ref, y_ref, d_ref, b_ref, o_ref):
        o_ref[...] = d_ref[...] * (a_ref[0] + a_ref[1] + y_ref[...]) + b_ref[...]

    return pl.pallas_call(
        body, out_shape=jax.ShapeDtypeStruct((N_PAD, D), jnp.float32),
    )(acc2, y2, dinv, b2)


def _tc_dot(zs, zd):
    RB = L_PAD // 8

    def body(a_ref, b_ref, o_ref):
        o_ref[...] = jnp.sum(a_ref[...] * b_ref[...], axis=1).reshape(8, RB // 8)

    return pl.pallas_call(
        body,
        grid=(8,),
        in_specs=[pl.BlockSpec((RB, D), lambda i: (i, 0)),
                  pl.BlockSpec((RB, D), lambda i: (i, 0))],
        out_specs=pl.BlockSpec((8, RB // 8), lambda i: (i, 0)),
        out_shape=jax.ShapeDtypeStruct((64, RB // 8), jnp.float32),
    )(zs, zd)



def _pad_idx_3d(idx, n, nblk, nblk_pad, pad_base, pad_mod):
    per_real = n // NW
    npad = nblk * EBLK - per_real
    real = idx.reshape(NW, per_real)
    padv = pad_base + (jnp.arange(npad, dtype=jnp.int32) % pad_mod)
    pads = jnp.broadcast_to(padv[None, :], (NW, npad))
    p = jnp.concatenate([real, pads], axis=1).reshape(NW, nblk, EBLK)
    if nblk_pad > nblk:
        p = jnp.concatenate(
            [p, jnp.zeros((NW, nblk_pad - nblk, EBLK), jnp.int32)], axis=1)
    return p


def kernel(x, edge_index, edge_label_index, W1, b1, W2, b2):
    src = edge_index[0].astype(jnp.int32)
    dst = edge_index[1].astype(jnp.int32)
    lsrc = edge_label_index[0].astype(jnp.int32)
    ldst = edge_label_index[1].astype(jnp.int32)

    src3 = _pad_idx_3d(src, N_EDGES, NBLK_E, NBLK_E, 0, N_NODES)
    dst3 = _pad_idx_3d(dst, N_EDGES, NBLK_E, NBLK_E, TRASH, N_PAD - N_NODES)
    ls3 = _pad_idx_3d(lsrc, N_LABEL, NBLK_L, NBLK_L_PAD, 0, N_NODES)
    ld3 = _pad_idx_3d(ldst, N_LABEL, NBLK_L, NBLK_L_PAD, 0, N_NODES)

    xp = jnp.concatenate([x, jnp.zeros((N_PAD - N_NODES, D), jnp.float32)])
    zeros128 = jnp.zeros((N_PAD, D), jnp.float32)

    hist = _sc_hist(dst3)
    dinv, y1 = _tc_prep(hist, xp, W1)
    acc1 = _sc_segsum(y1, src3, dst3, zeros128)
    y2 = _tc_mid(acc1, y1, dinv, b1, W2)
    acc2 = _sc_segsum(y2, src3, dst3, zeros128)
    z = _tc_fin(acc2, y2, dinv, b2)
    zs, zd = _sc_decode_gather(z, ls3, ld3)
    dots = _tc_dot(zs, zd).reshape(NW, LPW)
    return dots[:, :N_LABEL // NW].reshape(N_LABEL)

# --- scband reference (transcript-rebuilt; emitter-appended) ---
"""Pipeline reference for scband-gcnlink-predictor-55490977465137 (READ-ONLY COPY).

The authoritative reference and input builder live on the scoring server;
editing this copy changes nothing except your own understanding.
"""

import jax, jax.numpy as jnp
import numpy as np

N_NODES = 10000
D_IN = 128
D_HID = 128
N_EDGES = 320000
N_LABEL = 100000


def gcn_conv(x, edge_index, W, b):
    num_nodes = x.shape[0]
    x = x @ W
    src = edge_index[0]
    dst = edge_index[1]
    loop = jnp.arange(num_nodes, dtype=src.dtype)
    src = jnp.concatenate([src, loop])
    dst = jnp.concatenate([dst, loop])
    ones = jnp.ones(src.shape[0], dtype=x.dtype)
    deg = jnp.zeros(num_nodes, dtype=x.dtype).at[dst].add(ones)
    deg_inv_sqrt = jnp.where(deg > 0, deg ** -0.5, 0.0)
    norm = deg_inv_sqrt[src] * deg_inv_sqrt[dst]
    msg = x[src] * norm[:, None]
    out = jnp.zeros((num_nodes, x.shape[1]), dtype=x.dtype).at[dst].add(msg)
    return out + b


def setup_inputs(seed: int = 0) -> dict:
    key = jax.random.key(seed)
    k1, k2, k3, k4, k5, k6, k7 = jax.random.split(key, 7)
    x = jax.random.normal(k1, (N_NODES, D_IN), dtype=jnp.float32)
    edge_index = jax.random.randint(k2, (2, N_EDGES), 0, N_NODES, dtype=jnp.int64 if jax.config.jax_enable_x64 else jnp.int32)
    edge_label_index = jax.random.randint(k3, (2, N_LABEL), 0, N_NODES, dtype=jnp.int64 if jax.config.jax_enable_x64 else jnp.int32)
    glorot1 = (6.0 / (D_IN + D_HID)) ** 0.5
    glorot2 = (6.0 / (D_HID + D_HID)) ** 0.5
    W1 = jax.random.uniform(k4, (D_IN, D_HID), dtype=jnp.float32, minval=-glorot1, maxval=glorot1)
    b1 = jnp.zeros((D_HID,), dtype=jnp.float32)
    W2 = jax.random.uniform(k5, (D_HID, D_HID), dtype=jnp.float32, minval=-glorot2, maxval=glorot2)
    b2 = jnp.zeros((D_HID,), dtype=jnp.float32)
    return {"x": x, "edge_index": edge_index, "edge_label_index": edge_label_index, "W1": W1, "b1": b1, "W2": W2, "b2": b2}


def reference(x, edge_index, edge_label_index, W1, b1, W2, b2):
    h = jax.nn.relu(gcn_conv(x, edge_index, W1, b1))
    z = gcn_conv(h, edge_index, W2, b2)
    src = edge_label_index[0]
    dst = edge_label_index[1]
    return (z[src] * z[dst]).sum(axis=-1)

if __name__ == "__main__":
    import jax
    _d = setup_inputs()
    print(jax.jit(kernel)(*tuple(_d.values())))

</pallas_src>

<mosaic_0001>
#map = affine_map<(d0, d1) -> (0, 0)>
#map1 = affine_map<(d0, d1) -> (0, 0, 0)>
module attributes {stable_mosaic.version = 14 : i64} {
  func.func @k(%arg0: i32, %arg1: i32, %arg2: memref<10112x128xf32, #tpu.memory_space<hbm>>, %arg3: memref<32x80x128xi32, #tpu.memory_space<hbm>>, %arg4: memref<32x80x128xi32, #tpu.memory_space<hbm>>, %arg5: memref<10112x128xf32, #tpu.memory_space<hbm>>, %arg6: memref<2x10112x128xf32, #tpu.memory_space<hbm>>, %arg7: memref<40x128xi32, #tpu.memory_space<vmem>>, %arg8: memref<40x128xi32, #tpu.memory_space<vmem>>, %arg9: memref<128x128xf32, #tpu.memory_space<vmem>>, %arg10: memref<128x128xf32, #tpu.memory_space<vmem>>, %arg11: memref<10112x128xf32, #tpu.memory_space<vmem_shared>>, %arg12: memref<!tpu.dma_semaphore, #tpu.memory_space<semaphore_mem>>, %arg13: memref<!tpu.dma_semaphore, #tpu.memory_space<semaphore_mem>>, %arg14: memref<!tpu.dma_semaphore, #tpu.memory_space<semaphore_mem>>, %arg15: memref<!tpu.dma_semaphore, #tpu.memory_space<semaphore_mem>>) attributes {dimension_semantics = [#tpu.dimension_semantics<core_parallel>, #tpu.dimension_semantics<subcore_parallel>], iteration_bounds = array<i64: 2, 16>, scalar_prefetch = 0 : i64, scratch_operands = 9 : i64, tpu.core_type = #tpu.core_type<sc_vector_subcore>, window_params = [{transform_indices = #map}, {transform_indices = #map1}, {transform_indices = #map1}, {transform_indices = #map}, {transform_indices = #map1}]} {
    %mul3A = arith.constant 16 : i32
    %mul3A_0 = arith.muli %arg0, %mul3A : i32
    %add3A = arith.addi %mul3A_0, %arg1 : i32
    %mul3A_1 = arith.constant 632 : i32
    %mul3A_2 = arith.muli %arg1, %mul3A_1 : i32
    %mul3A_3 = arith.constant 632 : i32
    %mul3A_4 = arith.muli %arg1, %mul3A_3 : i32
    "tpu.region"() ({
      %run_scoped3A = tpu.sem_alloc : memref<!tpu.dma_semaphore, #tpu.memory_space<semaphore_mem>>
      %dma_start3A_45 = arith.constant 0 : i32
      %dma_start3A_46 = tpu.memref_slice %arg11[%mul3A_4, %dma_start3A_45] : memref<10112x128xf32, #tpu.memory_space<vmem_shared>> -> memref<632x128xf32, #tpu.memory_space<vmem_shared>>
      %dma_start3A_47 = arith.constant 0 : i32
      %dma_start3A_48 = tpu.memref_slice %arg5[%mul3A_2, %dma_start3A_47] : memref<10112x128xf32, #tpu.memory_space<hbm>> -> memref<632x128xf32, #tpu.memory_space<hbm>>
      tpu.enqueue_dma source(%dma_start3A_48 : memref<632x128xf32, #tpu.memory_space<hbm>>) target(%dma_start3A_46 : memref<632x128xf32, #tpu.memory_space<vmem_shared>>) target_semaphore(%run_scoped3A : memref<!tpu.dma_semaphore, #tpu.memory_space<semaphore_mem>>)
      %dma_wait3A_49 = arith.constant 0 : i32
      %dma_wait3A_50 = tpu.memref_slice %arg11[%mul3A_4, %dma_wait3A_49] : memref<10112x128xf32, #tpu.memory_space<vmem_shared>> -> memref<632x128xf32, #tpu.memory_space<vmem_shared>>
      %dma_wait3A_51 = arith.constant 0 : i32
      %dma_wait3A_52 = tpu.memref_slice %arg5[%mul3A_2, %dma_wait3A_51] : memref<10112x128xf32, #tpu.memory_space<hbm>> -> memref<632x128xf32, #tpu.memory_space<hbm>>
      tpu.wait_dma2 semaphore(%run_scoped3A : memref<!tpu.dma_semaphore, #tpu.memory_space<semaphore_mem>>) src(%dma_wait3A_52 : memref<632x128xf32, #tpu.memory_space<hbm>>) dst(%dma_wait3A_50 : memref<632x128xf32, #tpu.memory_space<vmem_shared>>)
      tpu.yield
    }) : () -> ()
    %barrier3A = arith.constant 0 : index
    tpu.barrier barrier_id(%barrier3A)
    "tpu.region"() ({
      %run_scoped3A = tpu.sem_alloc : memref<!tpu.dma_semaphore, #tpu.memory_space<semaphore_mem>>
      %dma_start3A_45 = arith.constant 0 : i32
      %dma_start3A_46 = arith.constant 0 : i32
      %dma_start3A_47 = tpu.memref_slice %arg3[%add3A, %dma_start3A_45, %dma_start3A_46] : memref<32x80x128xi32, #tpu.memory_space<hbm>> -> memref<1x80x128xi32, #tpu.memory_space<hbm>>
      %dma_start3A_48 = tpu.memref_squeeze %dma_start3A_47 : memref<1x80x128xi32, #tpu.memory_space<hbm>> -> memref<80x128xi32, #tpu.memory_space<hbm>>
      %dma_start3A_49 = arith.constant 0 : i32
      %dma_start3A_50 = arith.constant 0 : i32
      %dma_start3A_51 = tpu.memref_slice %dma_start3A_48[%dma_start3A_49, %dma_start3A_50] : memref<80x128xi32, #tpu.memory_space<hbm>> -> memref<40x128xi32, #tpu.memory_space<hbm>>
      %dma_start3A_52 = arith.constant 0 : i32
      %dma_start3A_53 = arith.constant 0 : i32
      %dma_start3A_54 = tpu.memref_slice %arg3[%add3A, %dma_start3A_52, %dma_start3A_53] : memref<32x80x128xi32, #tpu.memory_space<hbm>> -> memref<1x80x128xi32, #tpu.memory_space<hbm>>
      %dma_start3A_55 = tpu.memref_squeeze %dma_start3A_54 : memref<1x80x128xi32, #tpu.memory_space<hbm>> -> memref<80x128xi32, #tpu.memory_space<hbm>>
      %dma_start3A_56 = arith.constant 0 : i32
      %dma_start3A_57 = arith.constant 0 : i32
      %dma_start3A_58 = tpu.memref_slice %dma_start3A_55[%dma_start3A_56, %dma_start3A_57] : memref<80x128xi32, #tpu.memory_space<hbm>> -> memref<40x128xi32, #tpu.memory_space<hbm>>
      tpu.enqueue_dma source(%dma_start3A_58 : memref<40x128xi32, #tpu.memory_space<hbm>>) target(%arg7 : memref<40x128xi32, #tpu.memory_space<vmem>>) target_semaphore(%run_scoped3A : memref<!tpu.dma_semaphore, #tpu.memory_space<semaphore_mem>>)
      %dma_wait3A_59 = arith.constant 0 : i32
      %dma_wait3A_60 = arith.constant 0 : i32
      %dma_wait3A_61 = tpu.memref_slice %arg3[%add3A, %dma_wait3A_59, %dma_wait3A_60] : memref<32x80x128xi32, #tpu.memory_space<hbm>> -> memref<1x80x128xi32, #tpu.memory_space<hbm>>
      %dma_wait3A_62 = tpu.memref_squeeze %dma_wait3A_61 : memref<1x80x128xi32, #tpu.memory_space<hbm>> -> memref<80x128xi32, #tpu.memory_space<hbm>>
      %dma_wait3A_63 = arith.constant 0 : i32
      %dma_wait3A_64 = arith.constant 0 : i32
      %dma_wait3A_65 = tpu.memref_slice %dma_wait3A_62[%dma_wait3A_63, %dma_wait3A_64] : memref<80x128xi32, #tpu.memory_space<hbm>> -> memref<40x128xi32, #tpu.memory_space<hbm>>
      %dma_wait3A_66 = arith.constant 0 : i32
      %dma_wait3A_67 = arith.constant 0 : i32
      %dma_wait3A_68 = tpu.memref_slice %arg3[%add3A, %dma_wait3A_66, %dma_wait3A_67] : memref<32x80x128xi32, #tpu.memory_space<hbm>> -> memref<1x80x128xi32, #tpu.memory_space<hbm>>
      %dma_wait3A_69 = tpu.memref_squeeze %dma_wait3A_68 : memref<1x80x128xi32, #tpu.memory_space<hbm>> -> memref<80x128xi32, #tpu.memory_space<hbm>>
      %dma_wait3A_70 = arith.constant 0 : i32
      %dma_wait3A_71 = arith.constant 0 : i32
      %dma_wait3A_72 = tpu.memref_slice %dma_wait3A_69[%dma_wait3A_70, %dma_wait3A_71] : memref<80x128xi32, #tpu.memory_space<hbm>> -> memref<40x128xi32, #tpu.memory_space<hbm>>
      tpu.wait_dma2 semaphore(%run_scoped3A : memref<!tpu.dma_semaphore, #tpu.memory_space<semaphore_mem>>) src(%dma_wait3A_72 : memref<40x128xi32, #tpu.memory_space<hbm>>) dst(%arg7 : memref<40x128xi32, #tpu.memory_space<vmem>>)
      tpu.yield
    }) : () -> ()
    "tpu.region"() ({
      %run_scoped3A = tpu.sem_alloc : memref<!tpu.dma_semaphore, #tpu.memory_space<semaphore_mem>>
      %dma_start3A_45 = arith.constant 0 : i32
      %dma_start3A_46 = arith.constant 0 : i32
      %dma_start3A_47 = tpu.memref_slice %arg4[%add3A, %dma_start3A_45, %dma_start3A_46] : memref<32x80x128xi32, #tpu.memory_space<hbm>> -> memref<1x80x128xi32, #tpu.memory_space<hbm>>
      %dma_start3A_48 = tpu.memref_squeeze %dma_start3A_47 : memref<1x80x128xi32, #tpu.memory_space<hbm>> -> memref<80x128xi32, #tpu.memory_space<hbm>>
      %dma_start3A_49 = arith.constant 0 : i32
      %dma_start3A_50 = arith.constant 0 : i32
      %dma_start3A_51 = tpu.memref_slice %dma_start3A_48[%dma_start3A_49, %dma_start3A_50] : memref<80x128xi32, #tpu.memory_space<hbm>> -> memref<40x128xi32, #tpu.memory_space<hbm>>
      %dma_start3A_52 = arith.constant 0 : i32
      %dma_start3A_53 = arith.constant 0 : i32
      %dma_start3A_54 = tpu.memref_slice %arg4[%add3A, %dma_start3A_52, %dma_start3A_53] : memref<32x80x128xi32, #tpu.memory_space<hbm>> -> memref<1x80x128xi32, #tpu.memory_space<hbm>>
      %dma_start3A_55 = tpu.memref_squeeze %dma_start3A_54 : memref<1x80x128xi32, #tpu.memory_space<hbm>> -> memref<80x128xi32, #tpu.memory_space<hbm>>
      %dma_start3A_56 = arith.constant 0 : i32
      %dma_start3A_57 = arith.constant 0 : i32
      %dma_start3A_58 = tpu.memref_slice %dma_start3A_55[%dma_start3A_56, %dma_start3A_57] : memref<80x128xi32, #tpu.memory_space<hbm>> -> memref<40x128xi32, #tpu.memory_space<hbm>>
      tpu.enqueue_dma source(%dma_start3A_58 : memref<40x128xi32, #tpu.memory_space<hbm>>) target(%arg8 : memref<40x128xi32, #tpu.memory_space<vmem>>) target_semaphore(%run_scoped3A : memref<!tpu.dma_semaphore, #tpu.memory_space<semaphore_mem>>)
      %dma_wait3A_59 = arith.constant 0 : i32
      %dma_wait3A_60 = arith.constant 0 : i32
      %dma_wait3A_61 = tpu.memref_slice %arg4[%add3A, %dma_wait3A_59, %dma_wait3A_60] : memref<32x80x128xi32, #tpu.memory_space<hbm>> -> memref<1x80x128xi32, #tpu.memory_space<hbm>>
      %dma_wait3A_62 = tpu.memref_squeeze %dma_wait3A_61 : memref<1x80x128xi32, #tpu.memory_space<hbm>> -> memref<80x128xi32, #tpu.memory_space<hbm>>
      %dma_wait3A_63 = arith.constant 0 : i32
      %dma_wait3A_64 = arith.constant 0 : i32
      %dma_wait3A_65 = tpu.memref_slice %dma_wait3A_62[%dma_wait3A_63, %dma_wait3A_64] : memref<80x128xi32, #tpu.memory_space<hbm>> -> memref<40x128xi32, #tpu.memory_space<hbm>>
      %dma_wait3A_66 = arith.constant 0 : i32
      %dma_wait3A_67 = arith.constant 0 : i32
      %dma_wait3A_68 = tpu.memref_slice %arg4[%add3A, %dma_wait3A_66, %dma_wait3A_67] : memref<32x80x128xi32, #tpu.memory_space<hbm>> -> memref<1x80x128xi32, #tpu.memory_space<hbm>>
      %dma_wait3A_69 = tpu.memref_squeeze %dma_wait3A_68 : memref<1x80x128xi32, #tpu.memory_space<hbm>> -> memref<80x128xi32, #tpu.memory_space<hbm>>
      %dma_wait3A_70 = arith.constant 0 : i32
      %dma_wait3A_71 = arith.constant 0 : i32
      %dma_wait3A_72 = tpu.memref_slice %dma_wait3A_69[%dma_wait3A_70, %dma_wait3A_71] : memref<80x128xi32, #tpu.memory_space<hbm>> -> memref<40x128xi32, #tpu.memory_space<hbm>>
      tpu.wait_dma2 semaphore(%run_scoped3A : memref<!tpu.dma_semaphore, #tpu.memory_space<semaphore_mem>>) src(%dma_wait3A_72 : memref<40x128xi32, #tpu.memory_space<hbm>>) dst(%arg8 : memref<40x128xi32, #tpu.memory_space<vmem>>)
      tpu.yield
    }) : () -> ()
    %dma_start3A = arith.constant 0 : i32
    %dma_start3A_5 = arith.constant 0 : i32
    %dma_start3A_6 = tpu.memref_slice %arg7[%dma_start3A, %dma_start3A_5] : memref<40x128xi32, #tpu.memory_space<vmem>> -> memref<1x128xi32, #tpu.memory_space<vmem>>
    %dma_start3A_7 = tpu.memref_squeeze %dma_start3A_6 : memref<1x128xi32, #tpu.memory_space<vmem>> -> memref<128xi32, #tpu.memory_space<vmem>>
    %dma_start3A_8 = arith.constant 0 : i32
    %dma_start3A_9 = arith.constant 0 : i32
    %dma_start3A_10 = tpu.memref_slice %arg2[%dma_start3A_8, %dma_start3A_9] : memref<10112x128xf32, #tpu.memory_space<hbm>> -> memref<10112x128xf32, #tpu.memory_space<hbm>>
    tpu.enqueue_indirect_dma source(%dma_start3A_10 : memref<10112x128xf32, #tpu.memory_space<hbm>>) target(%arg9 : memref<128x128xf32, #tpu.memory_space<vmem>>) offsets(%dma_start3A_7 : memref<128xi32, #tpu.memory_space<vmem>>) semaphore(%arg12 : memref<!tpu.dma_semaphore, #tpu.memory_space<semaphore_mem>>)
    %scan3A = arith.constant 0 : i32
    %scan3A_11 = arith.constant 20 : i32
    %scan3A_12 = arith.addi %scan3A, %scan3A_11 : i32
    %scan3A_13 = arith.constant 1 : i32
    scf.for %scan3A_45 = %scan3A to %scan3A_12 step %scan3A_13  : i32 {
      %mul3A_46 = arith.constant 2 : i32
      %mul3A_47 = arith.muli %scan3A_45, %mul3A_46 : i32
      %add3A_48 = arith.constant 0 : i32
      %add3A_49 = arith.addi %add3A_48, %mul3A_47 : i32
      %dma_wait3A_50 = arith.constant 0 : i32
      %dma_wait3A_51 = tpu.memref_slice %arg7[%add3A_49, %dma_wait3A_50] : memref<40x128xi32, #tpu.memory_space<vmem>> -> memref<1x128xi32, #tpu.memory_space<vmem>>
      %dma_wait3A_52 = tpu.memref_squeeze %dma_wait3A_51 : memref<1x128xi32, #tpu.memory_space<vmem>> -> memref<128xi32, #tpu.memory_space<vmem>>
      %dma_wait3A_53 = arith.constant 0 : i32
      %dma_wait3A_54 = arith.constant 0 : i32
      %dma_wait3A_55 = tpu.memref_slice %arg2[%dma_wait3A_53, %dma_wait3A_54] : memref<10112x128xf32, #tpu.memory_space<hbm>> -> memref<10112x128xf32, #tpu.memory_space<hbm>>
      tpu.wait_indirect_dma semaphore(%arg12 : memref<!tpu.dma_semaphore, #tpu.memory_space<semaphore_mem>>) src(%dma_wait3A_55 : memref<10112x128xf32, #tpu.memory_space<hbm>>) dst(%arg9 : memref<128x128xf32, #tpu.memory_space<vmem>>)
      %gt3A = arith.constant 0 : i32
      %gt3A_56 = arith.cmpi sgt, %add3A_49, %gt3A : i32
      %convert_element_type3A = arith.extui %gt3A_56 : i1 to i32
      %cond3A = arith.constant 0 : i32
      %cond3A_57 = arith.cmpi ne, %convert_element_type3A, %cond3A : i32
      scf.if %cond3A_57 {
        %dma_wait3A_100 = arith.constant 0 : i32
        %dma_wait3A_101 = tpu.memref_slice %arg8[%add3A_49, %dma_wait3A_100] : memref<40x128xi32, #tpu.memory_space<vmem>> -> memref<1x128xi32, #tpu.memory_space<vmem>>
        %dma_wait3A_102 = tpu.memref_squeeze %dma_wait3A_101 : memref<1x128xi32, #tpu.memory_space<vmem>> -> memref<128xi32, #tpu.memory_space<vmem>>
        %dma_wait3A_103 = arith.constant 0 : i32
        %dma_wait3A_104 = arith.constant 0 : i32
        %dma_wait3A_105 = tpu.memref_slice %arg11[%dma_wait3A_103, %dma_wait3A_104] : memref<10112x128xf32, #tpu.memory_space<vmem_shared>> -> memref<10112x128xf32, #tpu.memory_space<vmem_shared>>
        tpu.wait_indirect_dma semaphore(%arg15 : memref<!tpu.dma_semaphore, #tpu.memory_space<semaphore_mem>>) src(%arg10 : memref<128x128xf32, #tpu.memory_space<vmem>>) dst(%dma_wait3A_105 : memref<10112x128xf32, #tpu.memory_space<vmem_shared>>)
      } else {
      }
      %add3A_58 = arith.constant 1 : i32
      %add3A_59 = arith.addi %add3A_49, %add3A_58 : i32
      %dma_start3A_60 = arith.constant 0 : i32
      %dma_start3A_61 = tpu.memref_slice %arg7[%add3A_59, %dma_start3A_60] : memref<40x128xi32, #tpu.memory_space<vmem>> -> memref<1x128xi32, #tpu.memory_space<vmem>>
      %dma_start3A_62 = tpu.memref_squeeze %dma_start3A_61 : memref<1x128xi32, #tpu.memory_space<vmem>> -> memref<128xi32, #tpu.memory_space<vmem>>
      %dma_start3A_63 = arith.constant 0 : i32
      %dma_start3A_64 = arith.constant 0 : i32
      %dma_start3A_65 = tpu.memref_slice %arg2[%dma_start3A_63, %dma_start3A_64] : memref<10112x128xf32, #tpu.memory_space<hbm>> -> memref<10112x128xf32, #tpu.memory_space<hbm>>
      tpu.enqueue_indirect_dma source(%dma_start3A_65 : memref<10112x128xf32, #tpu.memory_space<hbm>>) target(%arg10 : memref<128x128xf32, #tpu.memory_space<vmem>>) offsets(%dma_start3A_62 : memref<128xi32, #tpu.memory_space<vmem>>) semaphore(%arg13 : memref<!tpu.dma_semaphore, #tpu.memory_space<semaphore_mem>>)
      %dma_start3A_66 = arith.constant 0 : i32
      %dma_start3A_67 = tpu.memref_slice %arg8[%add3A_49, %dma_start3A_66] : memref<40x128xi32, #tpu.memory_space<vmem>> -> memref<1x128xi32, #tpu.memory_space<vmem>>
      %dma_start3A_68 = tpu.memref_squeeze %dma_start3A_67 : memref<1x128xi32, #tpu.memory_space<vmem>> -> memref<128xi32, #tpu.memory_space<vmem>>
      %dma_start3A_69 = arith.constant 0 : i32
      %dma_start3A_70 = arith.constant 0 : i32
      %dma_start3A_71 = tpu.memref_slice %arg11[%dma_start3A_69, %dma_start3A_70] : memref<10112x128xf32, #tpu.memory_space<vmem_shared>> -> memref<10112x128xf32, #tpu.memory_space<vmem_shared>>
      tpu.enqueue_indirect_dma source(%arg9 : memref<128x128xf32, #tpu.memory_space<vmem>>) target(%dma_start3A_71 : memref<10112x128xf32, #tpu.memory_space<vmem_shared>>) offsets(%dma_start3A_68 : memref<128xi32, #tpu.memory_space<vmem>>) semaphore(%arg14 : memref<!tpu.dma_semaphore, #tpu.memory_space<semaphore_mem>>) {add = true}
      %add3A_72 = arith.constant 1 : i32
      %add3A_73 = arith.addi %add3A_49, %add3A_72 : i32
      %dma_wait3A_74 = arith.constant 0 : i32
      %dma_wait3A_75 = tpu.memref_slice %arg7[%add3A_73, %dma_wait3A_74] : memref<40x128xi32, #tpu.memory_space<vmem>> -> memref<1x128xi32, #tpu.memory_space<vmem>>
      %dma_wait3A_76 = tpu.memref_squeeze %dma_wait3A_75 : memref<1x128xi32, #tpu.memory_space<vmem>> -> memref<128xi32, #tpu.memory_space<vmem>>
      %dma_wait3A_77 = arith.constant 0 : i32
      %dma_wait3A_78 = arith.constant 0 : i32
      %dma_wait3A_79 = tpu.memref_slice %arg2[%dma_wait3A_77, %dma_wait3A_78] : memref<10112x128xf32, #tpu.memory_space<hbm>> -> memref<10112x128xf32, #tpu.memory_space<hbm>>
      tpu.wait_indirect_dma semaphore(%arg13 : memref<!tpu.dma_semaphore, #tpu.memory_space<semaphore_mem>>) src(%dma_wait3A_79 : memref<10112x128xf32, #tpu.memory_space<hbm>>) dst(%arg10 : memref<128x128xf32, #tpu.memory_space<vmem>>)
      %dma_wait3A_80 = arith.constant 0 : i32
      %dma_wait3A_81 = tpu.memref_slice %arg8[%add3A_49, %dma_wait3A_80] : memref<40x128xi32, #tpu.memory_space<vmem>> -> memref<1x128xi32, #tpu.memory_space<vmem>>
      %dma_wait3A_82 = tpu.memref_squeeze %dma_wait3A_81 : memref<1x128xi32, #tpu.memory_space<vmem>> -> memref<128xi32, #tpu.memory_space<vmem>>
      %dma_wait3A_83 = arith.constant 0 : i32
      %dma_wait3A_84 = arith.constant 0 : i32
      %dma_wait3A_85 = tpu.memref_slice %arg11[%dma_wait3A_83, %dma_wait3A_84] : memref<10112x128xf32, #tpu.memory_space<vmem_shared>> -> memref<10112x128xf32, #tpu.memory_space<vmem_shared>>
      tpu.wait_indirect_dma semaphore(%arg14 : memref<!tpu.dma_semaphore, #tpu.memory_space<semaphore_mem>>) src(%arg9 : memref<128x128xf32, #tpu.memory_space<vmem>>) dst(%dma_wait3A_85 : memref<10112x128xf32, #tpu.memory_space<vmem_shared>>)
      %add3A_86 = arith.constant 2 : i32
      %add3A_87 = arith.addi %add3A_49, %add3A_86 : i32
      %lt3A = arith.constant 40 : i32
      %lt3A_88 = arith.cmpi slt, %add3A_87, %lt3A : i32
      %convert_element_type3A_89 = arith.extui %lt3A_88 : i1 to i32
      %cond3A_90 = arith.constant 0 : i32
      %cond3A_91 = arith.cmpi ne, %convert_element_type3A_89, %cond3A_90 : i32
      scf.if %cond3A_91 {
        %add3A_100 = arith.constant 2 : i32
        %add3A_101 = arith.addi %add3A_49, %add3A_100 : i32
        %dma_start3A_102 = arith.constant 0 : i32
        %dma_start3A_103 = tpu.memref_slice %arg7[%add3A_101, %dma_start3A_102] : memref<40x128xi32, #tpu.memory_space<vmem>> -> memref<1x128xi32, #tpu.memory_space<vmem>>
        %dma_start3A_104 = tpu.memref_squeeze %dma_start3A_103 : memref<1x128xi32, #tpu.memory_space<vmem>> -> memref<128xi32, #tpu.memory_space<vmem>>
        %dma_start3A_105 = arith.constant 0 : i32
        %dma_start3A_106 = arith.constant 0 : i32
        %dma_start3A_107 = tpu.memref_slice %arg2[%dma_start3A_105, %dma_start3A_106] : memref<10112x128xf32, #tpu.memory_space<hbm>> -> memref<10112x128xf32, #tpu.memory_space<hbm>>
        tpu.enqueue_indirect_dma source(%dma_start3A_107 : memref<10112x128xf32, #tpu.memory_space<hbm>>) target(%arg9 : memref<128x128xf32, #tpu.memory_space<vmem>>) offsets(%dma_start3A_104 : memref<128xi32, #tpu.memory_space<vmem>>) semaphore(%arg12 : memref<!tpu.dma_semaphore, #tpu.memory_space<semaphore_mem>>)
      } else {
      }
      %add3A_92 = arith.constant 1 : i32
      %add3A_93 = arith.addi %add3A_49, %add3A_92 : i32
      %dma_start3A_94 = arith.constant 0 : i32
      %dma_start3A_95 = tpu.memref_slice %arg8[%add3A_93, %dma_start3A_94] : memref<40x128xi32, #tpu.memory_space<vmem>> -> memref<1x128xi32, #tpu.memory_space<vmem>>
      %dma_start3A_96 = tpu.memref_squeeze %dma_start3A_95 : memref<1x128xi32, #tpu.memory_space<vmem>> -> memref<128xi32, #tpu.memory_space<vmem>>
      %dma_start3A_97 = arith.constant 0 : i32
      %dma_start3A_98 = arith.constant 0 : i32
      %dma_start3A_99 = tpu.memref_slice %arg11[%dma_start3A_97, %dma_start3A_98] : memref<10112x128xf32, #tpu.memory_space<vmem_shared>> -> memref<10112x128xf32, #tpu.memory_space<vmem_shared>>
      tpu.enqueue_indirect_dma source(%arg10 : memref<128x128xf32, #tpu.memory_space<vmem>>) target(%dma_start3A_99 : memref<10112x128xf32, #tpu.memory_space<vmem_shared>>) offsets(%dma_start3A_96 : memref<128xi32, #tpu.memory_space<vmem>>) semaphore(%arg15 : memref<!tpu.dma_semaphore, #tpu.memory_space<semaphore_mem>>) {add = true}
    }
    %scan3A_14 = arith.constant 20 : i32
    %dma_wait3A = arith.constant 0 : i32
    %dma_wait3A_15 = arith.constant 0 : i32
    %dma_wait3A_16 = tpu.memref_slice %arg8[%dma_wait3A, %dma_wait3A_15] : memref<40x128xi32, #tpu.memory_space<vmem>> -> memref<1x128xi32, #tpu.memory_space<vmem>>
    %dma_wait3A_17 = tpu.memref_squeeze %dma_wait3A_16 : memref<1x128xi32, #tpu.memory_space<vmem>> -> memref<128xi32, #tpu.memory_space<vmem>>
    %dma_wait3A_18 = arith.constant 0 : i32
    %dma_wait3A_19 = arith.constant 0 : i32
    %dma_wait3A_20 = tpu.memref_slice %arg11[%dma_wait3A_18, %dma_wait3A_19] : memref<10112x128xf32, #tpu.memory_space<vmem_shared>> -> memref<10112x128xf32, #tpu.memory_space<vmem_shared>>
    tpu.wait_indirect_dma semaphore(%arg15 : memref<!tpu.dma_semaphore, #tpu.memory_space<semaphore_mem>>) src(%arg10 : memref<128x128xf32, #tpu.memory_space<vmem>>) dst(%dma_wait3A_20 : memref<10112x128xf32, #tpu.memory_space<vmem_shared>>)
    "tpu.region"() ({
      %run_scoped3A = tpu.sem_alloc : memref<!tpu.dma_semaphore, #tpu.memory_space<semaphore_mem>>
      %dma_start3A_45 = arith.constant 0 : i32
      %dma_start3A_46 = arith.constant 0 : i32
      %dma_start3A_47 = tpu.memref_slice %arg3[%add3A, %dma_start3A_45, %dma_start3A_46] : memref<32x80x128xi32, #tpu.memory_space<hbm>> -> memref<1x80x128xi32, #tpu.memory_space<hbm>>
      %dma_start3A_48 = tpu.memref_squeeze %dma_start3A_47 : memref<1x80x128xi32, #tpu.memory_space<hbm>> -> memref<80x128xi32, #tpu.memory_space<hbm>>
      %dma_start3A_49 = arith.constant 40 : i32
      %dma_start3A_50 = arith.constant 0 : i32
      %dma_start3A_51 = tpu.memref_slice %dma_start3A_48[%dma_start3A_49, %dma_start3A_50] : memref<80x128xi32, #tpu.memory_space<hbm>> -> memref<40x128xi32, #tpu.memory_space<hbm>>
      %dma_start3A_52 = arith.constant 0 : i32
      %dma_start3A_53 = arith.constant 0 : i32
      %dma_start3A_54 = tpu.memref_slice %arg3[%add3A, %dma_start3A_52, %dma_start3A_53] : memref<32x80x128xi32, #tpu.memory_space<hbm>> -> memref<1x80x128xi32, #tpu.memory_space<hbm>>
      %dma_start3A_55 = tpu.memref_squeeze %dma_start3A_54 : memref<1x80x128xi32, #tpu.memory_space<hbm>> -> memref<80x128xi32, #tpu.memory_space<hbm>>
      %dma_start3A_56 = arith.constant 40 : i32
      %dma_start3A_57 = arith.constant 0 : i32
      %dma_start3A_58 = tpu.memref_slice %dma_start3A_55[%dma_start3A_56, %dma_start3A_57] : memref<80x128xi32, #tpu.memory_space<hbm>> -> memref<40x128xi32, #tpu.memory_space<hbm>>
      tpu.enqueue_dma source(%dma_start3A_58 : memref<40x128xi32, #tpu.memory_space<hbm>>) target(%arg7 : memref<40x128xi32, #tpu.memory_space<vmem>>) target_semaphore(%run_scoped3A : memref<!tpu.dma_semaphore, #tpu.memory_space<semaphore_mem>>)
      %dma_wait3A_59 = arith.constant 0 : i32
      %dma_wait3A_60 = arith.constant 0 : i32
      %dma_wait3A_61 = tpu.memref_slice %arg3[%add3A, %dma_wait3A_59, %dma_wait3A_60] : memref<32x80x128xi32, #tpu.memory_space<hbm>> -> memref<1x80x128xi32, #tpu.memory_space<hbm>>
      %dma_wait3A_62 = tpu.memref_squeeze %dma_wait3A_61 : memref<1x80x128xi32, #tpu.memory_space<hbm>> -> memref<80x128xi32, #tpu.memory_space<hbm>>
      %dma_wait3A_63 = arith.constant 40 : i32
      %dma_wait3A_64 = arith.constant 0 : i32
      %dma_wait3A_65 = tpu.memref_slice %dma_wait3A_62[%dma_wait3A_63, %dma_wait3A_64] : memref<80x128xi32, #tpu.memory_space<hbm>> -> memref<40x128xi32, #tpu.memory_space<hbm>>
      %dma_wait3A_66 = arith.constant 0 : i32
      %dma_wait3A_67 = arith.constant 0 : i32
      %dma_wait3A_68 = tpu.memref_slice %arg3[%add3A, %dma_wait3A_66, %dma_wait3A_67] : memref<32x80x128xi32, #tpu.memory_space<hbm>> -> memref<1x80x128xi32, #tpu.memory_space<hbm>>
      %dma_wait3A_69 = tpu.memref_squeeze %dma_wait3A_68 : memref<1x80x128xi32, #tpu.memory_space<hbm>> -> memref<80x128xi32, #tpu.memory_space<hbm>>
      %dma_wait3A_70 = arith.constant 40 : i32
      %dma_wait3A_71 = arith.constant 0 : i32
      %dma_wait3A_72 = tpu.memref_slice %dma_wait3A_69[%dma_wait3A_70, %dma_wait3A_71] : memref<80x128xi32, #tpu.memory_space<hbm>> -> memref<40x128xi32, #tpu.memory_space<hbm>>
      tpu.wait_dma2 semaphore(%run_scoped3A : memref<!tpu.dma_semaphore, #tpu.memory_space<semaphore_mem>>) src(%dma_wait3A_72 : memref<40x128xi32, #tpu.memory_space<hbm>>) dst(%arg7 : memref<40x128xi32, #tpu.memory_space<vmem>>)
      tpu.yield
    }) : () -> ()
    "tpu.region"() ({
      %run_scoped3A = tpu.sem_alloc : memref<!tpu.dma_semaphore, #tpu.memory_space<semaphore_mem>>
      %dma_start3A_45 = arith.constant 0 : i32
      %dma_start3A_46 = arith.constant 0 : i32
      %dma_start3A_47 = tpu.memref_slice %arg4[%add3A, %dma_start3A_45, %dma_start3A_46] : memref<32x80x128xi32, #tpu.memory_space<hbm>> -> memref<1x80x128xi32, #tpu.memory_space<hbm>>
      %dma_start3A_48 = tpu.memref_squeeze %dma_start3A_47 : memref<1x80x128xi32, #tpu.memory_space<hbm>> -> memref<80x128xi32, #tpu.memory_space<hbm>>
      %dma_start3A_49 = arith.constant 40 : i32
      %dma_start3A_50 = arith.constant 0 : i32
      %dma_start3A_51 = tpu.memref_slice %dma_start3A_48[%dma_start3A_49, %dma_start3A_50] : memref<80x128xi32, #tpu.memory_space<hbm>> -> memref<40x128xi32, #tpu.memory_space<hbm>>
      %dma_start3A_52 = arith.constant 0 : i32
      %dma_start3A_53 = arith.constant 0 : i32
      %dma_start3A_54 = tpu.memref_slice %arg4[%add3A, %dma_start3A_52, %dma_start3A_53] : memref<32x80x128xi32, #tpu.memory_space<hbm>> -> memref<1x80x128xi32, #tpu.memory_space<hbm>>
      %dma_start3A_55 = tpu.memref_squeeze %dma_start3A_54 : memref<1x80x128xi32, #tpu.memory_space<hbm>> -> memref<80x128xi32, #tpu.memory_space<hbm>>
      %dma_start3A_56 = arith.constant 40 : i32
      %dma_start3A_57 = arith.constant 0 : i32
      %dma_start3A_58 = tpu.memref_slice %dma_start3A_55[%dma_start3A_56, %dma_start3A_57] : memref<80x128xi32, #tpu.memory_space<hbm>> -> memref<40x128xi32, #tpu.memory_space<hbm>>
      tpu.enqueue_dma source(%dma_start3A_58 : memref<40x128xi32, #tpu.memory_space<hbm>>) target(%arg8 : memref<40x128xi32, #tpu.memory_space<vmem>>) target_semaphore(%run_scoped3A : memref<!tpu.dma_semaphore, #tpu.memory_space<semaphore_mem>>)
      %dma_wait3A_59 = arith.constant 0 : i32
      %dma_wait3A_60 = arith.constant 0 : i32
      %dma_wait3A_61 = tpu.memref_slice %arg4[%add3A, %dma_wait3A_59, %dma_wait3A_60] : memref<32x80x128xi32, #tpu.memory_space<hbm>> -> memref<1x80x128xi32, #tpu.memory_space<hbm>>
      %dma_wait3A_62 = tpu.memref_squeeze %dma_wait3A_61 : memref<1x80x128xi32, #tpu.memory_space<hbm>> -> memref<80x128xi32, #tpu.memory_space<hbm>>
      %dma_wait3A_63 = arith.constant 40 : i32
      %dma_wait3A_64 = arith.constant 0 : i32
      %dma_wait3A_65 = tpu.memref_slice %dma_wait3A_62[%dma_wait3A_63, %dma_wait3A_64] : memref<80x128xi32, #tpu.memory_space<hbm>> -> memref<40x128xi32, #tpu.memory_space<hbm>>
      %dma_wait3A_66 = arith.constant 0 : i32
      %dma_wait3A_67 = arith.constant 0 : i32
      %dma_wait3A_68 = tpu.memref_slice %arg4[%add3A, %dma_wait3A_66, %dma_wait3A_67] : memref<32x80x128xi32, #tpu.memory_space<hbm>> -> memref<1x80x128xi32, #tpu.memory_space<hbm>>
      %dma_wait3A_69 = tpu.memref_squeeze %dma_wait3A_68 : memref<1x80x128xi32, #tpu.memory_space<hbm>> -> memref<80x128xi32, #tpu.memory_space<hbm>>
      %dma_wait3A_70 = arith.constant 40 : i32
      %dma_wait3A_71 = arith.constant 0 : i32
      %dma_wait3A_72 = tpu.memref_slice %dma_wait3A_69[%dma_wait3A_70, %dma_wait3A_71] : memref<80x128xi32, #tpu.memory_space<hbm>> -> memref<40x128xi32, #tpu.memory_space<hbm>>
      tpu.wait_dma2 semaphore(%run_scoped3A : memref<!tpu.dma_semaphore, #tpu.memory_space<semaphore_mem>>) src(%dma_wait3A_72 : memref<40x128xi32, #tpu.memory_space<hbm>>) dst(%arg8 : memref<40x128xi32, #tpu.memory_space<vmem>>)
      tpu.yield
    }) : () -> ()
    %dma_start3A_21 = arith.constant 0 : i32
    %dma_start3A_22 = arith.constant 0 : i32
    %dma_start3A_23 = tpu.memref_slice %arg7[%dma_start3A_21, %dma_start3A_22] : memref<40x128xi32, #tpu.memory_space<vmem>> -> memref<1x128xi32, #tpu.memory_space<vmem>>
    %dma_start3A_24 = tpu.memref_squeeze %dma_start3A_23 : memref<1x128xi32, #tpu.memory_space<vmem>> -> memref<128xi32, #tpu.memory_space<vmem>>
    %dma_start3A_25 = arith.constant 0 : i32
    %dma_start3A_26 = arith.constant 0 : i32
    %dma_start3A_27 = tpu.memref_slice %arg2[%dma_start3A_25, %dma_start3A_26] : memref<10112x128xf32, #tpu.memory_space<hbm>> -> memref<10112x128xf32, #tpu.memory_space<hbm>>
    tpu.enqueue_indirect_dma source(%dma_start3A_27 : memref<10112x128xf32, #tpu.memory_space<hbm>>) target(%arg9 : memref<128x128xf32, #tpu.memory_space<vmem>>) offsets(%dma_start3A_24 : memref<128xi32, #tpu.memory_space<vmem>>) semaphore(%arg12 : memref<!tpu.dma_semaphore, #tpu.memory_space<semaphore_mem>>)
    %scan3A_28 = arith.constant 0 : i32
    %scan3A_29 = arith.constant 20 : i32
    %scan3A_30 = arith.addi %scan3A_28, %scan3A_29 : i32
    %scan3A_31 = arith.constant 1 : i32
    scf.for %scan3A_45 = %scan3A_28 to %scan3A_30 step %scan3A_31  : i32 {
      %mul3A_46 = arith.constant 2 : i32
      %mul3A_47 = arith.muli %scan3A_45, %mul3A_46 : i32
      %add3A_48 = arith.constant 0 : i32
      %add3A_49 = arith.addi %add3A_48, %mul3A_47 : i32
      %dma_wait3A_50 = arith.constant 0 : i32
      %dma_wait3A_51 = tpu.memref_slice %arg7[%add3A_49, %dma_wait3A_50] : memref<40x128xi32, #tpu.memory_space<vmem>> -> memref<1x128xi32, #tpu.memory_space<vmem>>
      %dma_wait3A_52 = tpu.memref_squeeze %dma_wait3A_51 : memref<1x128xi32, #tpu.memory_space<vmem>> -> memref<128xi32, #tpu.memory_space<vmem>>
      %dma_wait3A_53 = arith.constant 0 : i32
      %dma_wait3A_54 = arith.constant 0 : i32
      %dma_wait3A_55 = tpu.memref_slice %arg2[%dma_wait3A_53, %dma_wait3A_54] : memref<10112x128xf32, #tpu.memory_space<hbm>> -> memref<10112x128xf32, #tpu.memory_space<hbm>>
      tpu.wait_indirect_dma semaphore(%arg12 : memref<!tpu.dma_semaphore, #tpu.memory_space<semaphore_mem>>) src(%dma_wait3A_55 : memref<10112x128xf32, #tpu.memory_space<hbm>>) dst(%arg9 : memref<128x128xf32, #tpu.memory_space<vmem>>)
      %gt3A = arith.constant 0 : i32
      %gt3A_56 = arith.cmpi sgt, %add3A_49, %gt3A : i32
      %convert_element_type3A = arith.extui %gt3A_56 : i1 to i32
      %cond3A = arith.constant 0 : i32
      %cond3A_57 = arith.cmpi ne, %convert_element_type3A, %cond3A : i32
      scf.if %cond3A_57 {
        %dma_wait3A_100 = arith.constant 0 : i32
        %dma_wait3A_101 = tpu.memref_slice %arg8[%add3A_49, %dma_wait3A_100] : memref<40x128xi32, #tpu.memory_space<vmem>> -> memref<1x128xi32, #tpu.memory_space<vmem>>
        %dma_wait3A_102 = tpu.memref_squeeze %dma_wait3A_101 : memref<1x128xi32, #tpu.memory_space<vmem>> -> memref<128xi32, #tpu.memory_space<vmem>>
        %dma_wait3A_103 = arith.constant 0 : i32
        %dma_wait3A_104 = arith.constant 0 : i32
        %dma_wait3A_105 = tpu.memref_slice %arg11[%dma_wait3A_103, %dma_wait3A_104] : memref<10112x128xf32, #tpu.memory_space<vmem_shared>> -> memref<10112x128xf32, #tpu.memory_space<vmem_shared>>
        tpu.wait_indirect_dma semaphore(%arg15 : memref<!tpu.dma_semaphore, #tpu.memory_space<semaphore_mem>>) src(%arg10 : memref<128x128xf32, #tpu.memory_space<vmem>>) dst(%dma_wait3A_105 : memref<10112x128xf32, #tpu.memory_space<vmem_shared>>)
      } else {
      }
      %add3A_58 = arith.constant 1 : i32
      %add3A_59 = arith.addi %add3A_49, %add3A_58 : i32
      %dma_start3A_60 = arith.constant 0 : i32
      %dma_start3A_61 = tpu.memref_slice %arg7[%add3A_59, %dma_start3A_60] : memref<40x128xi32, #tpu.memory_space<vmem>> -> memref<1x128xi32, #tpu.memory_space<vmem>>
      %dma_start3A_62 = tpu.memref_squeeze %dma_start3A_61 : memref<1x128xi32, #tpu.memory_space<vmem>> -> memref<128xi32, #tpu.memory_space<vmem>>
      %dma_start3A_63 = arith.constant 0 : i32
      %dma_start3A_64 = arith.constant 0 : i32
      %dma_start3A_65 = tpu.memref_slice %arg2[%dma_start3A_63, %dma_start3A_64] : memref<10112x128xf32, #tpu.memory_space<hbm>> -> memref<10112x128xf32, #tpu.memory_space<hbm>>
      tpu.enqueue_indirect_dma source(%dma_start3A_65 : memref<10112x128xf32, #tpu.memory_space<hbm>>) target(%arg10 : memref<128x128xf32, #tpu.memory_space<vmem>>) offsets(%dma_start3A_62 : memref<128xi32, #tpu.memory_space<vmem>>) semaphore(%arg13 : memref<!tpu.dma_semaphore, #tpu.memory_space<semaphore_mem>>)
      %dma_start3A_66 = arith.constant 0 : i32
      %dma_start3A_67 = tpu.memref_slice %arg8[%add3A_49, %dma_start3A_66] : memref<40x128xi32, #tpu.memory_space<vmem>> -> memref<1x128xi32, #tpu.memory_space<vmem>>
      %dma_start3A_68 = tpu.memref_squeeze %dma_start3A_67 : memref<1x128xi32, #tpu.memory_space<vmem>> -> memref<128xi32, #tpu.memory_space<vmem>>
      %dma_start3A_69 = arith.constant 0 : i32
      %dma_start3A_70 = arith.constant 0 : i32
      %dma_start3A_71 = tpu.memref_slice %arg11[%dma_start3A_69, %dma_start3A_70] : memref<10112x128xf32, #tpu.memory_space<vmem_shared>> -> memref<10112x128xf32, #tpu.memory_space<vmem_shared>>
      tpu.enqueue_indirect_dma source(%arg9 : memref<128x128xf32, #tpu.memory_space<vmem>>) target(%dma_start3A_71 : memref<10112x128xf32, #tpu.memory_space<vmem_shared>>) offsets(%dma_start3A_68 : memref<128xi32, #tpu.memory_space<vmem>>) semaphore(%arg14 : memref<!tpu.dma_semaphore, #tpu.memory_space<semaphore_mem>>) {add = true}
      %add3A_72 = arith.constant 1 : i32
      %add3A_73 = arith.addi %add3A_49, %add3A_72 : i32
      %dma_wait3A_74 = arith.constant 0 : i32
      %dma_wait3A_75 = tpu.memref_slice %arg7[%add3A_73, %dma_wait3A_74] : memref<40x128xi32, #tpu.memory_space<vmem>> -> memref<1x128xi32, #tpu.memory_space<vmem>>
      %dma_wait3A_76 = tpu.memref_squeeze %dma_wait3A_75 : memref<1x128xi32, #tpu.memory_space<vmem>> -> memref<128xi32, #tpu.memory_space<vmem>>
      %dma_wait3A_77 = arith.constant 0 : i32
      %dma_wait3A_78 = arith.constant 0 : i32
      %dma_wait3A_79 = tpu.memref_slice %arg2[%dma_wait3A_77, %dma_wait3A_78] : memref<10112x128xf32, #tpu.memory_space<hbm>> -> memref<10112x128xf32, #tpu.memory_space<hbm>>
      tpu.wait_indirect_dma semaphore(%arg13 : memref<!tpu.dma_semaphore, #tpu.memory_space<semaphore_mem>>) src(%dma_wait3A_79 : memref<10112x128xf32, #tpu.memory_space<hbm>>) dst(%arg10 : memref<128x128xf32, #tpu.memory_space<vmem>>)
      %dma_wait3A_80 = arith.constant 0 : i32
      %dma_wait3A_81 = tpu.memref_slice %arg8[%add3A_49, %dma_wait3A_80] : memref<40x128xi32, #tpu.memory_space<vmem>> -> memref<1x128xi32, #tpu.memory_space<vmem>>
      %dma_wait3A_82 = tpu.memref_squeeze %dma_wait3A_81 : memref<1x128xi32, #tpu.memory_space<vmem>> -> memref<128xi32, #tpu.memory_space<vmem>>
      %dma_wait3A_83 = arith.constant 0 : i32
      %dma_wait3A_84 = arith.constant 0 : i32
      %dma_wait3A_85 = tpu.memref_slice %arg11[%dma_wait3A_83, %dma_wait3A_84] : memref<10112x128xf32, #tpu.memory_space<vmem_shared>> -> memref<10112x128xf32, #tpu.memory_space<vmem_shared>>
      tpu.wait_indirect_dma semaphore(%arg14 : memref<!tpu.dma_semaphore, #tpu.memory_space<semaphore_mem>>) src(%arg9 : memref<128x128xf32, #tpu.memory_space<vmem>>) dst(%dma_wait3A_85 : memref<10112x128xf32, #tpu.memory_space<vmem_shared>>)
      %add3A_86 = arith.constant 2 : i32
      %add3A_87 = arith.addi %add3A_49, %add3A_86 : i32
      %lt3A = arith.constant 40 : i32
      %lt3A_88 = arith.cmpi slt, %add3A_87, %lt3A : i32
      %convert_element_type3A_89 = arith.extui %lt3A_88 : i1 to i32
      %cond3A_90 = arith.constant 0 : i32
      %cond3A_91 = arith.cmpi ne, %convert_element_type3A_89, %cond3A_90 : i32
      scf.if %cond3A_91 {
        %add3A_100 = arith.constant 2 : i32
        %add3A_101 = arith.addi %add3A_49, %add3A_100 : i32
        %dma_start3A_102 = arith.constant 0 : i32
        %dma_start3A_103 = tpu.memref_slice %arg7[%add3A_101, %dma_start3A_102] : memref<40x128xi32, #tpu.memory_space<vmem>> -> memref<1x128xi32, #tpu.memory_space<vmem>>
        %dma_start3A_104 = tpu.memref_squeeze %dma_start3A_103 : memref<1x128xi32, #tpu.memory_space<vmem>> -> memref<128xi32, #tpu.memory_space<vmem>>
        %dma_start3A_105 = arith.constant 0 : i32
        %dma_start3A_106 = arith.constant 0 : i32
        %dma_start3A_107 = tpu.memref_slice %arg2[%dma_start3A_105, %dma_start3A_106] : memref<10112x128xf32, #tpu.memory_space<hbm>> -> memref<10112x128xf32, #tpu.memory_space<hbm>>
        tpu.enqueue_indirect_dma source(%dma_start3A_107 : memref<10112x128xf32, #tpu.memory_space<hbm>>) target(%arg9 : memref<128x128xf32, #tpu.memory_space<vmem>>) offsets(%dma_start3A_104 : memref<128xi32, #tpu.memory_space<vmem>>) semaphore(%arg12 : memref<!tpu.dma_semaphore, #tpu.memory_space<semaphore_mem>>)
      } else {
      }
      %add3A_92 = arith.constant 1 : i32
      %add3A_93 = arith.addi %add3A_49, %add3A_92 : i32
      %dma_start3A_94 = arith.constant 0 : i32
      %dma_start3A_95 = tpu.memref_slice %arg8[%add3A_93, %dma_start3A_94] : memref<40x128xi32, #tpu.memory_space<vmem>> -> memref<1x128xi32, #tpu.memory_space<vmem>>
      %dma_start3A_96 = tpu.memref_squeeze %dma_start3A_95 : memref<1x128xi32, #tpu.memory_space<vmem>> -> memref<128xi32, #tpu.memory_space<vmem>>
      %dma_start3A_97 = arith.constant 0 : i32
      %dma_start3A_98 = arith.constant 0 : i32
      %dma_start3A_99 = tpu.memref_slice %arg11[%dma_start3A_97, %dma_start3A_98] : memref<10112x128xf32, #tpu.memory_space<vmem_shared>> -> memref<10112x128xf32, #tpu.memory_space<vmem_shared>>
      tpu.enqueue_indirect_dma source(%arg10 : memref<128x128xf32, #tpu.memory_space<vmem>>) target(%dma_start3A_99 : memref<10112x128xf32, #tpu.memory_space<vmem_shared>>) offsets(%dma_start3A_96 : memref<128xi32, #tpu.memory_space<vmem>>) semaphore(%arg15 : memref<!tpu.dma_semaphore, #tpu.memory_space<semaphore_mem>>) {add = true}
    }
    %scan3A_32 = arith.constant 20 : i32
    %dma_wait3A_33 = arith.constant 0 : i32
    %dma_wait3A_34 = arith.constant 0 : i32
    %dma_wait3A_35 = tpu.memref_slice %arg8[%dma_wait3A_33, %dma_wait3A_34] : memref<40x128xi32, #tpu.memory_space<vmem>> -> memref<1x128xi32, #tpu.memory_space<vmem>>
    %dma_wait3A_36 = tpu.memref_squeeze %dma_wait3A_35 : memref<1x128xi32, #tpu.memory_space<vmem>> -> memref<128xi32, #tpu.memory_space<vmem>>
    %dma_wait3A_37 = arith.constant 0 : i32
    %dma_wait3A_38 = arith.constant 0 : i32
    %dma_wait3A_39 = tpu.memref_slice %arg11[%dma_wait3A_37, %dma_wait3A_38] : memref<10112x128xf32, #tpu.memory_space<vmem_shared>> -> memref<10112x128xf32, #tpu.memory_space<vmem_shared>>
    tpu.wait_indirect_dma semaphore(%arg15 : memref<!tpu.dma_semaphore, #tpu.memory_space<semaphore_mem>>) src(%arg10 : memref<128x128xf32, #tpu.memory_space<vmem>>) dst(%dma_wait3A_39 : memref<10112x128xf32, #tpu.memory_space<vmem_shared>>)
    %barrier3A_40 = arith.constant 0 : index
    tpu.barrier barrier_id(%barrier3A_40)
    %mul3A_41 = arith.constant 632 : i32
    %mul3A_42 = arith.muli %arg1, %mul3A_41 : i32
    %mul3A_43 = arith.constant 632 : i32
    %mul3A_44 = arith.muli %arg1, %mul3A_43 : i32
    "tpu.region"() ({
      %run_scoped3A = tpu.sem_alloc : memref<!tpu.dma_semaphore, #tpu.memory_space<semaphore_mem>>
      %dma_start3A_45 = arith.constant 0 : i32
      %dma_start3A_46 = arith.constant 0 : i32
      %dma_start3A_47 = tpu.memref_slice %arg6[%arg0, %dma_start3A_45, %dma_start3A_46] : memref<2x10112x128xf32, #tpu.memory_space<hbm>> -> memref<1x10112x128xf32, #tpu.memory_space<hbm>>
      %dma_start3A_48 = tpu.memref_squeeze %dma_start3A_47 : memref<1x10112x128xf32, #tpu.memory_space<hbm>> -> memref<10112x128xf32, #tpu.memory_space<hbm>>
      %dma_start3A_49 = arith.constant 0 : i32
      %dma_start3A_50 = tpu.memref_slice %dma_start3A_48[%mul3A_44, %dma_start3A_49] : memref<10112x128xf32, #tpu.memory_space<hbm>> -> memref<632x128xf32, #tpu.memory_space<hbm>>
      %dma_start3A_51 = arith.constant 0 : i32
      %dma_start3A_52 = tpu.memref_slice %arg11[%mul3A_42, %dma_start3A_51] : memref<10112x128xf32, #tpu.memory_space<vmem_shared>> -> memref<632x128xf32, #tpu.memory_space<vmem_shared>>
      tpu.enqueue_dma source(%dma_start3A_52 : memref<632x128xf32, #tpu.memory_space<vmem_shared>>) target(%dma_start3A_50 : memref<632x128xf32, #tpu.memory_space<hbm>>) target_semaphore(%run_scoped3A : memref<!tpu.dma_semaphore, #tpu.memory_space<semaphore_mem>>)
      %dma_wait3A_53 = arith.constant 0 : i32
      %dma_wait3A_54 = arith.constant 0 : i32
      %dma_wait3A_55 = tpu.memref_slice %arg6[%arg0, %dma_wait3A_53, %dma_wait3A_54] : memref<2x10112x128xf32, #tpu.memory_space<hbm>> -> memref<1x10112x128xf32, #tpu.memory_space<hbm>>
      %dma_wait3A_56 = tpu.memref_squeeze %dma_wait3A_55 : memref<1x10112x128xf32, #tpu.memory_space<hbm>> -> memref<10112x128xf32, #tpu.memory_space<hbm>>
      %dma_wait3A_57 = arith.constant 0 : i32
      %dma_wait3A_58 = tpu.memref_slice %dma_wait3A_56[%mul3A_44, %dma_wait3A_57] : memref<10112x128xf32, #tpu.memory_space<hbm>> -> memref<632x128xf32, #tpu.memory_space<hbm>>
      %dma_wait3A_59 = arith.constant 0 : i32
      %dma_wait3A_60 = tpu.memref_slice %arg11[%mul3A_42, %dma_wait3A_59] : memref<10112x128xf32, #tpu.memory_space<vmem_shared>> -> memref<632x128xf32, #tpu.memory_space<vmem_shared>>
      tpu.wait_dma2 semaphore(%run_scoped3A : memref<!tpu.dma_semaphore, #tpu.memory_space<semaphore_mem>>) src(%dma_wait3A_60 : memref<632x128xf32, #tpu.memory_space<vmem_shared>>) dst(%dma_wait3A_58 : memref<632x128xf32, #tpu.memory_space<hbm>>)
      tpu.yield
    }) : () -> ()
    return
  }
}

#map = affine_map<(d0, d1) -> (0, 0, 0)>
#map1 = affine_map<(d0, d1) -> (0, 0)>
module attributes {stable_mosaic.version = 14 : i64} {
  func.func @k(%arg0: i32, %arg1: i32, %arg2: memref<32x80x128xi32, #tpu.memory_space<hbm>>, %arg3: memref<32x10112xf32, #tpu.memory_space<hbm>>, %arg4: memref<80x128xi32, #tpu.memory_space<vmem>>, %arg5: memref<10112xf32, #tpu.memory_space<vmem>>) attributes {dimension_semantics = [#tpu.dimension_semantics<core_parallel>, #tpu.dimension_semantics<subcore_parallel>], iteration_bounds = array<i64: 2, 16>, scalar_prefetch = 0 : i64, scratch_operands = 2 : i64, tpu.core_type = #tpu.core_type<sc_vector_subcore>, window_params = [{transform_indices = #map}, {transform_indices = #map1}]} {
    %mul3A = arith.constant 16 : i32
    %mul3A_0 = arith.muli %arg0, %mul3A : i32
    %add3A = arith.addi %mul3A_0, %arg1 : i32
    "tpu.region"() ({
      %run_scoped3A = tpu.sem_alloc : memref<!tpu.dma_semaphore, #tpu.memory_space<semaphore_mem>>
      %dma_start3A = arith.constant 0 : i32
      %dma_start3A_11 = arith.constant 0 : i32
      %dma_start3A_12 = tpu.memref_slice %arg2[%add3A, %dma_start3A, %dma_start3A_11] : memref<32x80x128xi32, #tpu.memory_space<hbm>> -> memref<1x80x128xi32, #tpu.memory_space<hbm>>
      %dma_start3A_13 = tpu.memref_squeeze %dma_start3A_12 : memref<1x80x128xi32, #tpu.memory_space<hbm>> -> memref<80x128xi32, #tpu.memory_space<hbm>>
      %dma_start3A_14 = arith.constant 0 : i32
      %dma_start3A_15 = arith.constant 0 : i32
      %dma_start3A_16 = tpu.memref_slice %arg2[%add3A, %dma_start3A_14, %dma_start3A_15] : memref<32x80x128xi32, #tpu.memory_space<hbm>> -> memref<1x80x128xi32, #tpu.memory_space<hbm>>
      %dma_start3A_17 = tpu.memref_squeeze %dma_start3A_16 : memref<1x80x128xi32, #tpu.memory_space<hbm>> -> memref<80x128xi32, #tpu.memory_space<hbm>>
      tpu.enqueue_dma source(%dma_start3A_17 : memref<80x128xi32, #tpu.memory_space<hbm>>) target(%arg4 : memref<80x128xi32, #tpu.memory_space<vmem>>) target_semaphore(%run_scoped3A : memref<!tpu.dma_semaphore, #tpu.memory_space<semaphore_mem>>)
      %dma_wait3A = arith.constant 0 : i32
      %dma_wait3A_18 = arith.constant 0 : i32
      %dma_wait3A_19 = tpu.memref_slice %arg2[%add3A, %dma_wait3A, %dma_wait3A_18] : memref<32x80x128xi32, #tpu.memory_space<hbm>> -> memref<1x80x128xi32, #tpu.memory_space<hbm>>
      %dma_wait3A_20 = tpu.memref_squeeze %dma_wait3A_19 : memref<1x80x128xi32, #tpu.memory_space<hbm>> -> memref<80x128xi32, #tpu.memory_space<hbm>>
      %dma_wait3A_21 = arith.constant 0 : i32
      %dma_wait3A_22 = arith.constant 0 : i32
      %dma_wait3A_23 = tpu.memref_slice %arg2[%add3A, %dma_wait3A_21, %dma_wait3A_22] : memref<32x80x128xi32, #tpu.memory_space<hbm>> -> memref<1x80x128xi32, #tpu.memory_space<hbm>>
      %dma_wait3A_24 = tpu.memref_squeeze %dma_wait3A_23 : memref<1x80x128xi32, #tpu.memory_space<hbm>> -> memref<80x128xi32, #tpu.memory_space<hbm>>
      tpu.wait_dma2 semaphore(%run_scoped3A : memref<!tpu.dma_semaphore, #tpu.memory_space<semaphore_mem>>) src(%dma_wait3A_24 : memref<80x128xi32, #tpu.memory_space<hbm>>) dst(%arg4 : memref<80x128xi32, #tpu.memory_space<vmem>>)
      tpu.yield
    }) : () -> ()
    %scan3A = arith.constant 0 : i32
    %scan3A_1 = arith.constant 632 : i32
    %scan3A_2 = arith.addi %scan3A, %scan3A_1 : i32
    %scan3A_3 = arith.constant 1 : i32
    scf.for %scan3A_11 = %scan3A to %scan3A_2 step %scan3A_3  : i32 {
      %mul3A_12 = arith.constant 16 : i32
      %mul3A_13 = arith.muli %scan3A_11, %mul3A_12 : i32
      %add3A_14 = arith.constant 0 : i32
      %add3A_15 = arith.addi %add3A_14, %mul3A_13 : i32
      %broadcast_in_dim3A_16 = arith.constant 0.000000e+00 : f32
      %broadcast_in_dim3A_17 = vector.broadcast %broadcast_in_dim3A_16 : f32 to vector<16xf32>
      %swap3A = arith.index_cast %add3A_15 : i32 to index
      %swap3A_18 = tpu.vector_load %arg5[%swap3A] {strides = array<i32>} : memref<10112xf32, #tpu.memory_space<vmem>>, vector<16xf32>,
      tpu.vector_store %arg5[%swap3A], %broadcast_in_dim3A_17 {strides = array<i32>} : memref<10112xf32, #tpu.memory_space<vmem>>, vector<16xf32>,
    }
    %scan3A_4 = arith.constant 632 : i32
    %broadcast_in_dim3A = arith.constant 1.000000e+00 : f32
    %broadcast_in_dim3A_5 = vector.broadcast %broadcast_in_dim3A : f32 to vector<16xf32>
    %scan3A_6 = arith.constant 0 : i32
    %scan3A_7 = arith.constant 80 : i32
    %scan3A_8 = arith.addi %scan3A_6, %scan3A_7 : i32
    %scan3A_9 = arith.constant 1 : i32
    scf.for %scan3A_11 = %scan3A_6 to %scan3A_8 step %scan3A_9  : i32 {
      %mul3A_12 = arith.constant 1 : i32
      %mul3A_13 = arith.muli %scan3A_11, %mul3A_12 : i32
      %add3A_14 = arith.constant 0 : i32
      %add3A_15 = arith.addi %add3A_14, %mul3A_13 : i32
      %get3A = arith.index_cast %add3A_15 : i32 to index
      %get3A_16 = arith.constant 0 : index
      %get3A_17 = tpu.vector_load %arg4[%get3A, %get3A_16] {strides = array<i32>} : memref<80x128xi32, #tpu.memory_space<vmem>>, vector<16xi32>,
      tpu.vector_store_idx %arg5[%get3A_17], %broadcast_in_dim3A_5 {add = true} : memref<10112xf32, #tpu.memory_space<vmem>>[vector<16xi32>], vector<16xf32>,
      %get3A_18 = arith.index_cast %add3A_15 : i32 to index
      %get3A_19 = arith.constant 16 : index
      %get3A_20 = tpu.vector_load %arg4[%get3A_18, %get3A_19] {strides = array<i32>} : memref<80x128xi32, #tpu.memory_space<vmem>>, vector<16xi32>,
      tpu.vector_store_idx %arg5[%get3A_20], %broadcast_in_dim3A_5 {add = true} : memref<10112xf32, #tpu.memory_space<vmem>>[vector<16xi32>], vector<16xf32>,
      %get3A_21 = arith.index_cast %add3A_15 : i32 to index
      %get3A_22 = arith.constant 32 : index
      %get3A_23 = tpu.vector_load %arg4[%get3A_21, %get3A_22] {strides = array<i32>} : memref<80x128xi32, #tpu.memory_space<vmem>>, vector<16xi32>,
      tpu.vector_store_idx %arg5[%get3A_23], %broadcast_in_dim3A_5 {add = true} : memref<10112xf32, #tpu.memory_space<vmem>>[vector<16xi32>], vector<16xf32>,
      %get3A_24 = arith.index_cast %add3A_15 : i32 to index
      %get3A_25 = arith.constant 48 : index
      %get3A_26 = tpu.vector_load %arg4[%get3A_24, %get3A_25] {strides = array<i32>} : memref<80x128xi32, #tpu.memory_space<vmem>>, vector<16xi32>,
      tpu.vector_store_idx %arg5[%get3A_26], %broadcast_in_dim3A_5 {add = true} : memref<10112xf32, #tpu.memory_space<vmem>>[vector<16xi32>], vector<16xf32>,
      %get3A_27 = arith.index_cast %add3A_15 : i32 to index
      %get3A_28 = arith.constant 64 : index
      %get3A_29 = tpu.vector_load %arg4[%get3A_27, %get3A_28] {strides = array<i32>} : memref<80x128xi32, #tpu.memory_space<vmem>>, vector<16xi32>,
      tpu.vector_store_idx %arg5[%get3A_29], %broadcast_in_dim3A_5 {add = true} : memref<10112xf32, #tpu.memory_space<vmem>>[vector<16xi32>], vector<16xf32>,
      %get3A_30 = arith.index_cast %add3A_15 : i32 to index
      %get3A_31 = arith.constant 80 : index
      %get3A_32 = tpu.vector_load %arg4[%get3A_30, %get3A_31] {strides = array<i32>} : memref<80x128xi32, #tpu.memory_space<vmem>>, vector<16xi32>,
      tpu.vector_store_idx %arg5[%get3A_32], %broadcast_in_dim3A_5 {add = true} : memref<10112xf32, #tpu.memory_space<vmem>>[vector<16xi32>], vector<16xf32>,
      %get3A_33 = arith.index_cast %add3A_15 : i32 to index
      %get3A_34 = arith.constant 96 : index
      %get3A_35 = tpu.vector_load %arg4[%get3A_33, %get3A_34] {strides = array<i32>} : memref<80x128xi32, #tpu.memory_space<vmem>>, vector<16xi32>,
      tpu.vector_store_idx %arg5[%get3A_35], %broadcast_in_dim3A_5 {add = true} : memref<10112xf32, #tpu.memory_space<vmem>>[vector<16xi32>], vector<16xf32>,
      %get3A_36 = arith.index_cast %add3A_15 : i32 to index
      %get3A_37 = arith.constant 112 : index
      %get3A_38 = tpu.vector_load %arg4[%get3A_36, %get3A_37] {strides = array<i32>} : memref<80x128xi32, #tpu.memory_space<vmem>>, vector<16xi32>,
      tpu.vector_store_idx %arg5[%get3A_38], %broadcast_in_dim3A_5 {add = true} : memref<10112xf32, #tpu.memory_space<vmem>>[vector<16xi32>], vector<16xf32>,
    }
    %scan3A_10 = arith.constant 80 : i32
    "tpu.region"() ({
      %run_scoped3A = tpu.sem_alloc : memref<!tpu.dma_semaphore, #tpu.memory_space<semaphore_mem>>
      %dma_start3A = arith.constant 0 : i32
      %dma_start3A_11 = tpu.memref_slice %arg3[%add3A, %dma_start3A] : memref<32x10112xf32, #tpu.memory_space<hbm>> -> memref<1x10112xf32, #tpu.memory_space<hbm>>
      %dma_start3A_12 = tpu.memref_squeeze %dma_start3A_11 : memref<1x10112xf32, #tpu.memory_space<hbm>> -> memref<10112xf32, #tpu.memory_space<hbm>>
      %dma_start3A_13 = arith.constant 0 : i32
      %dma_start3A_14 = tpu.memref_slice %arg3[%add3A, %dma_start3A_13] : memref<32x10112xf32, #tpu.memory_space<hbm>> -> memref<1x10112xf32, #tpu.memory_space<hbm>>
      %dma_start3A_15 = tpu.memref_squeeze %dma_start3A_14 : memref<1x10112xf32, #tpu.memory_space<hbm>> -> memref<10112xf32, #tpu.memory_space<hbm>>
      tpu.enqueue_dma source(%arg5 : memref<10112xf32, #tpu.memory_space<vmem>>) target(%dma_start3A_15 : memref<10112xf32, #tpu.memory_space<hbm>>) target_semaphore(%run_scoped3A : memref<!tpu.dma_semaphore, #tpu.memory_space<semaphore_mem>>)
      %dma_wait3A = arith.constant 0 : i32
      %dma_wait3A_16 = tpu.memref_slice %arg3[%add3A, %dma_wait3A] : memref<32x10112xf32, #tpu.memory_space<hbm>> -> memref<1x10112xf32, #tpu.memory_space<hbm>>
      %dma_wait3A_17 = tpu.memref_squeeze %dma_wait3A_16 : memref<1x10112xf32, #tpu.memory_space<hbm>> -> memref<10112xf32, #tpu.memory_space<hbm>>
      %dma_wait3A_18 = arith.constant 0 : i32
      %dma_wait3A_19 = tpu.memref_slice %arg3[%add3A, %dma_wait3A_18] : memref<32x10112xf32, #tpu.memory_space<hbm>> -> memref<1x10112xf32, #tpu.memory_space<hbm>>
      %dma_wait3A_20 = tpu.memref_squeeze %dma_wait3A_19 : memref<1x10112xf32, #tpu.memory_space<hbm>> -> memref<10112xf32, #tpu.memory_space<hbm>>
      tpu.wait_dma2 semaphore(%run_scoped3A : memref<!tpu.dma_semaphore, #tpu.memory_space<semaphore_mem>>) src(%arg5 : memref<10112xf32, #tpu.memory_space<vmem>>) dst(%dma_wait3A_20 : memref<10112xf32, #tpu.memory_space<hbm>>)
      tpu.yield
    }) : () -> ()
    return
  }
}

#map = affine_map<(d0, d1) -> (0, 0)>
#map1 = affine_map<(d0, d1) -> (0, 0, 0)>
module attributes {stable_mosaic.version = 14 : i64} {
  func.func @k(%arg0: i32, %arg1: i32, %arg2: memref<10112x128xf32, #tpu.memory_space<hbm>>, %arg3: memref<32x32x128xi32, #tpu.memory_space<hbm>>, %arg4: memref<32x32x128xi32, #tpu.memory_space<hbm>>, %arg5: memref<106496x128xf32, #tpu.memory_space<hbm>>, %arg6: memref<106496x128xf32, #tpu.memory_space<hbm>>, %arg7: memref<32x128xi32, #tpu.memory_space<vmem>>, %arg8: memref<32x128xi32, #tpu.memory_space<vmem>>, %arg9: memref<128x128xf32, #tpu.memory_space<vmem>>, %arg10: memref<128x128xf32, #tpu.memory_space<vmem>>, %arg11: memref<128x128xf32, #tpu.memory_space<vmem>>, %arg12: memref<128x128xf32, #tpu.memory_space<vmem>>, %arg13: memref<!tpu.dma_semaphore, #tpu.memory_space<semaphore_mem>>, %arg14: memref<!tpu.dma_semaphore, #tpu.memory_space<semaphore_mem>>, %arg15: memref<!tpu.dma_semaphore, #tpu.memory_space<semaphore_mem>>, %arg16: memref<!tpu.dma_semaphore, #tpu.memory_space<semaphore_mem>>, %arg17: memref<!tpu.dma_semaphore, #tpu.memory_space<semaphore_mem>>, %arg18: memref<!tpu.dma_semaphore, #tpu.memory_space<semaphore_mem>>, %arg19: memref<!tpu.dma_semaphore, #tpu.memory_space<semaphore_mem>>, %arg20: memref<!tpu.dma_semaphore, #tpu.memory_space<semaphore_mem>>) attributes {dimension_semantics = [#tpu.dimension_semantics<core_parallel>, #tpu.dimension_semantics<subcore_parallel>], iteration_bounds = array<i64: 2, 16>, scalar_prefetch = 0 : i64, scratch_operands = 14 : i64, tpu.core_type = #tpu.core_type<sc_vector_subcore>, window_params = [{transform_indices = #map}, {transform_indices = #map1}, {transform_indices = #map1}, {transform_indices = #map}, {transform_indices = #map}]} {
    %mul3A = arith.constant 16 : i32
    %mul3A_0 = arith.muli %arg0, %mul3A : i32
    %add3A = arith.addi %mul3A_0, %arg1 : i32
    "tpu.region"() ({
      %run_scoped3A = tpu.sem_alloc : memref<!tpu.dma_semaphore, #tpu.memory_space<semaphore_mem>>
      %dma_start3A_27 = arith.constant 0 : i32
      %dma_start3A_28 = arith.constant 0 : i32
      %dma_start3A_29 = tpu.memref_slice %arg3[%add3A, %dma_start3A_27, %dma_start3A_28] : memref<32x32x128xi32, #tpu.memory_space<hbm>> -> memref<1x32x128xi32, #tpu.memory_space<hbm>>
      %dma_start3A_30 = tpu.memref_squeeze %dma_start3A_29 : memref<1x32x128xi32, #tpu.memory_space<hbm>> -> memref<32x128xi32, #tpu.memory_space<hbm>>
      %dma_start3A_31 = arith.constant 0 : i32
      %dma_start3A_32 = arith.constant 0 : i32
      %dma_start3A_33 = tpu.memref_slice %arg3[%add3A, %dma_start3A_31, %dma_start3A_32] : memref<32x32x128xi32, #tpu.memory_space<hbm>> -> memref<1x32x128xi32, #tpu.memory_space<hbm>>
      %dma_start3A_34 = tpu.memref_squeeze %dma_start3A_33 : memref<1x32x128xi32, #tpu.memory_space<hbm>> -> memref<32x128xi32, #tpu.memory_space<hbm>>
      tpu.enqueue_dma source(%dma_start3A_34 : memref<32x128xi32, #tpu.memory_space<hbm>>) target(%arg7 : memref<32x128xi32, #tpu.memory_space<vmem>>) target_semaphore(%run_scoped3A : memref<!tpu.dma_semaphore, #tpu.memory_space<semaphore_mem>>)
      %dma_wait3A_35 = arith.constant 0 : i32
      %dma_wait3A_36 = arith.constant 0 : i32
      %dma_wait3A_37 = tpu.memref_slice %arg3[%add3A, %dma_wait3A_35, %dma_wait3A_36] : memref<32x32x128xi32, #tpu.memory_space<hbm>> -> memref<1x32x128xi32, #tpu.memory_space<hbm>>
      %dma_wait3A_38 = tpu.memref_squeeze %dma_wait3A_37 : memref<1x32x128xi32, #tpu.memory_space<hbm>> -> memref<32x128xi32, #tpu.memory_space<hbm>>
      %dma_wait3A_39 = arith.constant 0 : i32
      %dma_wait3A_40 = arith.constant 0 : i32
      %dma_wait3A_41 = tpu.memref_slice %arg3[%add3A, %dma_wait3A_39, %dma_wait3A_40] : memref<32x32x128xi32, #tpu.memory_space<hbm>> -> memref<1x32x128xi32, #tpu.memory_space<hbm>>
      %dma_wait3A_42 = tpu.memref_squeeze %dma_wait3A_41 : memref<1x32x128xi32, #tpu.memory_space<hbm>> -> memref<32x128xi32, #tpu.memory_space<hbm>>
      tpu.wait_dma2 semaphore(%run_scoped3A : memref<!tpu.dma_semaphore, #tpu.memory_space<semaphore_mem>>) src(%dma_wait3A_42 : memref<32x128xi32, #tpu.memory_space<hbm>>) dst(%arg7 : memref<32x128xi32, #tpu.memory_space<vmem>>)
      tpu.yield
    }) : () -> ()
    "tpu.region"() ({
      %run_scoped3A = tpu.sem_alloc : memref<!tpu.dma_semaphore, #tpu.memory_space<semaphore_mem>>
      %dma_start3A_27 = arith.constant 0 : i32
      %dma_start3A_28 = arith.constant 0 : i32
      %dma_start3A_29 = tpu.memref_slice %arg4[%add3A, %dma_start3A_27, %dma_start3A_28] : memref<32x32x128xi32, #tpu.memory_space<hbm>> -> memref<1x32x128xi32, #tpu.memory_space<hbm>>
      %dma_start3A_30 = tpu.memref_squeeze %dma_start3A_29 : memref<1x32x128xi32, #tpu.memory_space<hbm>> -> memref<32x128xi32, #tpu.memory_space<hbm>>
      %dma_start3A_31 = arith.constant 0 : i32
      %dma_start3A_32 = arith.constant 0 : i32
      %dma_start3A_33 = tpu.memref_slice %arg4[%add3A, %dma_start3A_31, %dma_start3A_32] : memref<32x32x128xi32, #tpu.memory_space<hbm>> -> memref<1x32x128xi32, #tpu.memory_space<hbm>>
      %dma_start3A_34 = tpu.memref_squeeze %dma_start3A_33 : memref<1x32x128xi32, #tpu.memory_space<hbm>> -> memref<32x128xi32, #tpu.memory_space<hbm>>
      tpu.enqueue_dma source(%dma_start3A_34 : memref<32x128xi32, #tpu.memory_space<hbm>>) target(%arg8 : memref<32x128xi32, #tpu.memory_space<vmem>>) target_semaphore(%run_scoped3A : memref<!tpu.dma_semaphore, #tpu.memory_space<semaphore_mem>>)
      %dma_wait3A_35 = arith.constant 0 : i32
      %dma_wait3A_36 = arith.constant 0 : i32
      %dma_wait3A_37 = tpu.memref_slice %arg4[%add3A, %dma_wait3A_35, %dma_wait3A_36] : memref<32x32x128xi32, #tpu.memory_space<hbm>> -> memref<1x32x128xi32, #tpu.memory_space<hbm>>
      %dma_wait3A_38 = tpu.memref_squeeze %dma_wait3A_37 : memref<1x32x128xi32, #tpu.memory_space<hbm>> -> memref<32x128xi32, #tpu.memory_space<hbm>>
      %dma_wait3A_39 = arith.constant 0 : i32
      %dma_wait3A_40 = arith.constant 0 : i32
      %dma_wait3A_41 = tpu.memref_slice %arg4[%add3A, %dma_wait3A_39, %dma_wait3A_40] : memref<32x32x128xi32, #tpu.memory_space<hbm>> -> memref<1x32x128xi32, #tpu.memory_space<hbm>>
      %dma_wait3A_42 = tpu.memref_squeeze %dma_wait3A_41 : memref<1x32x128xi32, #tpu.memory_space<hbm>> -> memref<32x128xi32, #tpu.memory_space<hbm>>
      tpu.wait_dma2 semaphore(%run_scoped3A : memref<!tpu.dma_semaphore, #tpu.memory_space<semaphore_mem>>) src(%dma_wait3A_42 : memref<32x128xi32, #tpu.memory_space<hbm>>) dst(%arg8 : memref<32x128xi32, #tpu.memory_space<vmem>>)
      tpu.yield
    }) : () -> ()
    %mul3A_1 = arith.constant 3328 : i32
    %mul3A_2 = arith.muli %add3A, %mul3A_1 : i32
    %dma_start3A = arith.constant 0 : i32
    %dma_start3A_3 = arith.constant 0 : i32
    %dma_start3A_4 = tpu.memref_slice %arg7[%dma_start3A, %dma_start3A_3] : memref<32x128xi32, #tpu.memory_space<vmem>> -> memref<1x128xi32, #tpu.memory_space<vmem>>
    %dma_start3A_5 = tpu.memref_squeeze %dma_start3A_4 : memref<1x128xi32, #tpu.memory_space<vmem>> -> memref<128xi32, #tpu.memory_space<vmem>>
    %dma_start3A_6 = arith.constant 0 : i32
    %dma_start3A_7 = arith.constant 0 : i32
    %dma_start3A_8 = tpu.memref_slice %arg2[%dma_start3A_6, %dma_start3A_7] : memref<10112x128xf32, #tpu.memory_space<hbm>> -> memref<10112x128xf32, #tpu.memory_space<hbm>>
    tpu.enqueue_indirect_dma source(%dma_start3A_8 : memref<10112x128xf32, #tpu.memory_space<hbm>>) target(%arg9 : memref<128x128xf32, #tpu.memory_space<vmem>>) offsets(%dma_start3A_5 : memref<128xi32, #tpu.memory_space<vmem>>) semaphore(%arg13 : memref<!tpu.dma_semaphore, #tpu.memory_space<semaphore_mem>>)
    %dma_start3A_9 = arith.constant 0 : i32
    %dma_start3A_10 = arith.constant 0 : i32
    %dma_start3A_11 = tpu.memref_slice %arg8[%dma_start3A_9, %dma_start3A_10] : memref<32x128xi32, #tpu.memory_space<vmem>> -> memref<1x128xi32, #tpu.memory_space<vmem>>
    %dma_start3A_12 = tpu.memref_squeeze %dma_start3A_11 : memref<1x128xi32, #tpu.memory_space<vmem>> -> memref<128xi32, #tpu.memory_space<vmem>>
    %dma_start3A_13 = arith.constant 0 : i32
    %dma_start3A_14 = arith.constant 0 : i32
    %dma_start3A_15 = tpu.memref_slice %arg2[%dma_start3A_13, %dma_start3A_14] : memref<10112x128xf32, #tpu.memory_space<hbm>> -> memref<10112x128xf32, #tpu.memory_space<hbm>>
    tpu.enqueue_indirect_dma source(%dma_start3A_15 : memref<10112x128xf32, #tpu.memory_space<hbm>>) target(%arg10 : memref<128x128xf32, #tpu.memory_space<vmem>>) offsets(%dma_start3A_12 : memref<128xi32, #tpu.memory_space<vmem>>) semaphore(%arg14 : memref<!tpu.dma_semaphore, #tpu.memory_space<semaphore_mem>>)
    %scan3A = arith.constant 0 : i32
    %scan3A_16 = arith.constant 13 : i32
    %scan3A_17 = arith.addi %scan3A, %scan3A_16 : i32
    %scan3A_18 = arith.constant 1 : i32
    scf.for %scan3A_27 = %scan3A to %scan3A_17 step %scan3A_18  : i32 {
      %mul3A_28 = arith.constant 2 : i32
      %mul3A_29 = arith.muli %scan3A_27, %mul3A_28 : i32
      %add3A_30 = arith.constant 0 : i32
      %add3A_31 = arith.addi %add3A_30, %mul3A_29 : i32
      %mul3A_32 = arith.constant 128 : i32
      %mul3A_33 = arith.muli %add3A_31, %mul3A_32 : i32
      %add3A_34 = arith.addi %mul3A_2, %mul3A_33 : i32
      %dma_wait3A_35 = arith.constant 0 : i32
      %dma_wait3A_36 = tpu.memref_slice %arg7[%add3A_31, %dma_wait3A_35] : memref<32x128xi32, #tpu.memory_space<vmem>> -> memref<1x128xi32, #tpu.memory_space<vmem>>
      %dma_wait3A_37 = tpu.memref_squeeze %dma_wait3A_36 : memref<1x128xi32, #tpu.memory_space<vmem>> -> memref<128xi32, #tpu.memory_space<vmem>>
      %dma_wait3A_38 = arith.constant 0 : i32
      %dma_wait3A_39 = arith.constant 0 : i32
      %dma_wait3A_40 = tpu.memref_slice %arg2[%dma_wait3A_38, %dma_wait3A_39] : memref<10112x128xf32, #tpu.memory_space<hbm>> -> memref<10112x128xf32, #tpu.memory_space<hbm>>
      tpu.wait_indirect_dma semaphore(%arg13 : memref<!tpu.dma_semaphore, #tpu.memory_space<semaphore_mem>>) src(%dma_wait3A_40 : memref<10112x128xf32, #tpu.memory_space<hbm>>) dst(%arg9 : memref<128x128xf32, #tpu.memory_space<vmem>>)
      %dma_wait3A_41 = arith.constant 0 : i32
      %dma_wait3A_42 = tpu.memref_slice %arg8[%add3A_31, %dma_wait3A_41] : memref<32x128xi32, #tpu.memory_space<vmem>> -> memref<1x128xi32, #tpu.memory_space<vmem>>
      %dma_wait3A_43 = tpu.memref_squeeze %dma_wait3A_42 : memref<1x128xi32, #tpu.memory_space<vmem>> -> memref<128xi32, #tpu.memory_space<vmem>>
      %dma_wait3A_44 = arith.constant 0 : i32
      %dma_wait3A_45 = arith.constant 0 : i32
      %dma_wait3A_46 = tpu.memref_slice %arg2[%dma_wait3A_44, %dma_wait3A_45] : memref<10112x128xf32, #tpu.memory_space<hbm>> -> memref<10112x128xf32, #tpu.memory_space<hbm>>
      tpu.wait_indirect_dma semaphore(%arg14 : memref<!tpu.dma_semaphore, #tpu.memory_space<semaphore_mem>>) src(%dma_wait3A_46 : memref<10112x128xf32, #tpu.memory_space<hbm>>) dst(%arg10 : memref<128x128xf32, #tpu.memory_space<vmem>>)
      %gt3A = arith.constant 0 : i32
      %gt3A_47 = arith.cmpi sgt, %add3A_31, %gt3A : i32
      %convert_element_type3A = arith.extui %gt3A_47 : i1 to i32
      %cond3A = arith.constant 0 : i32
      %cond3A_48 = arith.cmpi ne, %convert_element_type3A, %cond3A : i32
      scf.if %cond3A_48 {
        %dma_wait3A_115 = arith.constant 0 : i32
        %dma_wait3A_116 = tpu.memref_slice %arg5[%add3A_34, %dma_wait3A_115] : memref<106496x128xf32, #tpu.memory_space<hbm>> -> memref<128x128xf32, #tpu.memory_space<hbm>>
        %dma_wait3A_117 = arith.constant 0 : i32
        %dma_wait3A_118 = tpu.memref_slice %arg5[%add3A_34, %dma_wait3A_117] : memref<106496x128xf32, #tpu.memory_space<hbm>> -> memref<128x128xf32, #tpu.memory_space<hbm>>
        tpu.wait_dma2 semaphore(%arg19 : memref<!tpu.dma_semaphore, #tpu.memory_space<semaphore_mem>>) src(%arg11 : memref<128x128xf32, #tpu.memory_space<vmem>>) dst(%dma_wait3A_118 : memref<128x128xf32, #tpu.memory_space<hbm>>)
        %dma_wait3A_119 = arith.constant 0 : i32
        %dma_wait3A_120 = tpu.memref_slice %arg6[%add3A_34, %dma_wait3A_119] : memref<106496x128xf32, #tpu.memory_space<hbm>> -> memref<128x128xf32, #tpu.memory_space<hbm>>
        %dma_wait3A_121 = arith.constant 0 : i32
        %dma_wait3A_122 = tpu.memref_slice %arg6[%add3A_34, %dma_wait3A_121] : memref<106496x128xf32, #tpu.memory_space<hbm>> -> memref<128x128xf32, #tpu.memory_space<hbm>>
        tpu.wait_dma2 semaphore(%arg20 : memref<!tpu.dma_semaphore, #tpu.memory_space<semaphore_mem>>) src(%arg12 : memref<128x128xf32, #tpu.memory_space<vmem>>) dst(%dma_wait3A_122 : memref<128x128xf32, #tpu.memory_space<hbm>>)
      } else {
      }
      %add3A_49 = arith.constant 1 : i32
      %add3A_50 = arith.addi %add3A_31, %add3A_49 : i32
      %dma_start3A_51 = arith.constant 0 : i32
      %dma_start3A_52 = tpu.memref_slice %arg7[%add3A_50, %dma_start3A_51] : memref<32x128xi32, #tpu.memory_space<vmem>> -> memref<1x128xi32, #tpu.memory_space<vmem>>
      %dma_start3A_53 = tpu.memref_squeeze %dma_start3A_52 : memref<1x128xi32, #tpu.memory_space<vmem>> -> memref<128xi32, #tpu.memory_space<vmem>>
      %dma_start3A_54 = arith.constant 0 : i32
      %dma_start3A_55 = arith.constant 0 : i32
      %dma_start3A_56 = tpu.memref_slice %arg2[%dma_start3A_54, %dma_start3A_55] : memref<10112x128xf32, #tpu.memory_space<hbm>> -> memref<10112x128xf32, #tpu.memory_space<hbm>>
      tpu.enqueue_indirect_dma source(%dma_start3A_56 : memref<10112x128xf32, #tpu.memory_space<hbm>>) target(%arg11 : memref<128x128xf32, #tpu.memory_space<vmem>>) offsets(%dma_start3A_53 : memref<128xi32, #tpu.memory_space<vmem>>) semaphore(%arg15 : memref<!tpu.dma_semaphore, #tpu.memory_space<semaphore_mem>>)
      %add3A_57 = arith.constant 1 : i32
      %add3A_58 = arith.addi %add3A_31, %add3A_57 : i32
      %dma_start3A_59 = arith.constant 0 : i32
      %dma_start3A_60 = tpu.memref_slice %arg8[%add3A_58, %dma_start3A_59] : memref<32x128xi32, #tpu.memory_space<vmem>> -> memref<1x128xi32, #tpu.memory_space<vmem>>
      %dma_start3A_61 = tpu.memref_squeeze %dma_start3A_60 : memref<1x128xi32, #tpu.memory_space<vmem>> -> memref<128xi32, #tpu.memory_space<vmem>>
      %dma_start3A_62 = arith.constant 0 : i32
      %dma_start3A_63 = arith.constant 0 : i32
      %dma_start3A_64 = tpu.memref_slice %arg2[%dma_start3A_62, %dma_start3A_63] : memref<10112x128xf32, #tpu.memory_space<hbm>> -> memref<10112x128xf32, #tpu.memory_space<hbm>>
      tpu.enqueue_indirect_dma source(%dma_start3A_64 : memref<10112x128xf32, #tpu.memory_space<hbm>>) target(%arg12 : memref<128x128xf32, #tpu.memory_space<vmem>>) offsets(%dma_start3A_61 : memref<128xi32, #tpu.memory_space<vmem>>) semaphore(%arg16 : memref<!tpu.dma_semaphore, #tpu.memory_space<semaphore_mem>>)
      %dma_start3A_65 = arith.constant 0 : i32
      %dma_start3A_66 = tpu.memref_slice %arg5[%add3A_34, %dma_start3A_65] : memref<106496x128xf32, #tpu.memory_space<hbm>> -> memref<128x128xf32, #tpu.memory_space<hbm>>
      %dma_start3A_67 = arith.constant 0 : i32
      %dma_start3A_68 = tpu.memref_slice %arg5[%add3A_34, %dma_start3A_67] : memref<106496x128xf32, #tpu.memory_space<hbm>> -> memref<128x128xf32, #tpu.memory_space<hbm>>
      tpu.enqueue_dma source(%arg9 : memref<128x128xf32, #tpu.memory_space<vmem>>) target(%dma_start3A_68 : memref<128x128xf32, #tpu.memory_space<hbm>>) target_semaphore(%arg17 : memref<!tpu.dma_semaphore, #tpu.memory_space<semaphore_mem>>)
      %dma_start3A_69 = arith.constant 0 : i32
      %dma_start3A_70 = tpu.memref_slice %arg6[%add3A_34, %dma_start3A_69] : memref<106496x128xf32, #tpu.memory_space<hbm>> -> memref<128x128xf32, #tpu.memory_space<hbm>>
      %dma_start3A_71 = arith.constant 0 : i32
      %dma_start3A_72 = tpu.memref_slice %arg6[%add3A_34, %dma_start3A_71] : memref<106496x128xf32, #tpu.memory_space<hbm>> -> memref<128x128xf32, #tpu.memory_space<hbm>>
      tpu.enqueue_dma source(%arg10 : memref<128x128xf32, #tpu.memory_space<vmem>>) target(%dma_start3A_72 : memref<128x128xf32, #tpu.memory_space<hbm>>) target_semaphore(%arg18 : memref<!tpu.dma_semaphore, #tpu.memory_space<semaphore_mem>>)
      %add3A_73 = arith.constant 1 : i32
      %add3A_74 = arith.addi %add3A_31, %add3A_73 : i32
      %dma_wait3A_75 = arith.constant 0 : i32
      %dma_wait3A_76 = tpu.memref_slice %arg7[%add3A_74, %dma_wait3A_75] : memref<32x128xi32, #tpu.memory_space<vmem>> -> memref<1x128xi32, #tpu.memory_space<vmem>>
      %dma_wait3A_77 = tpu.memref_squeeze %dma_wait3A_76 : memref<1x128xi32, #tpu.memory_space<vmem>> -> memref<128xi32, #tpu.memory_space<vmem>>
      %dma_wait3A_78 = arith.constant 0 : i32
      %dma_wait3A_79 = arith.constant 0 : i32
      %dma_wait3A_80 = tpu.memref_slice %arg2[%dma_wait3A_78, %dma_wait3A_79] : memref<10112x128xf32, #tpu.memory_space<hbm>> -> memref<10112x128xf32, #tpu.memory_space<hbm>>
      tpu.wait_indirect_dma semaphore(%arg15 : memref<!tpu.dma_semaphore, #tpu.memory_space<semaphore_mem>>) src(%dma_wait3A_80 : memref<10112x128xf32, #tpu.memory_space<hbm>>) dst(%arg11 : memref<128x128xf32, #tpu.memory_space<vmem>>)
      %add3A_81 = arith.constant 1 : i32
      %add3A_82 = arith.addi %add3A_31, %add3A_81 : i32
      %dma_wait3A_83 = arith.constant 0 : i32
      %dma_wait3A_84 = tpu.memref_slice %arg8[%add3A_82, %dma_wait3A_83] : memref<32x128xi32, #tpu.memory_space<vmem>> -> memref<1x128xi32, #tpu.memory_space<vmem>>
      %dma_wait3A_85 = tpu.memref_squeeze %dma_wait3A_84 : memref<1x128xi32, #tpu.memory_space<vmem>> -> memref<128xi32, #tpu.memory_space<vmem>>
      %dma_wait3A_86 = arith.constant 0 : i32
      %dma_wait3A_87 = arith.constant 0 : i32
      %dma_wait3A_88 = tpu.memref_slice %arg2[%dma_wait3A_86, %dma_wait3A_87] : memref<10112x128xf32, #tpu.memory_space<hbm>> -> memref<10112x128xf32, #tpu.memory_space<hbm>>
      tpu.wait_indirect_dma semaphore(%arg16 : memref<!tpu.dma_semaphore, #tpu.memory_space<semaphore_mem>>) src(%dma_wait3A_88 : memref<10112x128xf32, #tpu.memory_space<hbm>>) dst(%arg12 : memref<128x128xf32, #tpu.memory_space<vmem>>)
      %dma_wait3A_89 = arith.constant 0 : i32
      %dma_wait3A_90 = tpu.memref_slice %arg5[%add3A_34, %dma_wait3A_89] : memref<106496x128xf32, #tpu.memory_space<hbm>> -> memref<128x128xf32, #tpu.memory_space<hbm>>
      %dma_wait3A_91 = arith.constant 0 : i32
      %dma_wait3A_92 = tpu.memref_slice %arg5[%add3A_34, %dma_wait3A_91] : memref<106496x128xf32, #tpu.memory_space<hbm>> -> memref<128x128xf32, #tpu.memory_space<hbm>>
      tpu.wait_dma2 semaphore(%arg17 : memref<!tpu.dma_semaphore, #tpu.memory_space<semaphore_mem>>) src(%arg9 : memref<128x128xf32, #tpu.memory_space<vmem>>) dst(%dma_wait3A_92 : memref<128x128xf32, #tpu.memory_space<hbm>>)
      %dma_wait3A_93 = arith.constant 0 : i32
      %dma_wait3A_94 = tpu.memref_slice %arg6[%add3A_34, %dma_wait3A_93] : memref<106496x128xf32, #tpu.memory_space<hbm>> -> memref<128x128xf32, #tpu.memory_space<hbm>>
      %dma_wait3A_95 = arith.constant 0 : i32
      %dma_wait3A_96 = tpu.memref_slice %arg6[%add3A_34, %dma_wait3A_95] : memref<106496x128xf32, #tpu.memory_space<hbm>> -> memref<128x128xf32, #tpu.memory_space<hbm>>
      tpu.wait_dma2 semaphore(%arg18 : memref<!tpu.dma_semaphore, #tpu.memory_space<semaphore_mem>>) src(%arg10 : memref<128x128xf32, #tpu.memory_space<vmem>>) dst(%dma_wait3A_96 : memref<128x128xf32, #tpu.memory_space<hbm>>)
      %add3A_97 = arith.constant 2 : i32
      %add3A_98 = arith.addi %add3A_31, %add3A_97 : i32
      %lt3A = arith.constant 26 : i32
      %lt3A_99 = arith.cmpi slt, %add3A_98, %lt3A : i32
      %convert_element_type3A_100 = arith.extui %lt3A_99 : i1 to i32
      %cond3A_101 = arith.constant 0 : i32
      %cond3A_102 = arith.cmpi ne, %convert_element_type3A_100, %cond3A_101 : i32
      scf.if %cond3A_102 {
        %add3A_115 = arith.constant 2 : i32
        %add3A_116 = arith.addi %add3A_31, %add3A_115 : i32
        %dma_start3A_117 = arith.constant 0 : i32
        %dma_start3A_118 = tpu.memref_slice %arg7[%add3A_116, %dma_start3A_117] : memref<32x128xi32, #tpu.memory_space<vmem>> -> memref<1x128xi32, #tpu.memory_space<vmem>>
        %dma_start3A_119 = tpu.memref_squeeze %dma_start3A_118 : memref<1x128xi32, #tpu.memory_space<vmem>> -> memref<128xi32, #tpu.memory_space<vmem>>
        %dma_start3A_120 = arith.constant 0 : i32
        %dma_start3A_121 = arith.constant 0 : i32
        %dma_start3A_122 = tpu.memref_slice %arg2[%dma_start3A_120, %dma_start3A_121] : memref<10112x128xf32, #tpu.memory_space<hbm>> -> memref<10112x128xf32, #tpu.memory_space<hbm>>
        tpu.enqueue_indirect_dma source(%dma_start3A_122 : memref<10112x128xf32, #tpu.memory_space<hbm>>) target(%arg9 : memref<128x128xf32, #tpu.memory_space<vmem>>) offsets(%dma_start3A_119 : memref<128xi32, #tpu.memory_space<vmem>>) semaphore(%arg13 : memref<!tpu.dma_semaphore, #tpu.memory_space<semaphore_mem>>)
        %add3A_123 = arith.constant 2 : i32
        %add3A_124 = arith.addi %add3A_31, %add3A_123 : i32
        %dma_start3A_125 = arith.constant 0 : i32
        %dma_start3A_126 = tpu.memref_slice %arg8[%add3A_124, %dma_start3A_125] : memref<32x128xi32, #tpu.memory_space<vmem>> -> memref<1x128xi32, #tpu.memory_space<vmem>>
        %dma_start3A_127 = tpu.memref_squeeze %dma_start3A_126 : memref<1x128xi32, #tpu.memory_space<vmem>> -> memref<128xi32, #tpu.memory_space<vmem>>
        %dma_start3A_128 = arith.constant 0 : i32
        %dma_start3A_129 = arith.constant 0 : i32
        %dma_start3A_130 = tpu.memref_slice %arg2[%dma_start3A_128, %dma_start3A_129] : memref<10112x128xf32, #tpu.memory_space<hbm>> -> memref<10112x128xf32, #tpu.memory_space<hbm>>
        tpu.enqueue_indirect_dma source(%dma_start3A_130 : memref<10112x128xf32, #tpu.memory_space<hbm>>) target(%arg10 : memref<128x128xf32, #tpu.memory_space<vmem>>) offsets(%dma_start3A_127 : memref<128xi32, #tpu.memory_space<vmem>>) semaphore(%arg14 : memref<!tpu.dma_semaphore, #tpu.memory_space<semaphore_mem>>)
      } else {
      }
      %add3A_103 = arith.constant 128 : i32
      %add3A_104 = arith.addi %add3A_34, %add3A_103 : i32
      %dma_start3A_105 = arith.constant 0 : i32
      %dma_start3A_106 = tpu.memref_slice %arg5[%add3A_104, %dma_start3A_105] : memref<106496x128xf32, #tpu.memory_space<hbm>> -> memref<128x128xf32, #tpu.memory_space<hbm>>
      %dma_start3A_107 = arith.constant 0 : i32
      %dma_start3A_108 = tpu.memref_slice %arg5[%add3A_104, %dma_start3A_107] : memref<106496x128xf32, #tpu.memory_space<hbm>> -> memref<128x128xf32, #tpu.memory_space<hbm>>
      tpu.enqueue_dma source(%arg11 : memref<128x128xf32, #tpu.memory_space<vmem>>) target(%dma_start3A_108 : memref<128x128xf32, #tpu.memory_space<hbm>>) target_semaphore(%arg19 : memref<!tpu.dma_semaphore, #tpu.memory_space<semaphore_mem>>)
      %add3A_109 = arith.constant 128 : i32
      %add3A_110 = arith.addi %add3A_34, %add3A_109 : i32
      %dma_start3A_111 = arith.constant 0 : i32
      %dma_start3A_112 = tpu.memref_slice %arg6[%add3A_110, %dma_start3A_111] : memref<106496x128xf32, #tpu.memory_space<hbm>> -> memref<128x128xf32, #tpu.memory_space<hbm>>
      %dma_start3A_113 = arith.constant 0 : i32
      %dma_start3A_114 = tpu.memref_slice %arg6[%add3A_110, %dma_start3A_113] : memref<106496x128xf32, #tpu.memory_space<hbm>> -> memref<128x128xf32, #tpu.memory_space<hbm>>
      tpu.enqueue_dma source(%arg12 : memref<128x128xf32, #tpu.memory_space<vmem>>) target(%dma_start3A_114 : memref<128x128xf32, #tpu.memory_space<hbm>>) target_semaphore(%arg20 : memref<!tpu.dma_semaphore, #tpu.memory_space<semaphore_mem>>)
    }
    %scan3A_19 = arith.constant 13 : i32
    %dma_wait3A = arith.constant 0 : i32
    %dma_wait3A_20 = tpu.memref_slice %arg5[%mul3A_2, %dma_wait3A] : memref<106496x128xf32, #tpu.memory_space<hbm>> -> memref<128x128xf32, #tpu.memory_space<hbm>>
    %dma_wait3A_21 = arith.constant 0 : i32
    %dma_wait3A_22 = tpu.memref_slice %arg5[%mul3A_2, %dma_wait3A_21] : memref<106496x128xf32, #tpu.memory_space<hbm>> -> memref<128x128xf32, #tpu.memory_space<hbm>>
    tpu.wait_dma2 semaphore(%arg19 : memref<!tpu.dma_semaphore, #tpu.memory_space<semaphore_mem>>) src(%arg11 : memref<128x128xf32, #tpu.memory_space<vmem>>) dst(%dma_wait3A_22 : memref<128x128xf32, #tpu.memory_space<hbm>>)
    %dma_wait3A_23 = arith.constant 0 : i32
    %dma_wait3A_24 = tpu.memref_slice %arg6[%mul3A_2, %dma_wait3A_23] : memref<106496x128xf32, #tpu.memory_space<hbm>> -> memref<128x128xf32, #tpu.memory_space<hbm>>
    %dma_wait3A_25 = arith.constant 0 : i32
    %dma_wait3A_26 = tpu.memref_slice %arg6[%mul3A_2, %dma_wait3A_25] : memref<106496x128xf32, #tpu.memory_space<hbm>> -> memref<128x128xf32, #tpu.memory_space<hbm>>
    tpu.wait_dma2 semaphore(%arg20 : memref<!tpu.dma_semaphore, #tpu.memory_space<semaphore_mem>>) src(%arg12 : memref<128x128xf32, #tpu.memory_space<vmem>>) dst(%dma_wait3A_26 : memref<128x128xf32, #tpu.memory_space<hbm>>)
    return
  }
}

#map = affine_map<(d0, d1) -> (0, 0)>
#map1 = affine_map<(d0, d1) -> (0, 0, 0)>
module attributes {stable_mosaic.version = 14 : i64} {
  func.func @k(%arg0: i32, %arg1: i32, %arg2: memref<10112x128xf32, #tpu.memory_space<hbm>>, %arg3: memref<32x80x128xi32, #tpu.memory_space<hbm>>, %arg4: memref<32x80x128xi32, #tpu.memory_space<hbm>>, %arg5: memref<10112x128xf32, #tpu.memory_space<hbm>>, %arg6: memref<2x10112x128xf32, #tpu.memory_space<hbm>>, %arg7: memref<40x128xi32, #tpu.memory_space<vmem>>, %arg8: memref<40x128xi32, #tpu.memory_space<vmem>>, %arg9: memref<128x128xf32, #tpu.memory_space<vmem>>, %arg10: memref<128x128xf32, #tpu.memory_space<vmem>>, %arg11: memref<10112x128xf32, #tpu.memory_space<vmem_shared>>, %arg12: memref<!tpu.dma_semaphore, #tpu.memory_space<semaphore_mem>>, %arg13: memref<!tpu.dma_semaphore, #tpu.memory_space<semaphore_mem>>, %arg14: memref<!tpu.dma_semaphore, #tpu.memory_space<semaphore_mem>>, %arg15: memref<!tpu.dma_semaphore, #tpu.memory_space<semaphore_mem>>) attributes {dimension_semantics = [#tpu.dimension_semantics<core_parallel>, #tpu.dimension_semantics<subcore_parallel>], iteration_bounds = array<i64: 2, 16>, scalar_prefetch = 0 : i64, scratch_operands = 9 : i64, tpu.core_type = #tpu.core_type<sc_vector_subcore>, window_params = [{transform_indices = #map}, {transform_indices = #map1}, {transform_indices = #map1}, {transform_indices = #map}, {transform_indices = #map1}]} {
    %mul3A = arith.constant 16 : i32
    %mul3A_0 = arith.muli %arg0, %mul3A : i32
    %add3A = arith.addi %mul3A_0, %arg1 : i32
    %mul3A_1 = arith.constant 632 : i32
    %mul3A_2 = arith.muli %arg1, %mul3A_1 : i32
    %mul3A_3 = arith.constant 632 : i32
    %mul3A_4 = arith.muli %arg1, %mul3A_3 : i32
    "tpu.region"() ({
      %run_scoped3A = tpu.sem_alloc : memref<!tpu.dma_semaphore, #tpu.memory_space<semaphore_mem>>
      %dma_start3A_45 = arith.constant 0 : i32
      %dma_start3A_46 = tpu.memref_slice %arg11[%mul3A_4, %dma_start3A_45] : memref<10112x128xf32, #tpu.memory_space<vmem_shared>> -> memref<632x128xf32, #tpu.memory_space<vmem_shared>>
      %dma_start3A_47 = arith.constant 0 : i32
      %dma_start3A_48 = tpu.memref_slice %arg5[%mul3A_2, %dma_start3A_47] : memref<10112x128xf32, #tpu.memory_space<hbm>> -> memref<632x128xf32, #tpu.memory_space<hbm>>
      tpu.enqueue_dma source(%dma_start3A_48 : memref<632x128xf32, #tpu.memory_space<hbm>>) target(%dma_start3A_46 : memref<632x128xf32, #tpu.memory_space<vmem_shared>>) target_semaphore(%run_scoped3A : memref<!tpu.dma_semaphore, #tpu.memory_space<semaphore_mem>>)
      %dma_wait3A_49 = arith.constant 0 : i32
      %dma_wait3A_50 = tpu.memref_slice %arg11[%mul3A_4, %dma_wait3A_49] : memref<10112x128xf32, #tpu.memory_space<vmem_shared>> -> memref<632x128xf32, #tpu.memory_space<vmem_shared>>
      %dma_wait3A_51 = arith.constant 0 : i32
      %dma_wait3A_52 = tpu.memref_slice %arg5[%mul3A_2, %dma_wait3A_51] : memref<10112x128xf32, #tpu.memory_space<hbm>> -> memref<632x128xf32, #tpu.memory_space<hbm>>
      tpu.wait_dma2 semaphore(%run_scoped3A : memref<!tpu.dma_semaphore, #tpu.memory_space<semaphore_mem>>) src(%dma_wait3A_52 : memref<632x128xf32, #tpu.memory_space<hbm>>) dst(%dma_wait3A_50 : memref<632x128xf32, #tpu.memory_space<vmem_shared>>)
      tpu.yield
    }) : () -> ()
    %barrier3A = arith.constant 0 : index
    tpu.barrier barrier_id(%barrier3A)
    "tpu.region"() ({
      %run_scoped3A = tpu.sem_alloc : memref<!tpu.dma_semaphore, #tpu.memory_space<semaphore_mem>>
      %dma_start3A_45 = arith.constant 0 : i32
      %dma_start3A_46 = arith.constant 0 : i32
      %dma_start3A_47 = tpu.memref_slice %arg3[%add3A, %dma_start3A_45, %dma_start3A_46] : memref<32x80x128xi32, #tpu.memory_space<hbm>> -> memref<1x80x128xi32, #tpu.memory_space<hbm>>
      %dma_start3A_48 = tpu.memref_squeeze %dma_start3A_47 : memref<1x80x128xi32, #tpu.memory_space<hbm>> -> memref<80x128xi32, #tpu.memory_space<hbm>>
      %dma_start3A_49 = arith.constant 0 : i32
      %dma_start3A_50 = arith.constant 0 : i32
      %dma_start3A_51 = tpu.memref_slice %dma_start3A_48[%dma_start3A_49, %dma_start3A_50] : memref<80x128xi32, #tpu.memory_space<hbm>> -> memref<40x128xi32, #tpu.memory_space<hbm>>
      %dma_start3A_52 = arith.constant 0 : i32
      %dma_start3A_53 = arith.constant 0 : i32
      %dma_start3A_54 = tpu.memref_slice %arg3[%add3A, %dma_start3A_52, %dma_start3A_53] : memref<32x80x128xi32, #tpu.memory_space<hbm>> -> memref<1x80x128xi32, #tpu.memory_space<hbm>>
      %dma_start3A_55 = tpu.memref_squeeze %dma_start3A_54 : memref<1x80x128xi32, #tpu.memory_space<hbm>> -> memref<80x128xi32, #tpu.memory_space<hbm>>
      %dma_start3A_56 = arith.constant 0 : i32
      %dma_start3A_57 = arith.constant 0 : i32
      %dma_start3A_58 = tpu.memref_slice %dma_start3A_55[%dma_start3A_56, %dma_start3A_57] : memref<80x128xi32, #tpu.memory_space<hbm>> -> memref<40x128xi32, #tpu.memory_space<hbm>>
      tpu.enqueue_dma source(%dma_start3A_58 : memref<40x128xi32, #tpu.memory_space<hbm>>) target(%arg7 : memref<40x128xi32, #tpu.memory_space<vmem>>) target_semaphore(%run_scoped3A : memref<!tpu.dma_semaphore, #tpu.memory_space<semaphore_mem>>)
      %dma_wait3A_59 = arith.constant 0 : i32
      %dma_wait3A_60 = arith.constant 0 : i32
      %dma_wait3A_61 = tpu.memref_slice %arg3[%add3A, %dma_wait3A_59, %dma_wait3A_60] : memref<32x80x128xi32, #tpu.memory_space<hbm>> -> memref<1x80x128xi32, #tpu.memory_space<hbm>>
      %dma_wait3A_62 = tpu.memref_squeeze %dma_wait3A_61 : memref<1x80x128xi32, #tpu.memory_space<hbm>> -> memref<80x128xi32, #tpu.memory_space<hbm>>
      %dma_wait3A_63 = arith.constant 0 : i32
      %dma_wait3A_64 = arith.constant 0 : i32
      %dma_wait3A_65 = tpu.memref_slice %dma_wait3A_62[%dma_wait3A_63, %dma_wait3A_64] : memref<80x128xi32, #tpu.memory_space<hbm>> -> memref<40x128xi32, #tpu.memory_space<hbm>>
      %dma_wait3A_66 = arith.constant 0 : i32
      %dma_wait3A_67 = arith.constant 0 : i32
      %dma_wait3A_68 = tpu.memref_slice %arg3[%add3A, %dma_wait3A_66, %dma_wait3A_67] : memref<32x80x128xi32, #tpu.memory_space<hbm>> -> memref<1x80x128xi32, #tpu.memory_space<hbm>>
      %dma_wait3A_69 = tpu.memref_squeeze %dma_wait3A_68 : memref<1x80x128xi32, #tpu.memory_space<hbm>> -> memref<80x128xi32, #tpu.memory_space<hbm>>
      %dma_wait3A_70 = arith.constant 0 : i32
      %dma_wait3A_71 = arith.constant 0 : i32
      %dma_wait3A_72 = tpu.memref_slice %dma_wait3A_69[%dma_wait3A_70, %dma_wait3A_71] : memref<80x128xi32, #tpu.memory_space<hbm>> -> memref<40x128xi32, #tpu.memory_space<hbm>>
      tpu.wait_dma2 semaphore(%run_scoped3A : memref<!tpu.dma_semaphore, #tpu.memory_space<semaphore_mem>>) src(%dma_wait3A_72 : memref<40x128xi32, #tpu.memory_space<hbm>>) dst(%arg7 : memref<40x128xi32, #tpu.memory_space<vmem>>)
      tpu.yield
    }) : () -> ()
    "tpu.region"() ({
      %run_scoped3A = tpu.sem_alloc : memref<!tpu.dma_semaphore, #tpu.memory_space<semaphore_mem>>
      %dma_start3A_45 = arith.constant 0 : i32
      %dma_start3A_46 = arith.constant 0 : i32
      %dma_start3A_47 = tpu.memref_slice %arg4[%add3A, %dma_start3A_45, %dma_start3A_46] : memref<32x80x128xi32, #tpu.memory_space<hbm>> -> memref<1x80x128xi32, #tpu.memory_space<hbm>>
      %dma_start3A_48 = tpu.memref_squeeze %dma_start3A_47 : memref<1x80x128xi32, #tpu.memory_space<hbm>> -> memref<80x128xi32, #tpu.memory_space<hbm>>
      %dma_start3A_49 = arith.constant 0 : i32
      %dma_start3A_50 = arith.constant 0 : i32
      %dma_start3A_51 = tpu.memref_slice %dma_start3A_48[%dma_start3A_49, %dma_start3A_50] : memref<80x128xi32, #tpu.memory_space<hbm>> -> memref<40x128xi32, #tpu.memory_space<hbm>>
      %dma_start3A_52 = arith.constant 0 : i32
      %dma_start3A_53 = arith.constant 0 : i32
      %dma_start3A_54 = tpu.memref_slice %arg4[%add3A, %dma_start3A_52, %dma_start3A_53] : memref<32x80x128xi32, #tpu.memory_space<hbm>> -> memref<1x80x128xi32, #tpu.memory_space<hbm>>
      %dma_start3A_55 = tpu.memref_squeeze %dma_start3A_54 : memref<1x80x128xi32, #tpu.memory_space<hbm>> -> memref<80x128xi32, #tpu.memory_space<hbm>>
      %dma_start3A_56 = arith.constant 0 : i32
      %dma_start3A_57 = arith.constant 0 : i32
      %dma_start3A_58 = tpu.memref_slice %dma_start3A_55[%dma_start3A_56, %dma_start3A_57] : memref<80x128xi32, #tpu.memory_space<hbm>> -> memref<40x128xi32, #tpu.memory_space<hbm>>
      tpu.enqueue_dma source(%dma_start3A_58 : memref<40x128xi32, #tpu.memory_space<hbm>>) target(%arg8 : memref<40x128xi32, #tpu.memory_space<vmem>>) target_semaphore(%run_scoped3A : memref<!tpu.dma_semaphore, #tpu.memory_space<semaphore_mem>>)
      %dma_wait3A_59 = arith.constant 0 : i32
      %dma_wait3A_60 = arith.constant 0 : i32
      %dma_wait3A_61 = tpu.memref_slice %arg4[%add3A, %dma_wait3A_59, %dma_wait3A_60] : memref<32x80x128xi32, #tpu.memory_space<hbm>> -> memref<1x80x128xi32, #tpu.memory_space<hbm>>
      %dma_wait3A_62 = tpu.memref_squeeze %dma_wait3A_61 : memref<1x80x128xi32, #tpu.memory_space<hbm>> -> memref<80x128xi32, #tpu.memory_space<hbm>>
      %dma_wait3A_63 = arith.constant 0 : i32
      %dma_wait3A_64 = arith.constant 0 : i32
      %dma_wait3A_65 = tpu.memref_slice %dma_wait3A_62[%dma_wait3A_63, %dma_wait3A_64] : memref<80x128xi32, #tpu.memory_space<hbm>> -> memref<40x128xi32, #tpu.memory_space<hbm>>
      %dma_wait3A_66 = arith.constant 0 : i32
      %dma_wait3A_67 = arith.constant 0 : i32
      %dma_wait3A_68 = tpu.memref_slice %arg4[%add3A, %dma_wait3A_66, %dma_wait3A_67] : memref<32x80x128xi32, #tpu.memory_space<hbm>> -> memref<1x80x128xi32, #tpu.memory_space<hbm>>
      %dma_wait3A_69 = tpu.memref_squeeze %dma_wait3A_68 : memref<1x80x128xi32, #tpu.memory_space<hbm>> -> memref<80x128xi32, #tpu.memory_space<hbm>>
      %dma_wait3A_70 = arith.constant 0 : i32
      %dma_wait3A_71 = arith.constant 0 : i32
      %dma_wait3A_72 = tpu.memref_slice %dma_wait3A_69[%dma_wait3A_70, %dma_wait3A_71] : memref<80x128xi32, #tpu.memory_space<hbm>> -> memref<40x128xi32, #tpu.memory_space<hbm>>
      tpu.wait_dma2 semaphore(%run_scoped3A : memref<!tpu.dma_semaphore, #tpu.memory_space<semaphore_mem>>) src(%dma_wait3A_72 : memref<40x128xi32, #tpu.memory_space<hbm>>) dst(%arg8 : memref<40x128xi32, #tpu.memory_space<vmem>>)
      tpu.yield
    }) : () -> ()
    %dma_start3A = arith.constant 0 : i32
    %dma_start3A_5 = arith.constant 0 : i32
    %dma_start3A_6 = tpu.memref_slice %arg7[%dma_start3A, %dma_start3A_5] : memref<40x128xi32, #tpu.memory_space<vmem>> -> memref<1x128xi32, #tpu.memory_space<vmem>>
    %dma_start3A_7 = tpu.memref_squeeze %dma_start3A_6 : memref<1x128xi32, #tpu.memory_space<vmem>> -> memref<128xi32, #tpu.memory_space<vmem>>
    %dma_start3A_8 = arith.constant 0 : i32
    %dma_start3A_9 = arith.constant 0 : i32
    %dma_start3A_10 = tpu.memref_slice %arg2[%dma_start3A_8, %dma_start3A_9] : memref<10112x128xf32, #tpu.memory_space<hbm>> -> memref<10112x128xf32, #tpu.memory_space<hbm>>
    tpu.enqueue_indirect_dma source(%dma_start3A_10 : memref<10112x128xf32, #tpu.memory_space<hbm>>) target(%arg9 : memref<128x128xf32, #tpu.memory_space<vmem>>) offsets(%dma_start3A_7 : memref<128xi32, #tpu.memory_space<vmem>>) semaphore(%arg12 : memref<!tpu.dma_semaphore, #tpu.memory_space<semaphore_mem>>)
    %scan3A = arith.constant 0 : i32
    %scan3A_11 = arith.constant 20 : i32
    %scan3A_12 = arith.addi %scan3A, %scan3A_11 : i32
    %scan3A_13 = arith.constant 1 : i32
    scf.for %scan3A_45 = %scan3A to %scan3A_12 step %scan3A_13  : i32 {
      %mul3A_46 = arith.constant 2 : i32
      %mul3A_47 = arith.muli %scan3A_45, %mul3A_46 : i32
      %add3A_48 = arith.constant 0 : i32
      %add3A_49 = arith.addi %add3A_48, %mul3A_47 : i32
      %dma_wait3A_50 = arith.constant 0 : i32
      %dma_wait3A_51 = tpu.memref_slice %arg7[%add3A_49, %dma_wait3A_50] : memref<40x128xi32, #tpu.memory_space<vmem>> -> memref<1x128xi32, #tpu.memory_space<vmem>>
      %dma_wait3A_52 = tpu.memref_squeeze %dma_wait3A_51 : memref<1x128xi32, #tpu.memory_space<vmem>> -> memref<128xi32, #tpu.memory_space<vmem>>
      %dma_wait3A_53 = arith.constant 0 : i32
      %dma_wait3A_54 = arith.constant 0 : i32
      %dma_wait3A_55 = tpu.memref_slice %arg2[%dma_wait3A_53, %dma_wait3A_54] : memref<10112x128xf32, #tpu.memory_space<hbm>> -> memref<10112x128xf32, #tpu.memory_space<hbm>>
      tpu.wait_indirect_dma semaphore(%arg12 : memref<!tpu.dma_semaphore, #tpu.memory_space<semaphore_mem>>) src(%dma_wait3A_55 : memref<10112x128xf32, #tpu.memory_space<hbm>>) dst(%arg9 : memref<128x128xf32, #tpu.memory_space<vmem>>)
      %gt3A = arith.constant 0 : i32
      %gt3A_56 = arith.cmpi sgt, %add3A_49, %gt3A : i32
      %convert_element_type3A = arith.extui %gt3A_56 : i1 to i32
      %cond3A = arith.constant 0 : i32
      %cond3A_57 = arith.cmpi ne, %convert_element_type3A, %cond3A : i32
      scf.if %cond3A_57 {
        %dma_wait3A_100 = arith.constant 0 : i32
        %dma_wait3A_101 = tpu.memref_slice %arg8[%add3A_49, %dma_wait3A_100] : memref<40x128xi32, #tpu.memory_space<vmem>> -> memref<1x128xi32, #tpu.memory_space<vmem>>
        %dma_wait3A_102 = tpu.memref_squeeze %dma_wait3A_101 : memref<1x128xi32, #tpu.memory_space<vmem>> -> memref<128xi32, #tpu.memory_space<vmem>>
        %dma_wait3A_103 = arith.constant 0 : i32
        %dma_wait3A_104 = arith.constant 0 : i32
        %dma_wait3A_105 = tpu.memref_slice %arg11[%dma_wait3A_103, %dma_wait3A_104] : memref<10112x128xf32, #tpu.memory_space<vmem_shared>> -> memref<10112x128xf32, #tpu.memory_space<vmem_shared>>
        tpu.wait_indirect_dma semaphore(%arg15 : memref<!tpu.dma_semaphore, #tpu.memory_space<semaphore_mem>>) src(%arg10 : memref<128x128xf32, #tpu.memory_space<vmem>>) dst(%dma_wait3A_105 : memref<10112x128xf32, #tpu.memory_space<vmem_shared>>)
      } else {
      }
      %add3A_58 = arith.constant 1 : i32
      %add3A_59 = arith.addi %add3A_49, %add3A_58 : i32
      %dma_start3A_60 = arith.constant 0 : i32
      %dma_start3A_61 = tpu.memref_slice %arg7[%add3A_59, %dma_start3A_60] : memref<40x128xi32, #tpu.memory_space<vmem>> -> memref<1x128xi32, #tpu.memory_space<vmem>>
      %dma_start3A_62 = tpu.memref_squeeze %dma_start3A_61 : memref<1x128xi32, #tpu.memory_space<vmem>> -> memref<128xi32, #tpu.memory_space<vmem>>
      %dma_start3A_63 = arith.constant 0 : i32
      %dma_start3A_64 = arith.constant 0 : i32
      %dma_start3A_65 = tpu.memref_slice %arg2[%dma_start3A_63, %dma_start3A_64] : memref<10112x128xf32, #tpu.memory_space<hbm>> -> memref<10112x128xf32, #tpu.memory_space<hbm>>
      tpu.enqueue_indirect_dma source(%dma_start3A_65 : memref<10112x128xf32, #tpu.memory_space<hbm>>) target(%arg10 : memref<128x128xf32, #tpu.memory_space<vmem>>) offsets(%dma_start3A_62 : memref<128xi32, #tpu.memory_space<vmem>>) semaphore(%arg13 : memref<!tpu.dma_semaphore, #tpu.memory_space<semaphore_mem>>)
      %dma_start3A_66 = arith.constant 0 : i32
      %dma_start3A_67 = tpu.memref_slice %arg8[%add3A_49, %dma_start3A_66] : memref<40x128xi32, #tpu.memory_space<vmem>> -> memref<1x128xi32, #tpu.memory_space<vmem>>
      %dma_start3A_68 = tpu.memref_squeeze %dma_start3A_67 : memref<1x128xi32, #tpu.memory_space<vmem>> -> memref<128xi32, #tpu.memory_space<vmem>>
      %dma_start3A_69 = arith.constant 0 : i32
      %dma_start3A_70 = arith.constant 0 : i32
      %dma_start3A_71 = tpu.memref_slice %arg11[%dma_start3A_69, %dma_start3A_70] : memref<10112x128xf32, #tpu.memory_space<vmem_shared>> -> memref<10112x128xf32, #tpu.memory_space<vmem_shared>>
      tpu.enqueue_indirect_dma source(%arg9 : memref<128x128xf32, #tpu.memory_space<vmem>>) target(%dma_start3A_71 : memref<10112x128xf32, #tpu.memory_space<vmem_shared>>) offsets(%dma_start3A_68 : memref<128xi32, #tpu.memory_space<vmem>>) semaphore(%arg14 : memref<!tpu.dma_semaphore, #tpu.memory_space<semaphore_mem>>) {add = true}
      %add3A_72 = arith.constant 1 : i32
      %add3A_73 = arith.addi %add3A_49, %add3A_72 : i32
      %dma_wait3A_74 = arith.constant 0 : i32
      %dma_wait3A_75 = tpu.memref_slice %arg7[%add3A_73, %dma_wait3A_74] : memref<40x128xi32, #tpu.memory_space<vmem>> -> memref<1x128xi32, #tpu.memory_space<vmem>>
      %dma_wait3A_76 = tpu.memref_squeeze %dma_wait3A_75 : memref<1x128xi32, #tpu.memory_space<vmem>> -> memref<128xi32, #tpu.memory_space<vmem>>
      %dma_wait3A_77 = arith.constant 0 : i32
      %dma_wait3A_78 = arith.constant 0 : i32
      %dma_wait3A_79 = tpu.memref_slice %arg2[%dma_wait3A_77, %dma_wait3A_78] : memref<10112x128xf32, #tpu.memory_space<hbm>> -> memref<10112x128xf32, #tpu.memory_space<hbm>>
      tpu.wait_indirect_dma semaphore(%arg13 : memref<!tpu.dma_semaphore, #tpu.memory_space<semaphore_mem>>) src(%dma_wait3A_79 : memref<10112x128xf32, #tpu.memory_space<hbm>>) dst(%arg10 : memref<128x128xf32, #tpu.memory_space<vmem>>)
      %dma_wait3A_80 = arith.constant 0 : i32
      %dma_wait3A_81 = tpu.memref_slice %arg8[%add3A_49, %dma_wait3A_80] : memref<40x128xi32, #tpu.memory_space<vmem>> -> memref<1x128xi32, #tpu.memory_space<vmem>>
      %dma_wait3A_82 = tpu.memref_squeeze %dma_wait3A_81 : memref<1x128xi32, #tpu.memory_space<vmem>> -> memref<128xi32, #tpu.memory_space<vmem>>
      %dma_wait3A_83 = arith.constant 0 : i32
      %dma_wait3A_84 = arith.constant 0 : i32
      %dma_wait3A_85 = tpu.memref_slice %arg11[%dma_wait3A_83, %dma_wait3A_84] : memref<10112x128xf32, #tpu.memory_space<vmem_shared>> -> memref<10112x128xf32, #tpu.memory_space<vmem_shared>>
      tpu.wait_indirect_dma semaphore(%arg14 : memref<!tpu.dma_semaphore, #tpu.memory_space<semaphore_mem>>) src(%arg9 : memref<128x128xf32, #tpu.memory_space<vmem>>) dst(%dma_wait3A_85 : memref<10112x128xf32, #tpu.memory_space<vmem_shared>>)
      %add3A_86 = arith.constant 2 : i32
      %add3A_87 = arith.addi %add3A_49, %add3A_86 : i32
      %lt3A = arith.constant 40 : i32
      %lt3A_88 = arith.cmpi slt, %add3A_87, %lt3A : i32
      %convert_element_type3A_89 = arith.extui %lt3A_88 : i1 to i32
      %cond3A_90 = arith.constant 0 : i32
      %cond3A_91 = arith.cmpi ne, %convert_element_type3A_89, %cond3A_90 : i32
      scf.if %cond3A_91 {
        %add3A_100 = arith.constant 2 : i32
        %add3A_101 = arith.addi %add3A_49, %add3A_100 : i32
        %dma_start3A_102 = arith.constant 0 : i32
        %dma_start3A_103 = tpu.memref_slice %arg7[%add3A_101, %dma_start3A_102] : memref<40x128xi32, #tpu.memory_space<vmem>> -> memref<1x128xi32, #tpu.memory_space<vmem>>
        %dma_start3A_104 = tpu.memref_squeeze %dma_start3A_103 : memref<1x128xi32, #tpu.memory_space<vmem>> -> memref<128xi32, #tpu.memory_space<vmem>>
        %dma_start3A_105 = arith.constant 0 : i32
        %dma_start3A_106 = arith.constant 0 : i32
        %dma_start3A_107 = tpu.memref_slice %arg2[%dma_start3A_105, %dma_start3A_106] : memref<10112x128xf32, #tpu.memory_space<hbm>> -> memref<10112x128xf32, #tpu.memory_space<hbm>>
        tpu.enqueue_indirect_dma source(%dma_start3A_107 : memref<10112x128xf32, #tpu.memory_space<hbm>>) target(%arg9 : memref<128x128xf32, #tpu.memory_space<vmem>>) offsets(%dma_start3A_104 : memref<128xi32, #tpu.memory_space<vmem>>) semaphore(%arg12 : memref<!tpu.dma_semaphore, #tpu.memory_space<semaphore_mem>>)
      } else {
      }
      %add3A_92 = arith.constant 1 : i32
      %add3A_93 = arith.addi %add3A_49, %add3A_92 : i32
      %dma_start3A_94 = arith.constant 0 : i32
      %dma_start3A_95 = tpu.memref_slice %arg8[%add3A_93, %dma_start3A_94] : memref<40x128xi32, #tpu.memory_space<vmem>> -> memref<1x128xi32, #tpu.memory_space<vmem>>
      %dma_start3A_96 = tpu.memref_squeeze %dma_start3A_95 : memref<1x128xi32, #tpu.memory_space<vmem>> -> memref<128xi32, #tpu.memory_space<vmem>>
      %dma_start3A_97 = arith.constant 0 : i32
      %dma_start3A_98 = arith.constant 0 : i32
      %dma_start3A_99 = tpu.memref_slice %arg11[%dma_start3A_97, %dma_start3A_98] : memref<10112x128xf32, #tpu.memory_space<vmem_shared>> -> memref<10112x128xf32, #tpu.memory_space<vmem_shared>>
      tpu.enqueue_indirect_dma source(%arg10 : memref<128x128xf32, #tpu.memory_space<vmem>>) target(%dma_start3A_99 : memref<10112x128xf32, #tpu.memory_space<vmem_shared>>) offsets(%dma_start3A_96 : memref<128xi32, #tpu.memory_space<vmem>>) semaphore(%arg15 : memref<!tpu.dma_semaphore, #tpu.memory_space<semaphore_mem>>) {add = true}
    }
    %scan3A_14 = arith.constant 20 : i32
    %dma_wait3A = arith.constant 0 : i32
    %dma_wait3A_15 = arith.constant 0 : i32
    %dma_wait3A_16 = tpu.memref_slice %arg8[%dma_wait3A, %dma_wait3A_15] : memref<40x128xi32, #tpu.memory_space<vmem>> -> memref<1x128xi32, #tpu.memory_space<vmem>>
    %dma_wait3A_17 = tpu.memref_squeeze %dma_wait3A_16 : memref<1x128xi32, #tpu.memory_space<vmem>> -> memref<128xi32, #tpu.memory_space<vmem>>
    %dma_wait3A_18 = arith.constant 0 : i32
    %dma_wait3A_19 = arith.constant 0 : i32
    %dma_wait3A_20 = tpu.memref_slice %arg11[%dma_wait3A_18, %dma_wait3A_19] : memref<10112x128xf32, #tpu.memory_space<vmem_shared>> -> memref<10112x128xf32, #tpu.memory_space<vmem_shared>>
    tpu.wait_indirect_dma semaphore(%arg15 : memref<!tpu.dma_semaphore, #tpu.memory_space<semaphore_mem>>) src(%arg10 : memref<128x128xf32, #tpu.memory_space<vmem>>) dst(%dma_wait3A_20 : memref<10112x128xf32, #tpu.memory_space<vmem_shared>>)
    "tpu.region"() ({
      %run_scoped3A = tpu.sem_alloc : memref<!tpu.dma_semaphore, #tpu.memory_space<semaphore_mem>>
      %dma_start3A_45 = arith.constant 0 : i32
      %dma_start3A_46 = arith.constant 0 : i32
      %dma_start3A_47 = tpu.memref_slice %arg3[%add3A, %dma_start3A_45, %dma_start3A_46] : memref<32x80x128xi32, #tpu.memory_space<hbm>> -> memref<1x80x128xi32, #tpu.memory_space<hbm>>
      %dma_start3A_48 = tpu.memref_squeeze %dma_start3A_47 : memref<1x80x128xi32, #tpu.memory_space<hbm>> -> memref<80x128xi32, #tpu.memory_space<hbm>>
      %dma_start3A_49 = arith.constant 40 : i32
      %dma_start3A_50 = arith.constant 0 : i32
      %dma_start3A_51 = tpu.memref_slice %dma_start3A_48[%dma_start3A_49, %dma_start3A_50] : memref<80x128xi32, #tpu.memory_space<hbm>> -> memref<40x128xi32, #tpu.memory_space<hbm>>
      %dma_start3A_52 = arith.constant 0 : i32
      %dma_start3A_53 = arith.constant 0 : i32
      %dma_start3A_54 = tpu.memref_slice %arg3[%add3A, %dma_start3A_52, %dma_start3A_53] : memref<32x80x128xi32, #tpu.memory_space<hbm>> -> memref<1x80x128xi32, #tpu.memory_space<hbm>>
      %dma_start3A_55 = tpu.memref_squeeze %dma_start3A_54 : memref<1x80x128xi32, #tpu.memory_space<hbm>> -> memref<80x128xi32, #tpu.memory_space<hbm>>
      %dma_start3A_56 = arith.constant 40 : i32
      %dma_start3A_57 = arith.constant 0 : i32
      %dma_start3A_58 = tpu.memref_slice %dma_start3A_55[%dma_start3A_56, %dma_start3A_57] : memref<80x128xi32, #tpu.memory_space<hbm>> -> memref<40x128xi32, #tpu.memory_space<hbm>>
      tpu.enqueue_dma source(%dma_start3A_58 : memref<40x128xi32, #tpu.memory_space<hbm>>) target(%arg7 : memref<40x128xi32, #tpu.memory_space<vmem>>) target_semaphore(%run_scoped3A : memref<!tpu.dma_semaphore, #tpu.memory_space<semaphore_mem>>)
      %dma_wait3A_59 = arith.constant 0 : i32
      %dma_wait3A_60 = arith.constant 0 : i32
      %dma_wait3A_61 = tpu.memref_slice %arg3[%add3A, %dma_wait3A_59, %dma_wait3A_60] : memref<32x80x128xi32, #tpu.memory_space<hbm>> -> memref<1x80x128xi32, #tpu.memory_space<hbm>>
      %dma_wait3A_62 = tpu.memref_squeeze %dma_wait3A_61 : memref<1x80x128xi32, #tpu.memory_space<hbm>> -> memref<80x128xi32, #tpu.memory_space<hbm>>
      %dma_wait3A_63 = arith.constant 40 : i32
      %dma_wait3A_64 = arith.constant 0 : i32
      %dma_wait3A_65 = tpu.memref_slice %dma_wait3A_62[%dma_wait3A_63, %dma_wait3A_64] : memref<80x128xi32, #tpu.memory_space<hbm>> -> memref<40x128xi32, #tpu.memory_space<hbm>>
      %dma_wait3A_66 = arith.constant 0 : i32
      %dma_wait3A_67 = arith.constant 0 : i32
      %dma_wait3A_68 = tpu.memref_slice %arg3[%add3A, %dma_wait3A_66, %dma_wait3A_67] : memref<32x80x128xi32, #tpu.memory_space<hbm>> -> memref<1x80x128xi32, #tpu.memory_space<hbm>>
      %dma_wait3A_69 = tpu.memref_squeeze %dma_wait3A_68 : memref<1x80x128xi32, #tpu.memory_space<hbm>> -> memref<80x128xi32, #tpu.memory_space<hbm>>
      %dma_wait3A_70 = arith.constant 40 : i32
      %dma_wait3A_71 = arith.constant 0 : i32
      %dma_wait3A_72 = tpu.memref_slice %dma_wait3A_69[%dma_wait3A_70, %dma_wait3A_71] : memref<80x128xi32, #tpu.memory_space<hbm>> -> memref<40x128xi32, #tpu.memory_space<hbm>>
      tpu.wait_dma2 semaphore(%run_scoped3A : memref<!tpu.dma_semaphore, #tpu.memory_space<semaphore_mem>>) src(%dma_wait3A_72 : memref<40x128xi32, #tpu.memory_space<hbm>>) dst(%arg7 : memref<40x128xi32, #tpu.memory_space<vmem>>)
      tpu.yield
    }) : () -> ()
    "tpu.region"() ({
      %run_scoped3A = tpu.sem_alloc : memref<!tpu.dma_semaphore, #tpu.memory_space<semaphore_mem>>
      %dma_start3A_45 = arith.constant 0 : i32
      %dma_start3A_46 = arith.constant 0 : i32
      %dma_start3A_47 = tpu.memref_slice %arg4[%add3A, %dma_start3A_45, %dma_start3A_46] : memref<32x80x128xi32, #tpu.memory_space<hbm>> -> memref<1x80x128xi32, #tpu.memory_space<hbm>>
      %dma_start3A_48 = tpu.memref_squeeze %dma_start3A_47 : memref<1x80x128xi32, #tpu.memory_space<hbm>> -> memref<80x128xi32, #tpu.memory_space<hbm>>
      %dma_start3A_49 = arith.constant 40 : i32
      %dma_start3A_50 = arith.constant 0 : i32
      %dma_start3A_51 = tpu.memref_slice %dma_start3A_48[%dma_start3A_49, %dma_start3A_50] : memref<80x128xi32, #tpu.memory_space<hbm>> -> memref<40x128xi32, #tpu.memory_space<hbm>>
      %dma_start3A_52 = arith.constant 0 : i32
      %dma_start3A_53 = arith.constant 0 : i32
      %dma_start3A_54 = tpu.memref_slice %arg4[%add3A, %dma_start3A_52, %dma_start3A_53] : memref<32x80x128xi32, #tpu.memory_space<hbm>> -> memref<1x80x128xi32, #tpu.memory_space<hbm>>
      %dma_start3A_55 = tpu.memref_squeeze %dma_start3A_54 : memref<1x80x128xi32, #tpu.memory_space<hbm>> -> memref<80x128xi32, #tpu.memory_space<hbm>>
      %dma_start3A_56 = arith.constant 40 : i32
      %dma_start3A_57 = arith.constant 0 : i32
      %dma_start3A_58 = tpu.memref_slice %dma_start3A_55[%dma_start3A_56, %dma_start3A_57] : memref<80x128xi32, #tpu.memory_space<hbm>> -> memref<40x128xi32, #tpu.memory_space<hbm>>
      tpu.enqueue_dma source(%dma_start3A_58 : memref<40x128xi32, #tpu.memory_space<hbm>>) target(%arg8 : memref<40x128xi32, #tpu.memory_space<vmem>>) target_semaphore(%run_scoped3A : memref<!tpu.dma_semaphore, #tpu.memory_space<semaphore_mem>>)
      %dma_wait3A_59 = arith.constant 0 : i32
      %dma_wait3A_60 = arith.constant 0 : i32
      %dma_wait3A_61 = tpu.memref_slice %arg4[%add3A, %dma_wait3A_59, %dma_wait3A_60] : memref<32x80x128xi32, #tpu.memory_space<hbm>> -> memref<1x80x128xi32, #tpu.memory_space<hbm>>
      %dma_wait3A_62 = tpu.memref_squeeze %dma_wait3A_61 : memref<1x80x128xi32, #tpu.memory_space<hbm>> -> memref<80x128xi32, #tpu.memory_space<hbm>>
      %dma_wait3A_63 = arith.constant 40 : i32
      %dma_wait3A_64 = arith.constant 0 : i32
      %dma_wait3A_65 = tpu.memref_slice %dma_wait3A_62[%dma_wait3A_63, %dma_wait3A_64] : memref<80x128xi32, #tpu.memory_space<hbm>> -> memref<40x128xi32, #tpu.memory_space<hbm>>
      %dma_wait3A_66 = arith.constant 0 : i32
      %dma_wait3A_67 = arith.constant 0 : i32
      %dma_wait3A_68 = tpu.memref_slice %arg4[%add3A, %dma_wait3A_66, %dma_wait3A_67] : memref<32x80x128xi32, #tpu.memory_space<hbm>> -> memref<1x80x128xi32, #tpu.memory_space<hbm>>
      %dma_wait3A_69 = tpu.memref_squeeze %dma_wait3A_68 : memref<1x80x128xi32, #tpu.memory_space<hbm>> -> memref<80x128xi32, #tpu.memory_space<hbm>>
      %dma_wait3A_70 = arith.constant 40 : i32
      %dma_wait3A_71 = arith.constant 0 : i32
      %dma_wait3A_72 = tpu.memref_slice %dma_wait3A_69[%dma_wait3A_70, %dma_wait3A_71] : memref<80x128xi32, #tpu.memory_space<hbm>> -> memref<40x128xi32, #tpu.memory_space<hbm>>
      tpu.wait_dma2 semaphore(%run_scoped3A : memref<!tpu.dma_semaphore, #tpu.memory_space<semaphore_mem>>) src(%dma_wait3A_72 : memref<40x128xi32, #tpu.memory_space<hbm>>) dst(%arg8 : memref<40x128xi32, #tpu.memory_space<vmem>>)
      tpu.yield
    }) : () -> ()
    %dma_start3A_21 = arith.constant 0 : i32
    %dma_start3A_22 = arith.constant 0 : i32
    %dma_start3A_23 = tpu.memref_slice %arg7[%dma_start3A_21, %dma_start3A_22] : memref<40x128xi32, #tpu.memory_space<vmem>> -> memref<1x128xi32, #tpu.memory_space<vmem>>
    %dma_start3A_24 = tpu.memref_squeeze %dma_start3A_23 : memref<1x128xi32, #tpu.memory_space<vmem>> -> memref<128xi32, #tpu.memory_space<vmem>>
    %dma_start3A_25 = arith.constant 0 : i32
    %dma_start3A_26 = arith.constant 0 : i32
    %dma_start3A_27 = tpu.memref_slice %arg2[%dma_start3A_25, %dma_start3A_26] : memref<10112x128xf32, #tpu.memory_space<hbm>> -> memref<10112x128xf32, #tpu.memory_space<hbm>>
    tpu.enqueue_indirect_dma source(%dma_start3A_27 : memref<10112x128xf32, #tpu.memory_space<hbm>>) target(%arg9 : memref<128x128xf32, #tpu.memory_space<vmem>>) offsets(%dma_start3A_24 : memref<128xi32, #tpu.memory_space<vmem>>) semaphore(%arg12 : memref<!tpu.dma_semaphore, #tpu.memory_space<semaphore_mem>>)
    %scan3A_28 = arith.constant 0 : i32
    %scan3A_29 = arith.constant 20 : i32
    %scan3A_30 = arith.addi %scan3A_28, %scan3A_29 : i32
    %scan3A_31 = arith.constant 1 : i32
    scf.for %scan3A_45 = %scan3A_28 to %scan3A_30 step %scan3A_31  : i32 {
      %mul3A_46 = arith.constant 2 : i32
      %mul3A_47 = arith.muli %scan3A_45, %mul3A_46 : i32
      %add3A_48 = arith.constant 0 : i32
      %add3A_49 = arith.addi %add3A_48, %mul3A_47 : i32
      %dma_wait3A_50 = arith.constant 0 : i32
      %dma_wait3A_51 = tpu.memref_slice %arg7[%add3A_49, %dma_wait3A_50] : memref<40x128xi32, #tpu.memory_space<vmem>> -> memref<1x128xi32, #tpu.memory_space<vmem>>
      %dma_wait3A_52 = tpu.memref_squeeze %dma_wait3A_51 : memref<1x128xi32, #tpu.memory_space<vmem>> -> memref<128xi32, #tpu.memory_space<vmem>>
      %dma_wait3A_53 = arith.constant 0 : i32
      %dma_wait3A_54 = arith.constant 0 : i32
      %dma_wait3A_55 = tpu.memref_slice %arg2[%dma_wait3A_53, %dma_wait3A_54] : memref<10112x128xf32, #tpu.memory_space<hbm>> -> memref<10112x128xf32, #tpu.memory_space<hbm>>
      tpu.wait_indirect_dma semaphore(%arg12 : memref<!tpu.dma_semaphore, #tpu.memory_space<semaphore_mem>>) src(%dma_wait3A_55 : memref<10112x128xf32, #tpu.memory_space<hbm>>) dst(%arg9 : memref<128x128xf32, #tpu.memory_space<vmem>>)
      %gt3A = arith.constant 0 : i32
      %gt3A_56 = arith.cmpi sgt, %add3A_49, %gt3A : i32
      %convert_element_type3A = arith.extui %gt3A_56 : i1 to i32
      %cond3A = arith.constant 0 : i32
      %cond3A_57 = arith.cmpi ne, %convert_element_type3A, %cond3A : i32
      scf.if %cond3A_57 {
        %dma_wait3A_100 = arith.constant 0 : i32
        %dma_wait3A_101 = tpu.memref_slice %arg8[%add3A_49, %dma_wait3A_100] : memref<40x128xi32, #tpu.memory_space<vmem>> -> memref<1x128xi32, #tpu.memory_space<vmem>>
        %dma_wait3A_102 = tpu.memref_squeeze %dma_wait3A_101 : memref<1x128xi32, #tpu.memory_space<vmem>> -> memref<128xi32, #tpu.memory_space<vmem>>
        %dma_wait3A_103 = arith.constant 0 : i32
        %dma_wait3A_104 = arith.constant 0 : i32
        %dma_wait3A_105 = tpu.memref_slice %arg11[%dma_wait3A_103, %dma_wait3A_104] : memref<10112x128xf32, #tpu.memory_space<vmem_shared>> -> memref<10112x128xf32, #tpu.memory_space<vmem_shared>>
        tpu.wait_indirect_dma semaphore(%arg15 : memref<!tpu.dma_semaphore, #tpu.memory_space<semaphore_mem>>) src(%arg10 : memref<128x128xf32, #tpu.memory_space<vmem>>) dst(%dma_wait3A_105 : memref<10112x128xf32, #tpu.memory_space<vmem_shared>>)
      } else {
      }
      %add3A_58 = arith.constant 1 : i32
      %add3A_59 = arith.addi %add3A_49, %add3A_58 : i32
      %dma_start3A_60 = arith.constant 0 : i32
      %dma_start3A_61 = tpu.memref_slice %arg7[%add3A_59, %dma_start3A_60] : memref<40x128xi32, #tpu.memory_space<vmem>> -> memref<1x128xi32, #tpu.memory_space<vmem>>
      %dma_start3A_62 = tpu.memref_squeeze %dma_start3A_61 : memref<1x128xi32, #tpu.memory_space<vmem>> -> memref<128xi32, #tpu.memory_space<vmem>>
      %dma_start3A_63 = arith.constant 0 : i32
      %dma_start3A_64 = arith.constant 0 : i32
      %dma_start3A_65 = tpu.memref_slice %arg2[%dma_start3A_63, %dma_start3A_64] : memref<10112x128xf32, #tpu.memory_space<hbm>> -> memref<10112x128xf32, #tpu.memory_space<hbm>>
      tpu.enqueue_indirect_dma source(%dma_start3A_65 : memref<10112x128xf32, #tpu.memory_space<hbm>>) target(%arg10 : memref<128x128xf32, #tpu.memory_space<vmem>>) offsets(%dma_start3A_62 : memref<128xi32, #tpu.memory_space<vmem>>) semaphore(%arg13 : memref<!tpu.dma_semaphore, #tpu.memory_space<semaphore_mem>>)
      %dma_start3A_66 = arith.constant 0 : i32
      %dma_start3A_67 = tpu.memref_slice %arg8[%add3A_49, %dma_start3A_66] : memref<40x128xi32, #tpu.memory_space<vmem>> -> memref<1x128xi32, #tpu.memory_space<vmem>>
      %dma_start3A_68 = tpu.memref_squeeze %dma_start3A_67 : memref<1x128xi32, #tpu.memory_space<vmem>> -> memref<128xi32, #tpu.memory_space<vmem>>
      %dma_start3A_69 = arith.constant 0 : i32
      %dma_start3A_70 = arith.constant 0 : i32
      %dma_start3A_71 = tpu.memref_slice %arg11[%dma_start3A_69, %dma_start3A_70] : memref<10112x128xf32, #tpu.memory_space<vmem_shared>> -> memref<10112x128xf32, #tpu.memory_space<vmem_shared>>
      tpu.enqueue_indirect_dma source(%arg9 : memref<128x128xf32, #tpu.memory_space<vmem>>) target(%dma_start3A_71 : memref<10112x128xf32, #tpu.memory_space<vmem_shared>>) offsets(%dma_start3A_68 : memref<128xi32, #tpu.memory_space<vmem>>) semaphore(%arg14 : memref<!tpu.dma_semaphore, #tpu.memory_space<semaphore_mem>>) {add = true}
      %add3A_72 = arith.constant 1 : i32
      %add3A_73 = arith.addi %add3A_49, %add3A_72 : i32
      %dma_wait3A_74 = arith.constant 0 : i32
      %dma_wait3A_75 = tpu.memref_slice %arg7[%add3A_73, %dma_wait3A_74] : memref<40x128xi32, #tpu.memory_space<vmem>> -> memref<1x128xi32, #tpu.memory_space<vmem>>
      %dma_wait3A_76 = tpu.memref_squeeze %dma_wait3A_75 : memref<1x128xi32, #tpu.memory_space<vmem>> -> memref<128xi32, #tpu.memory_space<vmem>>
      %dma_wait3A_77 = arith.constant 0 : i32
      %dma_wait3A_78 = arith.constant 0 : i32
      %dma_wait3A_79 = tpu.memref_slice %arg2[%dma_wait3A_77, %dma_wait3A_78] : memref<10112x128xf32, #tpu.memory_space<hbm>> -> memref<10112x128xf32, #tpu.memory_space<hbm>>
      tpu.wait_indirect_dma semaphore(%arg13 : memref<!tpu.dma_semaphore, #tpu.memory_space<semaphore_mem>>) src(%dma_wait3A_79 : memref<10112x128xf32, #tpu.memory_space<hbm>>) dst(%arg10 : memref<128x128xf32, #tpu.memory_space<vmem>>)
      %dma_wait3A_80 = arith.constant 0 : i32
      %dma_wait3A_81 = tpu.memref_slice %arg8[%add3A_49, %dma_wait3A_80] : memref<40x128xi32, #tpu.memory_space<vmem>> -> memref<1x128xi32, #tpu.memory_space<vmem>>
      %dma_wait3A_82 = tpu.memref_squeeze %dma_wait3A_81 : memref<1x128xi32, #tpu.memory_space<vmem>> -> memref<128xi32, #tpu.memory_space<vmem>>
      %dma_wait3A_83 = arith.constant 0 : i32
      %dma_wait3A_84 = arith.constant 0 : i32
      %dma_wait3A_85 = tpu.memref_slice %arg11[%dma_wait3A_83, %dma_wait3A_84] : memref<10112x128xf32, #tpu.memory_space<vmem_shared>> -> memref<10112x128xf32, #tpu.memory_space<vmem_shared>>
      tpu.wait_indirect_dma semaphore(%arg14 : memref<!tpu.dma_semaphore, #tpu.memory_space<semaphore_mem>>) src(%arg9 : memref<128x128xf32, #tpu.memory_space<vmem>>) dst(%dma_wait3A_85 : memref<10112x128xf32, #tpu.memory_space<vmem_shared>>)
      %add3A_86 = arith.constant 2 : i32
      %add3A_87 = arith.addi %add3A_49, %add3A_86 : i32
      %lt3A = arith.constant 40 : i32
      %lt3A_88 = arith.cmpi slt, %add3A_87, %lt3A : i32
      %convert_element_type3A_89 = arith.extui %lt3A_88 : i1 to i32
      %cond3A_90 = arith.constant 0 : i32
      %cond3A_91 = arith.cmpi ne, %convert_element_type3A_89, %cond3A_90 : i32
      scf.if %cond3A_91 {
        %add3A_100 = arith.constant 2 : i32
        %add3A_101 = arith.addi %add3A_49, %add3A_100 : i32
        %dma_start3A_102 = arith.constant 0 : i32
        %dma_start3A_103 = tpu.memref_slice %arg7[%add3A_101, %dma_start3A_102] : memref<40x128xi32, #tpu.memory_space<vmem>> -> memref<1x128xi32, #tpu.memory_space<vmem>>
        %dma_start3A_104 = tpu.memref_squeeze %dma_start3A_103 : memref<1x128xi32, #tpu.memory_space<vmem>> -> memref<128xi32, #tpu.memory_space<vmem>>
        %dma_start3A_105 = arith.constant 0 : i32
        %dma_start3A_106 = arith.constant 0 : i32
        %dma_start3A_107 = tpu.memref_slice %arg2[%dma_start3A_105, %dma_start3A_106] : memref<10112x128xf32, #tpu.memory_space<hbm>> -> memref<10112x128xf32, #tpu.memory_space<hbm>>
        tpu.enqueue_indirect_dma source(%dma_start3A_107 : memref<10112x128xf32, #tpu.memory_space<hbm>>) target(%arg9 : memref<128x128xf32, #tpu.memory_space<vmem>>) offsets(%dma_start3A_104 : memref<128xi32, #tpu.memory_space<vmem>>) semaphore(%arg12 : memref<!tpu.dma_semaphore, #tpu.memory_space<semaphore_mem>>)
      } else {
      }
      %add3A_92 = arith.constant 1 : i32
      %add3A_93 = arith.addi %add3A_49, %add3A_92 : i32
      %dma_start3A_94 = arith.constant 0 : i32
      %dma_start3A_95 = tpu.memref_slice %arg8[%add3A_93, %dma_start3A_94] : memref<40x128xi32, #tpu.memory_space<vmem>> -> memref<1x128xi32, #tpu.memory_space<vmem>>
      %dma_start3A_96 = tpu.memref_squeeze %dma_start3A_95 : memref<1x128xi32, #tpu.memory_space<vmem>> -> memref<128xi32, #tpu.memory_space<vmem>>
      %dma_start3A_97 = arith.constant 0 : i32
      %dma_start3A_98 = arith.constant 0 : i32
      %dma_start3A_99 = tpu.memref_slice %arg11[%dma_start3A_97, %dma_start3A_98] : memref<10112x128xf32, #tpu.memory_space<vmem_shared>> -> memref<10112x128xf32, #tpu.memory_space<vmem_shared>>
      tpu.enqueue_indirect_dma source(%arg10 : memref<128x128xf32, #tpu.memory_space<vmem>>) target(%dma_start3A_99 : memref<10112x128xf32, #tpu.memory_space<vmem_shared>>) offsets(%dma_start3A_96 : memref<128xi32, #tpu.memory_space<vmem>>) semaphore(%arg15 : memref<!tpu.dma_semaphore, #tpu.memory_space<semaphore_mem>>) {add = true}
    }
    %scan3A_32 = arith.constant 20 : i32
    %dma_wait3A_33 = arith.constant 0 : i32
    %dma_wait3A_34 = arith.constant 0 : i32
    %dma_wait3A_35 = tpu.memref_slice %arg8[%dma_wait3A_33, %dma_wait3A_34] : memref<40x128xi32, #tpu.memory_space<vmem>> -> memref<1x128xi32, #tpu.memory_space<vmem>>
    %dma_wait3A_36 = tpu.memref_squeeze %dma_wait3A_35 : memref<1x128xi32, #tpu.memory_space<vmem>> -> memref<128xi32, #tpu.memory_space<vmem>>
    %dma_wait3A_37 = arith.constant 0 : i32
    %dma_wait3A_38 = arith.constant 0 : i32
    %dma_wait3A_39 = tpu.memref_slice %arg11[%dma_wait3A_37, %dma_wait3A_38] : memref<10112x128xf32, #tpu.memory_space<vmem_shared>> -> memref<10112x128xf32, #tpu.memory_space<vmem_shared>>
    tpu.wait_indirect_dma semaphore(%arg15 : memref<!tpu.dma_semaphore, #tpu.memory_space<semaphore_mem>>) src(%arg10 : memref<128x128xf32, #tpu.memory_space<vmem>>) dst(%dma_wait3A_39 : memref<10112x128xf32, #tpu.memory_space<vmem_shared>>)
    %barrier3A_40 = arith.constant 0 : index
    tpu.barrier barrier_id(%barrier3A_40)
    %mul3A_41 = arith.constant 632 : i32
    %mul3A_42 = arith.muli %arg1, %mul3A_41 : i32
    %mul3A_43 = arith.constant 632 : i32
    %mul3A_44 = arith.muli %arg1, %mul3A_43 : i32
    "tpu.region"() ({
      %run_scoped3A = tpu.sem_alloc : memref<!tpu.dma_semaphore, #tpu.memory_space<semaphore_mem>>
      %dma_start3A_45 = arith.constant 0 : i32
      %dma_start3A_46 = arith.constant 0 : i32
      %dma_start3A_47 = tpu.memref_slice %arg6[%arg0, %dma_start3A_45, %dma_start3A_46] : memref<2x10112x128xf32, #tpu.memory_space<hbm>> -> memref<1x10112x128xf32, #tpu.memory_space<hbm>>
      %dma_start3A_48 = tpu.memref_squeeze %dma_start3A_47 : memref<1x10112x128xf32, #tpu.memory_space<hbm>> -> memref<10112x128xf32, #tpu.memory_space<hbm>>
      %dma_start3A_49 = arith.constant 0 : i32
      %dma_start3A_50 = tpu.memref_slice %dma_start3A_48[%mul3A_44, %dma_start3A_49] : memref<10112x128xf32, #tpu.memory_space<hbm>> -> memref<632x128xf32, #tpu.memory_space<hbm>>
      %dma_start3A_51 = arith.constant 0 : i32
      %dma_start3A_52 = tpu.memref_slice %arg11[%mul3A_42, %dma_start3A_51] : memref<10112x128xf32, #tpu.memory_space<vmem_shared>> -> memref<632x128xf32, #tpu.memory_space<vmem_shared>>
      tpu.enqueue_dma source(%dma_start3A_52 : memref<632x128xf32, #tpu.memory_space<vmem_shared>>) target(%dma_start3A_50 : memref<632x128xf32, #tpu.memory_space<hbm>>) target_semaphore(%run_scoped3A : memref<!tpu.dma_semaphore, #tpu.memory_space<semaphore_mem>>)
      %dma_wait3A_53 = arith.constant 0 : i32
      %dma_wait3A_54 = arith.constant 0 : i32
      %dma_wait3A_55 = tpu.memref_slice %arg6[%arg0, %dma_wait3A_53, %dma_wait3A_54] : memref<2x10112x128xf32, #tpu.memory_space<hbm>> -> memref<1x10112x128xf32, #tpu.memory_space<hbm>>
      %dma_wait3A_56 = tpu.memref_squeeze %dma_wait3A_55 : memref<1x10112x128xf32, #tpu.memory_space<hbm>> -> memref<10112x128xf32, #tpu.memory_space<hbm>>
      %dma_wait3A_57 = arith.constant 0 : i32
      %dma_wait3A_58 = tpu.memref_slice %dma_wait3A_56[%mul3A_44, %dma_wait3A_57] : memref<10112x128xf32, #tpu.memory_space<hbm>> -> memref<632x128xf32, #tpu.memory_space<hbm>>
      %dma_wait3A_59 = arith.constant 0 : i32
      %dma_wait3A_60 = tpu.memref_slice %arg11[%mul3A_42, %dma_wait3A_59] : memref<10112x128xf32, #tpu.memory_space<vmem_shared>> -> memref<632x128xf32, #tpu.memory_space<vmem_shared>>
      tpu.wait_dma2 semaphore(%run_scoped3A : memref<!tpu.dma_semaphore, #tpu.memory_space<semaphore_mem>>) src(%dma_wait3A_60 : memref<632x128xf32, #tpu.memory_space<vmem_shared>>) dst(%dma_wait3A_58 : memref<632x128xf32, #tpu.memory_space<hbm>>)
      tpu.yield
    }) : () -> ()
    return
  }
}

module attributes {stable_mosaic.version = 14 : i64} {
  func.func @body(%arg0: memref<32x10112xf32, #tpu.memory_space<vmem>>, %arg1: memref<10112x128xf32, #tpu.memory_space<vmem>>, %arg2: memref<128x128xf32, #tpu.memory_space<vmem>>, %arg3: memref<10112x1xf32, #tpu.memory_space<vmem>>, %arg4: memref<10112x128xf32, #tpu.memory_space<vmem>>) attributes {dimension_semantics = [], scalar_prefetch = 0 : i64, scratch_operands = 0 : i64, tpu.core_type = #tpu.core_type<tc>} {
    %get3A = arith.constant 0 : index
    %get3A_0 = arith.constant 0 : index
    %get3A_1 = vector.load %arg0[%get3A, %get3A_0] : memref<32x10112xf32, #tpu.memory_space<vmem>>, vector<32x10112xf32>
    %reduce_sum3A = arith.constant dense<0.000000e+00> : vector<10112xf32>
    %reduce_sum3A_2 = vector.multi_reduction <add>, %get3A_1, %reduce_sum3A [0] : vector<32x10112xf32> to vector<10112xf32>
    %add3A = arith.constant 1.000000e+00 : f32
    %add3A_3 = vector.broadcast %add3A : f32 to vector<10112xf32>
    %add3A_4 = arith.addf %reduce_sum3A_2, %add3A_3 : vector<10112xf32>
    %rsqrt3A = math.rsqrt %add3A_4 : vector<10112xf32>
    %broadcast_in_dim3A = vector.shape_cast %rsqrt3A : vector<10112xf32> to vector<10112x1xf32>
    %swap3A = arith.constant 0 : index
    %swap3A_5 = arith.constant 0 : index
    %swap3A_6 = vector.load %arg3[%swap3A, %swap3A_5] : memref<10112x1xf32, #tpu.memory_space<vmem>>, vector<10112x1xf32>
    tpu.vector_store %arg3[%swap3A, %swap3A_5], %broadcast_in_dim3A {strides = array<i32>} : memref<10112x1xf32, #tpu.memory_space<vmem>>, vector<10112x1xf32>,
    %get3A_7 = arith.constant 0 : index
    %get3A_8 = arith.constant 0 : index
    %get3A_9 = vector.load %arg1[%get3A_7, %get3A_8] : memref<10112x128xf32, #tpu.memory_space<vmem>>, vector<10112x128xf32>
    %get3A_10 = arith.constant 0 : index
    %get3A_11 = arith.constant 0 : index
    %get3A_12 = vector.load %arg2[%get3A_10, %get3A_11] : memref<128x128xf32, #tpu.memory_space<vmem>>, vector<128x128xf32>
    %dot_general3A = arith.constant dense<0.000000e+00> : vector<10112x128xf32>
    %dot_general3A_13 = tpu.matmul %get3A_9, %get3A_12, %dot_general3A {dimension_numbers = #tpu.dot_dimension_numbers<[1], [0], [0], [1], [0, 0, 1, 1], [], []>, transpose_lhs_hint = false} : vector<10112x128xf32>, vector<128x128xf32>, vector<10112x128xf32> -> vector<10112x128xf32>
    %broadcast_in_dim3A_14 = vector.shape_cast %rsqrt3A : vector<10112xf32> to vector<10112x1xf32>
    %mul3A = vector.broadcast %broadcast_in_dim3A_14 : vector<10112x1xf32> to vector<10112x128xf32>
    %mul3A_15 = arith.mulf %dot_general3A_13, %mul3A : vector<10112x128xf32>
    %swap3A_16 = arith.constant 0 : index
    %swap3A_17 = arith.constant 0 : index
    %swap3A_18 = vector.load %arg4[%swap3A_16, %swap3A_17] : memref<10112x128xf32, #tpu.memory_space<vmem>>, vector<10112x128xf32>
    tpu.vector_store %arg4[%swap3A_16, %swap3A_17], %mul3A_15 {strides = array<i32>} : memref<10112x128xf32, #tpu.memory_space<vmem>>, vector<10112x128xf32>,
    return
  }
}

module attributes {stable_mosaic.version = 14 : i64} {
  func.func @body(%arg0: memref<2x10112x128xf32, #tpu.memory_space<vmem>>, %arg1: memref<10112x128xf32, #tpu.memory_space<vmem>>, %arg2: memref<10112x1xf32, #tpu.memory_space<vmem>>, %arg3: memref<128xf32, #tpu.memory_space<vmem>>, %arg4: memref<128x128xf32, #tpu.memory_space<vmem>>, %arg5: memref<10112x128xf32, #tpu.memory_space<vmem>>) attributes {dimension_semantics = [], scalar_prefetch = 0 : i64, scratch_operands = 0 : i64, tpu.core_type = #tpu.core_type<tc>} {
    %get3A = arith.constant 0 : index
    %get3A_0 = arith.constant 0 : index
    %get3A_1 = vector.load %arg2[%get3A, %get3A_0] : memref<10112x1xf32, #tpu.memory_space<vmem>>, vector<10112x1xf32>
    %get3A_2 = arith.constant 0 : index
    %get3A_3 = arith.constant 0 : index
    %get3A_4 = arith.constant 0 : index
    %get3A_5 = vector.load %arg0[%get3A_2, %get3A_3, %get3A_4] : memref<2x10112x128xf32, #tpu.memory_space<vmem>>, vector<1x10112x128xf32>
    %get3A_6 = vector.shape_cast %get3A_5 : vector<1x10112x128xf32> to vector<10112x128xf32>
    %get3A_7 = arith.constant 1 : index
    %get3A_8 = arith.constant 0 : index
    %get3A_9 = arith.constant 0 : index
    %get3A_10 = vector.load %arg0[%get3A_7, %get3A_8, %get3A_9] : memref<2x10112x128xf32, #tpu.memory_space<vmem>>, vector<1x10112x128xf32>
    %get3A_11 = vector.shape_cast %get3A_10 : vector<1x10112x128xf32> to vector<10112x128xf32>
    %add3A = arith.addf %get3A_6, %get3A_11 : vector<10112x128xf32>
    %get3A_12 = arith.constant 0 : index
    %get3A_13 = arith.constant 0 : index
    %get3A_14 = vector.load %arg1[%get3A_12, %get3A_13] : memref<10112x128xf32, #tpu.memory_space<vmem>>, vector<10112x128xf32>
    %add3A_15 = arith.addf %add3A, %get3A_14 : vector<10112x128xf32>
    %mul3A = vector.broadcast %get3A_1 : vector<10112x1xf32> to vector<10112x128xf32>
    %mul3A_16 = arith.mulf %mul3A, %add3A_15 : vector<10112x128xf32>
    %get3A_17 = arith.constant 0 : index
    %get3A_18 = vector.load %arg3[%get3A_17] : memref<128xf32, #tpu.memory_space<vmem>>, vector<128xf32>
    %broadcast_in_dim3A = vector.shape_cast %get3A_18 : vector<128xf32> to vector<1x128xf32>
    %add3A_19 = vector.broadcast %broadcast_in_dim3A : vector<1x128xf32> to vector<10112x128xf32>
    %add3A_20 = arith.addf %mul3A_16, %add3A_19 : vector<10112x128xf32>
    %max3A = arith.constant 0.000000e+00 : f32
    %max3A_21 = vector.broadcast %max3A : f32 to vector<10112x128xf32>
    %max3A_22 = arith.maximumf %add3A_20, %max3A_21 : vector<10112x128xf32>
    %get3A_23 = arith.constant 0 : index
    %get3A_24 = arith.constant 0 : index
    %get3A_25 = vector.load %arg4[%get3A_23, %get3A_24] : memref<128x128xf32, #tpu.memory_space<vmem>>, vector<128x128xf32>
    %dot_general3A = arith.constant dense<0.000000e+00> : vector<10112x128xf32>
    %dot_general3A_26 = tpu.matmul %max3A_22, %get3A_25, %dot_general3A {dimension_numbers = #tpu.dot_dimension_numbers<[1], [0], [0], [1], [0, 0, 1, 1], [], []>, transpose_lhs_hint = false} : vector<10112x128xf32>, vector<128x128xf32>, vector<10112x128xf32> -> vector<10112x128xf32>
    %mul3A_27 = vector.broadcast %get3A_1 : vector<10112x1xf32> to vector<10112x128xf32>
    %mul3A_28 = arith.mulf %dot_general3A_26, %mul3A_27 : vector<10112x128xf32>
    %swap3A = arith.constant 0 : index
    %swap3A_29 = arith.constant 0 : index
    %swap3A_30 = vector.load %arg5[%swap3A, %swap3A_29] : memref<10112x128xf32, #tpu.memory_space<vmem>>, vector<10112x128xf32>
    tpu.vector_store %arg5[%swap3A, %swap3A_29], %mul3A_28 {strides = array<i32>} : memref<10112x128xf32, #tpu.memory_space<vmem>>, vector<10112x128xf32>,
    return
  }
}

module attributes {stable_mosaic.version = 14 : i64} {
  func.func @body(%arg0: memref<2x10112x128xf32, #tpu.memory_space<vmem>>, %arg1: memref<10112x128xf32, #tpu.memory_space<vmem>>, %arg2: memref<10112x1xf32, #tpu.memory_space<vmem>>, %arg3: memref<128xf32, #tpu.memory_space<vmem>>, %arg4: memref<10112x128xf32, #tpu.memory_space<vmem>>) attributes {dimension_semantics = [], scalar_prefetch = 0 : i64, scratch_operands = 0 : i64, tpu.core_type = #tpu.core_type<tc>} {
    %get3A = arith.constant 0 : index
    %get3A_0 = arith.constant 0 : index
    %get3A_1 = vector.load %arg2[%get3A, %get3A_0] : memref<10112x1xf32, #tpu.memory_space<vmem>>, vector<10112x1xf32>
    %get3A_2 = arith.constant 0 : index
    %get3A_3 = arith.constant 0 : index
    %get3A_4 = arith.constant 0 : index
    %get3A_5 = vector.load %arg0[%get3A_2, %get3A_3, %get3A_4] : memref<2x10112x128xf32, #tpu.memory_space<vmem>>, vector<1x10112x128xf32>
    %get3A_6 = vector.shape_cast %get3A_5 : vector<1x10112x128xf32> to vector<10112x128xf32>
    %get3A_7 = arith.constant 1 : index
    %get3A_8 = arith.constant 0 : index
    %get3A_9 = arith.constant 0 : index
    %get3A_10 = vector.load %arg0[%get3A_7, %get3A_8, %get3A_9] : memref<2x10112x128xf32, #tpu.memory_space<vmem>>, vector<1x10112x128xf32>
    %get3A_11 = vector.shape_cast %get3A_10 : vector<1x10112x128xf32> to vector<10112x128xf32>
    %add3A = arith.addf %get3A_6, %get3A_11 : vector<10112x128xf32>
    %get3A_12 = arith.constant 0 : index
    %get3A_13 = arith.constant 0 : index
    %get3A_14 = vector.load %arg1[%get3A_12, %get3A_13] : memref<10112x128xf32, #tpu.memory_space<vmem>>, vector<10112x128xf32>
    %add3A_15 = arith.addf %add3A, %get3A_14 : vector<10112x128xf32>
    %mul3A = vector.broadcast %get3A_1 : vector<10112x1xf32> to vector<10112x128xf32>
    %mul3A_16 = arith.mulf %mul3A, %add3A_15 : vector<10112x128xf32>
    %get3A_17 = arith.constant 0 : index
    %get3A_18 = vector.load %arg3[%get3A_17] : memref<128xf32, #tpu.memory_space<vmem>>, vector<128xf32>
    %broadcast_in_dim3A = vector.shape_cast %get3A_18 : vector<128xf32> to vector<1x128xf32>
    %add3A_19 = vector.broadcast %broadcast_in_dim3A : vector<1x128xf32> to vector<10112x128xf32>
    %add3A_20 = arith.addf %mul3A_16, %add3A_19 : vector<10112x128xf32>
    %swap3A = arith.constant 0 : index
    %swap3A_21 = arith.constant 0 : index
    %swap3A_22 = vector.load %arg4[%swap3A, %swap3A_21] : memref<10112x128xf32, #tpu.memory_space<vmem>>, vector<10112x128xf32>
    tpu.vector_store %arg4[%swap3A, %swap3A_21], %add3A_20 {strides = array<i32>} : memref<10112x128xf32, #tpu.memory_space<vmem>>, vector<10112x128xf32>,
    return
  }
}

module attributes {stable_mosaic.version = 14 : i64} {
  func.func @body(%arg0: i32, %arg1: memref<13312x128xf32, #tpu.memory_space<vmem>>, %arg2: memref<13312x128xf32, #tpu.memory_space<vmem>>, %arg3: memref<8x1664xf32, #tpu.memory_space<vmem>>) attributes {dimension_semantics = [#tpu.dimension_semantics<arbitrary>], iteration_bounds = array<i64: 8>, scalar_prefetch = 0 : i64, scratch_operands = 0 : i64, tpu.core_type = #tpu.core_type<tc>, window_params = [{transform_indices = @transform_0, window_bounds = array<i64: 13312, 128>}, {transform_indices = @transform_1, window_bounds = array<i64: 13312, 128>}, {transform_indices = @transform_2, window_bounds = array<i64: 8, 1664>}]} {
    %get3A = arith.constant 0 : index
    %get3A_0 = arith.constant 0 : index
    %get3A_1 = vector.load %arg1[%get3A, %get3A_0] : memref<13312x128xf32, #tpu.memory_space<vmem>>, vector<13312x128xf32>
    %get3A_2 = arith.constant 0 : index
    %get3A_3 = arith.constant 0 : index
    %get3A_4 = vector.load %arg2[%get3A_2, %get3A_3] : memref<13312x128xf32, #tpu.memory_space<vmem>>, vector<13312x128xf32>
    %mul3A = arith.mulf %get3A_1, %get3A_4 : vector<13312x128xf32>
    %reduce_sum3A = arith.constant dense<0.000000e+00> : vector<13312xf32>
    %reduce_sum3A_5 = vector.multi_reduction <add>, %mul3A, %reduce_sum3A [1] : vector<13312x128xf32> to vector<13312xf32>
    %reshape3A = vector.shape_cast %reduce_sum3A_5 : vector<13312xf32> to vector<8x1664xf32>
    %swap3A = arith.constant 0 : index
    %swap3A_6 = arith.constant 0 : index
    %swap3A_7 = vector.load %arg3[%swap3A, %swap3A_6] : memref<8x1664xf32, #tpu.memory_space<vmem>>, vector<8x1664xf32>
    tpu.vector_store %arg3[%swap3A, %swap3A_6], %reshape3A {strides = array<i32>} : memref<8x1664xf32, #tpu.memory_space<vmem>>, vector<8x1664xf32>,
    return
  }
  func.func @transform_0(%arg0: i32) -> (i32, i32) {
    %c0_i32 = arith.constant 0 : i32
    %c0_i32_0 = arith.constant 0 : i32
    return %arg0, %c0_i32 : i32, i32
  }
  func.func @transform_1(%arg0: i32) -> (i32, i32) {
    %c0_i32 = arith.constant 0 : i32
    %c0_i32_0 = arith.constant 0 : i32
    return %arg0, %c0_i32 : i32, i32
  }
  func.func @transform_2(%arg0: i32) -> (i32, i32) {
    %c0_i32 = arith.constant 0 : i32
    %c0_i32_0 = arith.constant 0 : i32
    return %arg0, %c0_i32 : i32, i32
  }
}

</mosaic_0001>

<sc_bundles>
// kernel: kernel.10.cloned.1.call-start
scs
__scs_entry_jumppad:
0x0: {  	(pc) =	sbr.rel $0x88, $3  }
0x1: {  	(tag) =	ssettag $0x0;
	lr =	simm.s32 $0x1  }
0x2: {  	[smem:$0x3F9A] =	sst lr;
	_ =	strace $0xD0000000  }
0x3: {  	_ = 	snop  }
0x4: {  	_ = 	snop  }
0x5: {  	_ = 	snop  }
0x6: {  	_ = 	snop  }
0x7: {  	_ = 	snop  }
__scs_overlays_trampoline_lowered:
0x8: {  	[smem:$0x3FA9] =	sst s0  }
0x9: {  	[smem:$0x3FAA] =	sst s1  }
0xa: {  	[smem:$0x3FAB] =	sst s2  }
0xb: {  	[smem:$0x3FAC] =	sst s3  }
0xc: {  	[smem:$0x3FAD] =	sst s4  }
0xd: {  	[smem:$0x3FAE] =	sst s5  }
0xe: {  	[smem:$0x3FAF] =	sst s6  }
0xf: {  	[smem:$0x3FB0] =	sst s7  }
0x10: {  	[smem:$0x3FB1] =	sst s8  }
0x11: {  	[smem:$0x3FB2] =	sst s9;
	s0 =	simm.s32 @!p0 $0x0  }
0x12: {  	s1 =	sld [smem:$0x3F98];
	s0 =	simm.s32 @p0 $0x1  }
0x13: {  	[smem:$0x3FB3] =	sst s0;
	s0 =	simm.s32 @!p1 $0x0  }
0x14: {  	s2 =	sld [smem:$0x3F97];
	s0 =	simm.s32 @p1 $0x1  }
0x15: {  	[smem:$0x3FB4] =	sst s0;
	s0 =	simm.s32 @!p2 $0x0  }
0x16: {  	s3 =	sld [smem:$0x3FDB];
	s0 =	simm.s32 @p2 $0x1  }
0x17: {  	s4 =	simm.s32 $0x1BF5;
	[smem:$0x3FB6] =	sst s0  }
0x18: {  	s0 =	sld [smem:$0x3F99];
	_ =	swait.ge [sflag:s4], $0x0  }
0x19: {  	s7 =	sld [smem:$0x3F9A]  }
0x1a: {  	s8 =	sadd.s32 $0xFFFFE003, lr  }
0x1b: {  	s9 =	sadd.s32 $0xFFFFFEF7, lr;
	s5 =	simm.s32 $0xFFFFFFFF;
	p2 =	slt.u32 s8, $0xFFFFF086  }
0x1c: {  	p1 =	slt.u32 s9, $0xF7A;
	s5 =	simm.s32 @!p2 $0x0  }
0x1d: {  	s5 =	simm.s32 @p1 $0x1;
	p0 =	seq.s32 s7, s2  }
0x1e: {  	s7 =	smul.u32 @!p0 $0xF7A, s2;
	p2 =	seq.s32 @!p0 s5, $0x0  }
0x1f: {  	s9 =	smul.u32 $0xF7A, s1;
	s8 =	simm.s32 @!p0 $0x1BF5;
	p2 =	por !p2, p0  }
0x20: {  	[sflag:s8] =	ssyncset.s32 @!p0 $0xFFFFF086;
	s6 =	sadd.s32 @!p0 s3, s7;
	s7 =	simm.s32 @!p0 $0x108  }
0x21: {  	s3 =	sadd.s32 s3, s9;
	s6 =	sadd.s32 @!p0 $0x88, s6;
	s7 =	simm.s32 @p2 $0x1082  }
0x22: {  	[simem:s7], [sflag:s8] =	dma.local @!p0 [hbm:s6], $0xF7A  }
0x23: {  	s9 =	sor.u32 $0xD0000000, s2;
	s6 =	simm.s32 $0x108;
	_ =	swait.ge @!p0 [sflag:s8], $0x0  }
0x24: {  	s3 =	sadd.s32 $0x88, s3;
	s6 =	simm.s32 @!p1 $0x1082;
	[sflag:s4] =	ssyncset.s32 $0xFFFFF086  }
0x25: {  	[simem:s6], [sflag:s4] =	dma.local [hbm:s3], $0xF7A  }
0x26: {  	[smem:$0x3F9A] =	sst s1;
	(tag) =	ssettag s2;
	_ =	strace s9  }
0x27: {  	s1 =	sld [smem:$0x3FAA]  }
0x28: {  	s2 =	sld [smem:$0x3FAB]  }
0x29: {  	s4 =	sld [smem:$0x3FAD]  }
0x2a: {  	p0 =	seq.s32 s5, $0x0;
	s5 =	sld [smem:$0x3FAE]  }
0x2b: {  	s6 =	sld [smem:$0x3FAF]  }
0x2c: {  	s7 =	sld [smem:$0x3FB0]  }
0x2d: {  	s3 =	simm.s32 $0x108;
	s8 =	sld [smem:$0x3FB1]  }
0x2e: {  	s3 =	simm.s32 @!p0 $0x1082;
	s9 =	sld [smem:$0x3FB2]  }
0x2f: {  	lr =	sadd.s32 s0, s3;
	s0 =	sld [smem:$0x3FA9]  }
0x30: {  	s3 =	sld [smem:$0x3FAC]  }
0x31: {  	[smem:$0x3FB5] =	sst s10  }
0x32: {  	s10 =	sld [smem:$0x3FB3];
	_ =	sdelay $0x3  }
0x33: {  	p0 =	seq.s32 s10, $0x1;
	s10 =	sld [smem:$0x3FB5];
	_ =	sdelay $0x3  }
0x34: {  	[smem:$0x3FB5] =	sst s10  }
0x35: {  	s10 =	sld [smem:$0x3FB4];
	_ =	sdelay $0x3  }
0x36: {  	p1 =	seq.s32 s10, $0x1;
	s10 =	sld [smem:$0x3FB5];
	_ =	sdelay $0x3  }
0x37: {  	[smem:$0x3FB5] =	sst s10  }
0x38: {  	s10 =	sld [smem:$0x3FB6]  }
0x39: {  	_ = 	snop;
	(pc) =	sbr.ind lr, $3  }
0x3a: {  	_ = 	snop  }
0x3b: {  	_ = 	snop  }
0x3c: {  	p2 =	seq.s32 s10, $0x1;
	s10 =	sld [smem:$0x3FB5]  }
0x3d: {  	_ =	shalt  }
0x3e: {  	_ =	shalt  }
0x3f: {  	_ =	shalt  }
0x40: {  	_ =	shalt  }
0x41: {  	_ =	shalt  }
0x42: {  	_ =	shalt  }
0x43: {  	_ =	shalt  }
0x44: {  	_ =	shalt  }
0x45: {  	_ =	shalt  }
0x46: {  	_ =	shalt  }
0x47: {  	_ =	shalt  }
0x48: {  	_ =	shalt  }
0x49: {  	_ =	shalt  }
0x4a: {  	_ =	shalt  }
0x4b: {  	_ =	shalt  }
0x4c: {  	_ =	shalt  }
0x4d: {  	_ =	shalt  }
0x4e: {  	_ =	shalt  }
0x4f: {  	_ =	shalt  }
0x50: {  	_ =	shalt  }
0x51: {  	_ =	shalt  }
0x52: {  	_ =	shalt  }
0x53: {  	_ =	shalt  }
0x54: {  	_ =	shalt  }
0x55: {  	_ =	shalt  }
0x56: {  	_ =	shalt  }
0x57: {  	_ =	shalt  }
0x58: {  	_ =	shalt  }
0x59: {  	_ =	shalt  }
0x5a: {  	_ =	shalt  }
0x5b: {  	_ =	shalt  }
0x5c: {  	_ =	shalt  }
0x5d: {  	_ =	shalt  }
0x5e: {  	_ =	shalt  }
0x5f: {  	_ =	shalt  }
0x60: {  	_ =	shalt  }
0x61: {  	_ =	shalt  }
0x62: {  	_ =	shalt  }
0x63: {  	_ =	shalt  }
0x64: {  	_ =	shalt  }
0x65: {  	_ =	shalt  }
0x66: {  	_ =	shalt  }
0x67: {  	_ =	shalt  }
0x68: {  	_ =	shalt  }
0x69: {  	_ =	shalt  }
0x6a: {  	_ =	shalt  }
0x6b: {  	_ =	shalt  }
0x6c: {  	_ =	shalt  }
0x6d: {  	_ =	shalt  }
0x6e: {  	_ =	shalt  }
0x6f: {  	_ =	shalt  }
0x70: {  	_ =	shalt  }
0x71: {  	_ =	shalt  }
0x72: {  	_ =	shalt  }
0x73: {  	_ =	shalt  }
0x74: {  	_ =	shalt  }
0x75: {  	_ =	shalt  }
0x76: {  	_ =	shalt  }
0x77: {  	_ =	shalt  }
0x78: {  	_ =	shalt  }
0x79: {  	_ =	shalt  }
0x7a: {  	_ =	shalt  }
0x7b: {  	_ =	shalt  }
0x7c: {  	_ =	shalt  }
0x7d: {  	_ =	shalt  }
0x7e: {  	_ =	shalt  }
0x7f: {  	_ =	shalt  }
0x80: {  	_ =	shalt  }
0x81: {  	_ =	shalt  }
0x82: {  	_ =	shalt  }
0x83: {  	_ =	shalt  }
0x84: {  	_ =	shalt  }
0x85: {  	_ =	shalt  }
0x86: {  	_ =	shalt  }
0x87: {  	_ =	shalt  }
.Lfunc_end0:
.L_simem_size_0:
called_computation_lowered:
.L_overlay_start_0:
0x88: {  	s2 =	sld [smem:$0x3FD9]  }
0x89: {  	s3 =	sld [smem:$0x3FFE];
	_ =	sdelay $0x1  }
0x8a: {  	s1 =	srdreg.scid  }
0x8b: {  	s0 =	sand.u32 $0x1, s1  }
0x8c: {  	s16 =	sshll.u32 s0, $0xA;
	s2 =	sadd.s32 s3, s2  }
0x8d: {  	s2 =	sadd.s32 s2, s16  }
0x8e: {  	[smem:$0x3FC1] =	sst s2  }
0x8f: {  	_ = 	snop  }
0x90: {  	(tm) =	ssettm $0x1  }
0x91: {  	s17 =	sld [smem:$0x3FFB];
	_ =	sdelay $0x3  }
0x92: {  	_ =	strace s17  }
0x93: {  	s2 =	sld [smem:$0x3FFC];
	_ =	sdelay $0x3  }
0x94: {  	_ =	strace s2  }
0x95: {  	s2 =	sld [smem:$0x3FFD];
	_ =	sdelay $0x3  }
0x96: {  	_ =	strace s2  }
0x97: {  	_ =	strace $0x8FFFFFFF  }
0x98: {  	s18 =	sld [smem:$0x3FDB];
	_ =	sdelay $0x1  }
0x99: {  	s19 =	simm.s32 $_scs_section_size  }
0x9a: {  	s4 =	simm.s32 $_size__tile_overlayer_lowered;
	s5 =	simm.s32 $_tile_overlayer_lowered  }
0x9b: {  	s22 =	simm.s32 $0x1BFF;
	s21 =	sshll.u32 s5, $0x1;
	s2 =	sadd.s32 s19, s18  }
0x9c: {  	s6 =	simm.s32 $0x0;
	s20 =	sshll.u32 s4, $0x1;
	s4 =	sadd.s32 s21, s2  }
0x9d: {  	[timem:s6], [sflag:s22] =	dma.local [hbm:s4], s20  }
0x9e: {  	_ =	swait.ge [sflag:s22], s20  }
0x9f: {  	s3 =	ssub.s32 $0x0, s20;
	[sflag:s22] =	ssyncset.done $0x0  }
0xa0: {  	[sflag:s22] =	ssyncadd.s32 s3;
	_ =	sdelay $0x1  }
0xa1: {  	s23 =	simm.s32 $0x1B8B  }
0xa2: {  	_ =	swait.ge [sflag:s23], $0x1  }
0xa3: {  	[sflag:s23] =	ssyncset.done $0x0  }
0xa4: {  	s25 =	simm.s32 $0x1B8E;
	s24 =	sld [smem:$0x3FFE];
	[sflag:s23] =	ssyncadd.s32 $0xFFFFFFFF  }
0xa5: {  	s26 =	simm.s32 $execute0_lowered;
	[smem:$0x3FD2] =	sst s25  }
0xa6: {  	s4 =	sshll.u32 s26, $0x1;
	_ =	strace $0x80000046;
	[dreg:$0x1] =	wrdreg $0xFFFFFFFF  }
0xa7: {  	s28 =	simm.s32 $_size_execute0_lowered;
	s2 =	sadd.s32 s2, s4;
	[dreg:$0x0] =	wrdreg $0x0  }
0xa8: {  	s4 =	sshll.u32 s28, $0x1;
	[dreg:$0x2] =	wrdreg s2  }
0xa9: {  	[dreg:$0x3] =	wrdreg s4  }
0xaa: {  	[dreg:$0x4] =	wrdreg $0xC0  }
0xab: {  	_ =	task [dreg:s6], $0x5FFFF  }
0xac: {  	[dreg:$0x1] =	wrdreg $0xFFFFFFFF  }
0xad: {  	[dreg:$0x0] =	wrdreg $0x60  }
0xae: {  	[dreg:$0x2] =	wrdreg s24  }
0xaf: {  	[dreg:$0x3] =	wrdreg $0x9  }
0xb0: {  	_ =	task.clear_ibuf [dreg:s6], $0x4FFFF;
	_ =	strace $0x90000046  }
0xb1: {  	s29 =	simm.s32 $0x9;
	_ =	strace $0x80000048  }
0xb2: {  	_ =	swait.ge [sflag:s29], $0x1  }
0xb3: {  	[sflag:s29] =	ssyncadd.s32 $0xFFFFFFFF  }
0xb4: {  	_ =	strace $0x90000048  }
0xb5: {  	_ =	sfence  }
0xb6: {  	s30 =	sld [smem:$0x0];
	_ =	sdelay $0x2  }
0xb7: {  	s31 =	sshll.u32 s1, $0xD;
	s1 =	sshrl.u32 s1, $0x2  }
0xb8: {  	s3 =	sand.u32 $0x4000, s31;
	s1 =	sadd.s32 s1, s30  }
0xb9: {  	s0 =	sor.u32 s3, s0;
	s1 =	sshll.u32 s1, $0x11  }
0xba: {  	s0 =	sor.u32 s1, s0  }
0xbb: {  	s0 =	sadd.s32 $0x8F2B, s0  }
0xbc: {  	[sflag:s0] =	ssyncadd.remote.s32 $0x1  }
0xbd: {  	_ =	sfence.sel $0xFFFF  }
0xbe: {  	[dreg:$0x0] =	wrdreg $0xFFFFFFFF;
	(pc) =	sbr.abs _section_cstart, $3  }
0xbf: {  	[dreg:$0x1] =	wrdreg $0xFFFFFFFF  }
0xc0: {  	_ =	task.clear_ibuf [dreg:s6], $0x2FFFF;
	_ =	strace $0x9FFFFFFF  }
0xc1: {  	(tm) =	ssettm $0x7FFFFFFF  }
tec
execute0_lowered:
.L_overlay_start_1:
0x0: {  	(tag) =	ssettag $0x1  }
0x1: {  	s0 =	srdreg.scid  }
0x2: {  	s5 =	rddreg [dreg:$0x0];
	s3 =	sand.u32 $0x1, s0  }
0x3: {  	s2 =	simm.s32 $0x0;
	s0 =	stileid.u32;
	s1 =	sshll.u32 s3, $0x4  }
0x4: {  	s8 =	simm.s32 $0x80;
	s9 =	simm.s32 $0x400;
	s4 =	sor.u32 s0, s1  }
0x5: {  	s10 =	simm.s32 $0x0;
	[smem:$0x7FF] =	sst s2;
	s1 =	sshrl.u32 s4, $0x3  }
0x6: {  	s7 =	sshll.u32 s0, $0x7;
	s3 =	ssub.s32 $0x2, s3;
	s6 =	smul.u32 $0x13C00, s1  }
0x7: {  	s7 =	sand.u32 $0x380, s7;
	s31 =	sshrl.u32 s3, $0x1;
	s4 =	smul.u32 $0x500, s4  }
0x8: {  	s1 =	rddreg [dreg:$0x1];
	_ =	strace $0x80000047;
	s6 =	sor.u32 s7, s6  }
0x9: {  	s4 =	sadd.s32 s4, s5;
	s7 =	simm.s32 $0x2800;
	s6 =	sshrl.u32 s6, $0x3  }
0xa: {  	s5 =	sadd.s32 s6, s5;
	s6 =	ssub.s32 s3, s31;
	s3 =	sadd.s32 $0x2400, s4  }
0xb: {  	v0 =	vimm.f32 $0.0e+00;
	v1 =	vimm.f32 $1.000000000e+00;
	s4 =	sadd.s32 $0xC400, s5;
	s5 =	smax.u32 s6, $0x1;
	s6 =	simm.s32 $0x1  }
.LBB2_1:
0xc: {  	[tilespmem:s2], [sflag:$0x1] =	stream.linear.gather [hbm4b:s3+s2], $0x2800, $0x38;
	[tilespmem:$0x4F80] =	vst v63  }
0xd: {  	_ =	swait.ge [sflag:s6], $0x2800  }
0xe: {  	[sflag:s6] =	ssyncset.done $0x0  }
0xf: {  	s11 =	simm.s32 $0x0;
	[sflag:s6] =	ssyncadd.s32 $0xFFFFD800  }
.LBB2_2:
0x10: {  	p0 =	sne.s32 s11, $0x9DC0  }
.Ltmp0:
0x11: {  	_ = 	snop;
	(pc) =	sbr.rel @p0 .LBB2_2-.Ltmp0, $3  }
0x12: {  	_ =	sdelay $0x1  }
0x13: {  	s12 =	sshra.s32 s11, $0x2  }
0x14: {  	s11 =	sadd.s32 $0x40, s11;
	[tilespmem:s12+$0x2800] =	vst v0  }
0x15: {  	s11 =	simm.s32 $0x0  }
.LBB2_4:
0x16: {  	s12 =	sshra.s32 s11, $0x2  }
0x17: {  	v2 =	vld [tilespmem:s12+$0x0];
	_ =	sdelay $0x7  }
0x18: {  	[tilespmem:v2+s7+$0x0] =	vst.idx.add.f32.msk $0xffff, v1  }
0x19: {  	v2 =	vld [tilespmem:s12+$0x10];
	_ =	sdelay $0x7  }
0x1a: {  	[tilespmem:v2+s7+$0x0] =	vst.idx.add.f32.msk $0xffff, v1  }
0x1b: {  	v2 =	vld [tilespmem:s12+$0x20];
	_ =	sdelay $0x7  }
0x1c: {  	[tilespmem:v2+s7+$0x0] =	vst.idx.add.f32.msk $0xffff, v1  }
0x1d: {  	v2 =	vld [tilespmem:s12+$0x30];
	_ =	sdelay $0x7  }
0x1e: {  	[tilespmem:v2+s7+$0x0] =	vst.idx.add.f32.msk $0xffff, v1  }
0x1f: {  	v2 =	vld [tilespmem:s12+$0x40];
	_ =	sdelay $0x7  }
0x20: {  	[tilespmem:v2+s7+$0x0] =	vst.idx.add.f32.msk $0xffff, v1  }
0x21: {  	v2 =	vld [tilespmem:s12+$0x50];
	_ =	sdelay $0x7  }
0x22: {  	[tilespmem:v2+s7+$0x0] =	vst.idx.add.f32.msk $0xffff, v1  }
0x23: {  	v2 =	vld [tilespmem:s12+$0x60];
	_ =	sdelay $0x7  }
0x24: {  	[tilespmem:v2+s7+$0x0] =	vst.idx.add.f32.msk $0xffff, v1  }
0x25: {  	v2 =	vld [tilespmem:s12+$0x70];
	_ =	sdelay $0x2  }
0x26: {  	p0 =	sne.s32 s11, $0x9E00  }
.Ltmp1:
0x27: {  	_ = 	snop;
	(pc) =	sbr.rel @p0 .LBB2_4-.Ltmp1, $2  }
0x28: {  	_ =	sdelay $0x2  }
0x29: {  	s11 =	sadd.s32 $0x200, s11;
	[tilespmem:v2+s7+$0x0] =	vst.idx.add.f32.msk $0xffff, v1  }
0x2a: {  	s10 =	sadd.s32 $0x1, s10  }
0x2b: {  	p0 =	sne.s32 s10, s5  }
.Ltmp2:
0x2c: {  	_ = 	snop;
	(pc) =	sbr.rel @p0 .LBB2_1-.Ltmp2, $4  }
0x2d: {  	[hbm4b:s4+s8] =	stream.strided.scatter [tilespmem:s7], [sflag:$0x1], $0x2780, s9, s8, $0x38;
	[tilespmem:$0x4F80] =	vst v63  }
0x2e: {  	_ =	swait.ge [sflag:s6], $0x2780  }
0x2f: {  	[sflag:s6] =	ssyncset.done $0x0  }
0x30: {  	[sflag:s6] =	ssyncadd.s32 $0xFFFFD880  }
0x31: {  	_ =	sfence.sel $0x180000  }
0x32: {  	[bflag:$0x0] =	sbarrier.arrive $0xFFFF  }
0x33: {  	p0 =	sne.s32 s0, $0x0;
	_ =	strace $0x90000047  }
0x34: {  	s0 =	sadd.s32 @!p0 $0x100000, s1;
	[bflag:$0x2] =	sbarrier.arrive $0xFFFF  }
0x35: {  	[sflag:s0] =	ssyncadd.tile.s32 @!p0 $0x1;
	_ =	shalt  }
.Lfunc_end2:
_tile_overlayer_lowered:
.L_overlay_start_2:
0x36: {  	(tag) =	ssettag $0x2  }
0x37: {  	s0 =	rddreg [dreg:$0x0];
	s2 =	stileid.u32  }
0x38: {  	s1 =	rddreg [dreg:$0x1];
	p0 =	sne.s32 s2, $0x0  }
0x39: {  	s3 =	rddreg [dreg:$0x2];
	[bflag:$0x3] =	sbarrier.arrive $0xFFFF;
	s2 =	simm.s32 @!p0 $0x1C01  }
0x3a: {  	[timem:s3], [sflag:s2] =	dma.local @!p0 [hbm:s0], s1  }
0x3b: {  	s0 =	simm.s32 @!p0 $0x1  }
0x3c: {  	_ =	swait.ge @!p0 [sflag:s0], s1  }
0x3d: {  	s1 =	ssub.s32 @!p0 $0x0, s1;
	[sflag:s0] =	ssyncset.done @!p0 $0x0  }
0x3e: {  	[sflag:s0] =	ssyncadd.s32 @!p0 s1  }
0x3f: {  	[bflag:$0x3] =	sbarrier.arrive $0xFFFF  }
0x40: {  	_ =	shalt  }

// kernel: kernel.13.cloned.1.call-start
scs
__scs_entry_jumppad:
0x0: {  	(pc) =	sbr.rel $0x88, $3  }
0x1: {  	(tag) =	ssettag $0x0;
	lr =	simm.s32 $0x1  }
0x2: {  	[smem:$0x3F9A] =	sst lr;
	_ =	strace $0xD0000000  }
0x3: {  	_ = 	snop  }
0x4: {  	_ = 	snop  }
0x5: {  	_ = 	snop  }
0x6: {  	_ = 	snop  }
0x7: {  	_ = 	snop  }
__scs_overlays_trampoline_lowered:
0x8: {  	[smem:$0x3FA9] =	sst s0  }
0x9: {  	[smem:$0x3FAA] =	sst s1  }
0xa: {  	[smem:$0x3FAB] =	sst s2  }
0xb: {  	[smem:$0x3FAC] =	sst s3  }
0xc: {  	[smem:$0x3FAD] =	sst s4  }
0xd: {  	[smem:$0x3FAE] =	sst s5  }
0xe: {  	[smem:$0x3FAF] =	sst s6  }
0xf: {  	[smem:$0x3FB0] =	sst s7  }
0x10: {  	[smem:$0x3FB1] =	sst s8  }
0x11: {  	[smem:$0x3FB2] =	sst s9;
	s0 =	simm.s32 @!p0 $0x0  }
0x12: {  	s1 =	sld [smem:$0x3F98];
	s0 =	simm.s32 @p0 $0x1  }
0x13: {  	[smem:$0x3FB3] =	sst s0;
	s0 =	simm.s32 @!p1 $0x0  }
0x14: {  	s2 =	sld [smem:$0x3F97];
	s0 =	simm.s32 @p1 $0x1  }
0x15: {  	[smem:$0x3FB4] =	sst s0;
	s0 =	simm.s32 @!p2 $0x0  }
0x16: {  	s3 =	sld [smem:$0x3FDB];
	s0 =	simm.s32 @p2 $0x1  }
0x17: {  	s4 =	simm.s32 $0x1BF5;
	[smem:$0x3FB6] =	sst s0  }
0x18: {  	s0 =	sld [smem:$0x3F99];
	_ =	swait.ge [sflag:s4], $0x0  }
0x19: {  	s7 =	sld [smem:$0x3F9A]  }
0x1a: {  	s8 =	sadd.s32 $0xFFFFE003, lr  }
0x1b: {  	s9 =	sadd.s32 $0xFFFFFEF7, lr;
	s5 =	simm.s32 $0xFFFFFFFF;
	p2 =	slt.u32 s8, $0xFFFFF086  }
0x1c: {  	p1 =	slt.u32 s9, $0xF7A;
	s5 =	simm.s32 @!p2 $0x0  }
0x1d: {  	s5 =	simm.s32 @p1 $0x1;
	p0 =	seq.s32 s7, s2  }
0x1e: {  	s7 =	smul.u32 @!p0 $0xF7A, s2;
	p2 =	seq.s32 @!p0 s5, $0x0  }
0x1f: {  	s9 =	smul.u32 $0xF7A, s1;
	s8 =	simm.s32 @!p0 $0x1BF5;
	p2 =	por !p2, p0  }
0x20: {  	[sflag:s8] =	ssyncset.s32 @!p0 $0xFFFFF086;
	s6 =	sadd.s32 @!p0 s3, s7;
	s7 =	simm.s32 @!p0 $0x108  }
0x21: {  	s3 =	sadd.s32 s3, s9;
	s6 =	sadd.s32 @!p0 $0x88, s6;
	s7 =	simm.s32 @p2 $0x1082  }
0x22: {  	[simem:s7], [sflag:s8] =	dma.local @!p0 [hbm:s6], $0xF7A  }
0x23: {  	s9 =	sor.u32 $0xD0000000, s2;
	s6 =	simm.s32 $0x108;
	_ =	swait.ge @!p0 [sflag:s8], $0x0  }
0x24: {  	s3 =	sadd.s32 $0x88, s3;
	s6 =	simm.s32 @!p1 $0x1082;
	[sflag:s4] =	ssyncset.s32 $0xFFFFF086  }
0x25: {  	[simem:s6], [sflag:s4] =	dma.local [hbm:s3], $0xF7A  }
0x26: {  	[smem:$0x3F9A] =	sst s1;
	(tag) =	ssettag s2;
	_ =	strace s9  }
0x27: {  	s1 =	sld [smem:$0x3FAA]  }
0x28: {  	s2 =	sld [smem:$0x3FAB]  }
0x29: {  	s4 =	sld [smem:$0x3FAD]  }
0x2a: {  	p0 =	seq.s32 s5, $0x0;
	s5 =	sld [smem:$0x3FAE]  }
0x2b: {  	s6 =	sld [smem:$0x3FAF]  }
0x2c: {  	s7 =	sld [smem:$0x3FB0]  }
0x2d: {  	s3 =	simm.s32 $0x108;
	s8 =	sld [smem:$0x3FB1]  }
0x2e: {  	s3 =	simm.s32 @!p0 $0x1082;
	s9 =	sld [smem:$0x3FB2]  }
0x2f: {  	lr =	sadd.s32 s0, s3;
	s0 =	sld [smem:$0x3FA9]  }
0x30: {  	s3 =	sld [smem:$0x3FAC]  }
0x31: {  	[smem:$0x3FB5] =	sst s10  }
0x32: {  	s10 =	sld [smem:$0x3FB3];
	_ =	sdelay $0x3  }
0x33: {  	p0 =	seq.s32 s10, $0x1;
	s10 =	sld [smem:$0x3FB5];
	_ =	sdelay $0x3  }
0x34: {  	[smem:$0x3FB5] =	sst s10  }
0x35: {  	s10 =	sld [smem:$0x3FB4];
	_ =	sdelay $0x3  }
0x36: {  	p1 =	seq.s32 s10, $0x1;
	s10 =	sld [smem:$0x3FB5];
	_ =	sdelay $0x3  }
0x37: {  	[smem:$0x3FB5] =	sst s10  }
0x38: {  	s10 =	sld [smem:$0x3FB6]  }
0x39: {  	_ = 	snop;
	(pc) =	sbr.ind lr, $3  }
0x3a: {  	_ = 	snop  }
0x3b: {  	_ = 	snop  }
0x3c: {  	p2 =	seq.s32 s10, $0x1;
	s10 =	sld [smem:$0x3FB5]  }
0x3d: {  	_ =	shalt  }
0x3e: {  	_ =	shalt  }
0x3f: {  	_ =	shalt  }
0x40: {  	_ =	shalt  }
0x41: {  	_ =	shalt  }
0x42: {  	_ =	shalt  }
0x43: {  	_ =	shalt  }
0x44: {  	_ =	shalt  }
0x45: {  	_ =	shalt  }
0x46: {  	_ =	shalt  }
0x47: {  	_ =	shalt  }
0x48: {  	_ =	shalt  }
0x49: {  	_ =	shalt  }
0x4a: {  	_ =	shalt  }
0x4b: {  	_ =	shalt  }
0x4c: {  	_ =	shalt  }
0x4d: {  	_ =	shalt  }
0x4e: {  	_ =	shalt  }
0x4f: {  	_ =	shalt  }
0x50: {  	_ =	shalt  }
0x51: {  	_ =	shalt  }
0x52: {  	_ =	shalt  }
0x53: {  	_ =	shalt  }
0x54: {  	_ =	shalt  }
0x55: {  	_ =	shalt  }
0x56: {  	_ =	shalt  }
0x57: {  	_ =	shalt  }
0x58: {  	_ =	shalt  }
0x59: {  	_ =	shalt  }
0x5a: {  	_ =	shalt  }
0x5b: {  	_ =	shalt  }
0x5c: {  	_ =	shalt  }
0x5d: {  	_ =	shalt  }
0x5e: {  	_ =	shalt  }
0x5f: {  	_ =	shalt  }
0x60: {  	_ =	shalt  }
0x61: {  	_ =	shalt  }
0x62: {  	_ =	shalt  }
0x63: {  	_ =	shalt  }
0x64: {  	_ =	shalt  }
0x65: {  	_ =	shalt  }
0x66: {  	_ =	shalt  }
0x67: {  	_ =	shalt  }
0x68: {  	_ =	shalt  }
0x69: {  	_ =	shalt  }
0x6a: {  	_ =	shalt  }
0x6b: {  	_ =	shalt  }
0x6c: {  	_ =	shalt  }
0x6d: {  	_ =	shalt  }
0x6e: {  	_ =	shalt  }
0x6f: {  	_ =	shalt  }
0x70: {  	_ =	shalt  }
0x71: {  	_ =	shalt  }
0x72: {  	_ =	shalt  }
0x73: {  	_ =	shalt  }
0x74: {  	_ =	shalt  }
0x75: {  	_ =	shalt  }
0x76: {  	_ =	shalt  }
0x77: {  	_ =	shalt  }
0x78: {  	_ =	shalt  }
0x79: {  	_ =	shalt  }
0x7a: {  	_ =	shalt  }
0x7b: {  	_ =	shalt  }
0x7c: {  	_ =	shalt  }
0x7d: {  	_ =	shalt  }
0x7e: {  	_ =	shalt  }
0x7f: {  	_ =	shalt  }
0x80: {  	_ =	shalt  }
0x81: {  	_ =	shalt  }
0x82: {  	_ =	shalt  }
0x83: {  	_ =	shalt  }
0x84: {  	_ =	shalt  }
0x85: {  	_ =	shalt  }
0x86: {  	_ =	shalt  }
0x87: {  	_ =	shalt  }
.Lfunc_end0:
.L_simem_size_0:
called_computation.1_lowered:
.L_overlay_start_0:
0x88: {  	s2 =	sld [smem:$0x3FD9]  }
0x89: {  	s3 =	sld [smem:$0x3FFE];
	_ =	sdelay $0x1  }
0x8a: {  	s1 =	srdreg.scid  }
0x8b: {  	s0 =	sand.u32 $0x1, s1  }
0x8c: {  	s16 =	sshll.u32 s0, $0xA;
	s2 =	sadd.s32 s3, s2  }
0x8d: {  	s2 =	sadd.s32 s2, s16  }
0x8e: {  	[smem:$0x3FC1] =	sst s2  }
0x8f: {  	_ = 	snop  }
0x90: {  	(tm) =	ssettm $0x1  }
0x91: {  	s17 =	sld [smem:$0x3FFB];
	_ =	sdelay $0x3  }
0x92: {  	_ =	strace s17  }
0x93: {  	s2 =	sld [smem:$0x3FFC];
	_ =	sdelay $0x3  }
0x94: {  	_ =	strace s2  }
0x95: {  	s2 =	sld [smem:$0x3FFD];
	_ =	sdelay $0x3  }
0x96: {  	_ =	strace s2  }
0x97: {  	_ =	strace $0x8FFFFFFF  }
0x98: {  	s18 =	sld [smem:$0x3FDB];
	_ =	sdelay $0x1  }
0x99: {  	s19 =	simm.s32 $_scs_section_size  }
0x9a: {  	s4 =	simm.s32 $_size__tile_overlayer_lowered;
	s5 =	simm.s32 $_tile_overlayer_lowered  }
0x9b: {  	s22 =	simm.s32 $0x1BFF;
	s21 =	sshll.u32 s5, $0x1;
	s2 =	sadd.s32 s19, s18  }
0x9c: {  	s6 =	simm.s32 $0x0;
	s20 =	sshll.u32 s4, $0x1;
	s4 =	sadd.s32 s21, s2  }
0x9d: {  	[timem:s6], [sflag:s22] =	dma.local [hbm:s4], s20  }
0x9e: {  	_ =	swait.ge [sflag:s22], s20  }
0x9f: {  	s3 =	ssub.s32 $0x0, s20;
	[sflag:s22] =	ssyncset.done $0x0  }
0xa0: {  	[sflag:s22] =	ssyncadd.s32 s3;
	_ =	sdelay $0x1  }
0xa1: {  	s23 =	simm.s32 $0x1B8B  }
0xa2: {  	_ =	swait.ge [sflag:s23], $0x1  }
0xa3: {  	[sflag:s23] =	ssyncset.done $0x0  }
0xa4: {  	s25 =	simm.s32 $0x1B8E;
	s24 =	sld [smem:$0x3FFE];
	[sflag:s23] =	ssyncadd.s32 $0xFFFFFFFF  }
0xa5: {  	s26 =	simm.s32 $execute0_lowered;
	[smem:$0x3FD2] =	sst s25  }
0xa6: {  	s4 =	sshll.u32 s26, $0x1;
	_ =	strace $0x80000049;
	[dreg:$0x1] =	wrdreg $0xFFFFFFFF  }
0xa7: {  	s28 =	simm.s32 $_size_execute0_lowered;
	s2 =	sadd.s32 s2, s4;
	[dreg:$0x0] =	wrdreg $0x0  }
0xa8: {  	s4 =	sshll.u32 s28, $0x1;
	[dreg:$0x2] =	wrdreg s2  }
0xa9: {  	[dreg:$0x3] =	wrdreg s4  }
0xaa: {  	[dreg:$0x4] =	wrdreg $0xC0  }
0xab: {  	_ =	task [dreg:s6], $0x5FFFF  }
0xac: {  	[dreg:$0x1] =	wrdreg $0xFFFFFFFF  }
0xad: {  	[dreg:$0x0] =	wrdreg $0x60  }
0xae: {  	[dreg:$0x2] =	wrdreg s24  }
0xaf: {  	[dreg:$0x3] =	wrdreg $0xA8000  }
0xb0: {  	[dreg:$0x4] =	wrdreg $0x9  }
0xb1: {  	_ =	task.clear_ibuf [dreg:s6], $0x5FFFF;
	_ =	strace $0x90000049  }
0xb2: {  	s29 =	simm.s32 $0x9;
	_ =	strace $0x8000004B  }
0xb3: {  	_ =	swait.ge [sflag:s29], $0x1  }
0xb4: {  	[sflag:s29] =	ssyncadd.s32 $0xFFFFFFFF  }
0xb5: {  	_ =	strace $0x9000004B  }
0xb6: {  	_ =	sfence  }
0xb7: {  	s30 =	sld [smem:$0x0];
	_ =	sdelay $0x2  }
0xb8: {  	s31 =	sshll.u32 s1, $0xD;
	s1 =	sshrl.u32 s1, $0x2  }
0xb9: {  	s3 =	sand.u32 $0x4000, s31;
	s1 =	sadd.s32 s1, s30  }
0xba: {  	s0 =	sor.u32 s3, s0;
	s1 =	sshll.u32 s1, $0x11  }
0xbb: {  	s0 =	sor.u32 s1, s0  }
0xbc: {  	s0 =	sadd.s32 $0x8F2B, s0  }
0xbd: {  	[sflag:s0] =	ssyncadd.remote.s32 $0x1  }
0xbe: {  	_ =	sfence.sel $0xFFFF  }
0xbf: {  	[dreg:$0x0] =	wrdreg $0xFFFFFFFF;
	(pc) =	sbr.abs _section_cstart, $3  }
0xc0: {  	[dreg:$0x1] =	wrdreg $0xFFFFFFFF  }
0xc1: {  	_ =	task.clear_ibuf [dreg:s6], $0x2FFFF;
	_ =	strace $0x9FFFFFFF  }
0xc2: {  	(tm) =	ssettm $0x7FFFFFFF  }
0xc3: {  	_ =	shalt  }
tec
execute0_lowered:
.L_overlay_start_1:
0x0: {  	(tag) =	ssettag $0x1  }
0x1: {  	s6 =	rddreg [dreg:$0x0]  }
0x2: {  	s0 =	srdreg.scid;
	s2 =	rddreg [dreg:$0x1]  }
0x3: {  	s3 =	simm.s32 $0x0;
	s14 =	simm.s32 $0x2800;
	s15 =	simm.s32 $0x1  }
0x4: {  	s16 =	simm.s32 $0x6800;
	s17 =	simm.s32 $0x2;
	s18 =	simm.s32 $0x3  }
0x5: {  	s19 =	simm.s32 $0x100;
	s5 =	sand.u32 $0x1, s0;
	s0 =	stileid.u32  }
0x6: {  	s20 =	simm.s32 $0x1480;
	s21 =	simm.s32 $0x4;
	s24 =	smul.u32 $0x2780, s0  }
0x7: {  	[smem:$0x7FF] =	sst s3;
	s1 =	sshll.u32 s5, $0x4;
	s8 =	smul.u32 $0x27800, s5  }
0x8: {  	s5 =	ssub.s32 $0x2, s5;
	s9 =	smul.u32 $0x4F000, s0;
	s31 =	sshll.u32 s0, $0x6  }
0x9: {  	s4 =	sor.u32 s0, s1;
	s1 =	rddreg [dreg:$0x2];
	_ =	strace $0x8000004A  }
0xa: {  	s11 =	sshrl.u32 s5, $0x1;
	s7 =	smul.u32 $0x500, s4;
	s4 =	sadd.s32 $0x20200, s6  }
0xb: {  	s29 =	sadd.s32 s24, s6;
	s12 =	sadd.s32 s8, s6;
	s30 =	sshrl.u32 s9, $0x2  }
0xc: {  	s11 =	ssub.s32 s5, s11;
	s13 =	sadd.s32 s30, s2;
	s5 =	sadd.s32 $0x47A00, s29  }
.Ltmp0:
0xd: {  	s25 =	sadd.s32 $0x6F200, s12;
	s9 =	smax.u32 s11, $0x1;
	(pc) =	sbr.rel .LBB2_1-.Ltmp0, $4  }
0xe: {  	s11 =	simm.s32 $0x5;
	s12 =	simm.s32 $0x1400;
	s10 =	sadd.s32 s7, s6  }
0xf: {  	s6 =	sor.u32 $0x1C05, s31;
	s24 =	sadd.s32 s24, s25;
	s25 =	simm.s32 $0x0  }
0x10: {  	s7 =	sadd.s32 $0x16200, s10;
	s8 =	sadd.s32 $0x2400, s10;
	s10 =	sshrl.u32 s13, $0x3  }
0x11: {  	s13 =	simm.s32 $0x80;
	s22 =	sadd.s32 $0x280, s7;
	s23 =	sadd.s32 $0x280, s8  }
.LBB2_7:
0x12: {  	[spmem:s2] =	stream.indirect.scatter.add.f32 [tilespmem:s16], [sflag:$0x4], $0x80, s29, s13, $0xb8;
	[tilespmem:$0x1E400] =	vst v63  }
0x13: {  	_ =	swait.ge [sflag:s21], $0x4000  }
0x14: {  	s25 =	sadd.s32 $0x1, s25;
	[sflag:s21] =	ssyncset.done $0x0  }
0x15: {  	p0 =	sne.s32 s25, s9;
	[sflag:s21] =	ssyncadd.s32 $0xFFFFC000  }
.Ltmp1:
0x16: {  	[bflag:$0x0] =	sbarrier.arrive $0xFFFF;
	(pc) =	sbr.rel @!p0 .LBB2_8-.Ltmp1, $4  }
0x17: {  	[hbm:s24], [sflag:s6] =	dma.local [spmem:s10], $0x2780  }
0x18: {  	_ =	swait.ge [sflag:s11], $0x2780  }
0x19: {  	[sflag:s11] =	ssyncset.done $0x0  }
0x1a: {  	[sflag:s11] =	ssyncadd.s32 $0xFFFFD880  }
.LBB2_1:
0x1b: {  	[spmem:s10], [sflag:s6] =	dma.local [hbm:s5], $0x2780  }
0x1c: {  	_ =	swait.ge [sflag:s11], $0x2780  }
0x1d: {  	[sflag:s11] =	ssyncset.done $0x0  }
0x1e: {  	[sflag:s11] =	ssyncadd.s32 $0xFFFFD880  }
0x1f: {  	[bflag:$0x0] =	sbarrier.arrive $0xFFFF  }
0x20: {  	[tilespmem:s3], [sflag:$0x5] =	stream.linear.gather [hbm4b:s7+s3], $0x1400, $0x38;
	[tilespmem:$0x1E400] =	vst v63  }
0x21: {  	_ =	swait.ge [sflag:s11], $0x1400  }
0x22: {  	[sflag:s11] =	ssyncset.done $0x0  }
0x23: {  	[sflag:s11] =	ssyncadd.s32 $0xFFFFEC00  }
0x24: {  	[tilespmem:s12], [sflag:$0x5] =	stream.linear.gather [hbm4b:s8+s3], $0x1400, $0x38;
	[tilespmem:$0x1E400] =	vst v63  }
0x25: {  	_ =	swait.ge [sflag:s11], $0x1400  }
0x26: {  	[sflag:s11] =	ssyncset.done $0x0  }
0x27: {  	[sflag:s11] =	ssyncadd.s32 $0xFFFFEC00  }
0x28: {  	[tilespmem:s14], [sflag:$0x1] =	stream.indirect.gather [hbm4b:s4+s13], $0x80, s3, s13, $0xb8;
	[tilespmem:$0x1E400] =	vst v63  }
0x29: {  	_ =	swait.ge [sflag:s15], $0x4000  }
0x2a: {  	[sflag:s15] =	ssyncset.done $0x0  }
0x2b: {  	[sflag:s15] =	ssyncadd.s32 $0xFFFFC000  }
0x2c: {  	[tilespmem:s16], [sflag:$0x2] =	stream.indirect.gather [hbm4b:s4+s13], $0x80, s13, s13, $0xb8;
	[tilespmem:$0x1E400] =	vst v63  }
0x2d: {  	_ = 	snop  }
0x2e: {  	[spmem:s2] =	stream.indirect.scatter.add.f32 [tilespmem:s14], [sflag:$0x3], $0x80, s12, s13, $0xb8;
	[tilespmem:$0x1E400] =	vst v63  }
0x2f: {  	_ =	swait.ge [sflag:s17], $0x4000  }
0x30: {  	[sflag:s17] =	ssyncset.done $0x0  }
0x31: {  	[sflag:s17] =	ssyncadd.s32 $0xFFFFC000  }
0x32: {  	_ =	swait.ge [sflag:s18], $0x4000  }
0x33: {  	[sflag:s18] =	ssyncset.done $0x0  }
0x34: {  	[sflag:s18] =	ssyncadd.s32 $0xFFFFC000  }
0x35: {  	[tilespmem:s14], [sflag:$0x1] =	stream.indirect.gather [hbm4b:s4+s13], $0x80, s19, s13, $0xb8;
	[tilespmem:$0x1E400] =	vst v63  }
0x36: {  	s26 =	simm.s32 $0xFFFFB800  }
0x37: {  	[spmem:s2] =	stream.indirect.scatter.add.f32 [tilespmem:s16], [sflag:$0x4], $0x80, s20, s13, $0xb8;
	[tilespmem:$0x1E400] =	vst v63  }
.LBB2_2:
0x38: {  	_ =	swait.ge [sflag:s15], $0x4000  }
0x39: {  	[sflag:s15] =	ssyncset.done $0x0  }
0x3a: {  	[sflag:s15] =	ssyncadd.s32 $0xFFFFC000  }
0x3b: {  	_ =	swait.ge [sflag:s21], $0x4000  }
0x3c: {  	s28 =	sshra.s32 s26, $0x2;
	[sflag:s21] =	ssyncset.done $0x0  }
0x3d: {  	s29 =	sadd.s32 $0x1380, s28;
	[sflag:s21] =	ssyncadd.s32 $0xFFFFC000  }
0x3e: {  	[tilespmem:s16], [sflag:$0x2] =	stream.indirect.gather [hbm4b:s4+s13], $0x80, s29, s13, $0xb8;
	[tilespmem:$0x1E400] =	vst v63  }
0x3f: {  	s29 =	sadd.s32 $0x2700, s28  }
0x40: {  	[spmem:s2] =	stream.indirect.scatter.add.f32 [tilespmem:s14], [sflag:$0x3], $0x80, s29, s13, $0xb8;
	[tilespmem:$0x1E400] =	vst v63  }
0x41: {  	p0 =	seq.s32 s26, $0x0;
	_ =	swait.ge [sflag:s17], $0x4000  }
.Ltmp2:
0x42: {  	[sflag:s17] =	ssyncset.done $0x0;
	(pc) =	sbr.rel @p0 .LBB2_4-.Ltmp2, $4  }
0x43: {  	[sflag:s17] =	ssyncadd.s32 $0xFFFFC000  }
0x44: {  	_ =	swait.ge [sflag:s18], $0x4000  }
0x45: {  	[sflag:s18] =	ssyncset.done $0x0  }
0x46: {  	s29 =	sadd.s32 $0x2780, s28;
	[sflag:s18] =	ssyncadd.s32 $0xFFFFC000  }
.Ltmp3:
0x47: {  	(pc) =	sbr.rel .LBB2_2-.Ltmp3, $4  }
0x48: {  	s28 =	sadd.s32 $0x1400, s28  }
0x49: {  	[tilespmem:s14], [sflag:$0x1] =	stream.indirect.gather [hbm4b:s4+s13], $0x80, s28, s13, $0xb8;
	[tilespmem:$0x1E400] =	vst v63  }
0x4a: {  	s26 =	sadd.s32 $0x400, s26  }
0x4b: {  	[spmem:s2] =	stream.indirect.scatter.add.f32 [tilespmem:s16], [sflag:$0x4], $0x80, s29, s13, $0xb8;
	[tilespmem:$0x1E400] =	vst v63  }
.LBB2_4:
0x4c: {  	[spmem:s2] =	stream.indirect.scatter.add.f32 [tilespmem:s16], [sflag:$0x4], $0x80, s29, s13, $0xb8;
	[tilespmem:$0x1E400] =	vst v63  }
0x4d: {  	_ =	swait.ge [sflag:s21], $0x4000  }
0x4e: {  	[sflag:s21] =	ssyncset.done $0x0  }
0x4f: {  	[sflag:s21] =	ssyncadd.s32 $0xFFFFC000  }
0x50: {  	[tilespmem:s3], [sflag:$0x5] =	stream.linear.gather [hbm4b:s22+s3], $0x1400, $0x38;
	[tilespmem:$0x1E400] =	vst v63  }
0x51: {  	_ =	swait.ge [sflag:s11], $0x1400  }
0x52: {  	[sflag:s11] =	ssyncset.done $0x0  }
0x53: {  	[sflag:s11] =	ssyncadd.s32 $0xFFFFEC00  }
0x54: {  	[tilespmem:s12], [sflag:$0x5] =	stream.linear.gather [hbm4b:s23+s3], $0x1400, $0x38;
	[tilespmem:$0x1E400] =	vst v63  }
0x55: {  	_ =	swait.ge [sflag:s11], $0x1400  }
0x56: {  	[sflag:s11] =	ssyncset.done $0x0  }
0x57: {  	[sflag:s11] =	ssyncadd.s32 $0xFFFFEC00  }
0x58: {  	[tilespmem:s14], [sflag:$0x1] =	stream.indirect.gather [hbm4b:s4+s13], $0x80, s3, s13, $0xb8;
	[tilespmem:$0x1E400] =	vst v63  }
0x59: {  	_ =	swait.ge [sflag:s15], $0x4000  }
0x5a: {  	[sflag:s15] =	ssyncset.done $0x0  }
0x5b: {  	[sflag:s15] =	ssyncadd.s32 $0xFFFFC000  }
0x5c: {  	[tilespmem:s16], [sflag:$0x2] =	stream.indirect.gather [hbm4b:s4+s13], $0x80, s13, s13, $0xb8;
	[tilespmem:$0x1E400] =	vst v63  }
0x5d: {  	_ = 	snop  }
0x5e: {  	[spmem:s2] =	stream.indirect.scatter.add.f32 [tilespmem:s14], [sflag:$0x3], $0x80, s12, s13, $0xb8;
	[tilespmem:$0x1E400] =	vst v63  }
0x5f: {  	_ =	swait.ge [sflag:s17], $0x4000  }
0x60: {  	[sflag:s17] =	ssyncset.done $0x0  }
0x61: {  	[sflag:s17] =	ssyncadd.s32 $0xFFFFC000  }
0x62: {  	_ =	swait.ge [sflag:s18], $0x4000  }
0x63: {  	[sflag:s18] =	ssyncset.done $0x0  }
0x64: {  	[sflag:s18] =	ssyncadd.s32 $0xFFFFC000  }
0x65: {  	[tilespmem:s14], [sflag:$0x1] =	stream.indirect.gather [hbm4b:s4+s13], $0x80, s19, s13, $0xb8;
	[tilespmem:$0x1E400] =	vst v63  }
0x66: {  	s26 =	simm.s32 $0xFFFFB800  }
0x67: {  	[spmem:s2] =	stream.indirect.scatter.add.f32 [tilespmem:s16], [sflag:$0x4], $0x80, s20, s13, $0xb8;
	[tilespmem:$0x1E400] =	vst v63  }
.LBB2_5:
0x68: {  	_ =	swait.ge [sflag:s15], $0x4000  }
0x69: {  	[sflag:s15] =	ssyncset.done $0x0  }
0x6a: {  	[sflag:s15] =	ssyncadd.s32 $0xFFFFC000  }
0x6b: {  	_ =	swait.ge [sflag:s21], $0x4000  }
0x6c: {  	s28 =	sshra.s32 s26, $0x2;
	[sflag:s21] =	ssyncset.done $0x0  }
0x6d: {  	s29 =	sadd.s32 $0x1380, s28;
	[sflag:s21] =	ssyncadd.s32 $0xFFFFC000  }
0x6e: {  	[tilespmem:s16], [sflag:$0x2] =	stream.indirect.gather [hbm4b:s4+s13], $0x80, s29, s13, $0xb8;
	[tilespmem:$0x1E400] =	vst v63  }
0x6f: {  	s29 =	sadd.s32 $0x2700, s28  }
0x70: {  	[spmem:s2] =	stream.indirect.scatter.add.f32 [tilespmem:s14], [sflag:$0x3], $0x80, s29, s13, $0xb8;
	[tilespmem:$0x1E400] =	vst v63  }
0x71: {  	p0 =	seq.s32 s26, $0x0;
	_ =	swait.ge [sflag:s17], $0x4000  }
.Ltmp4:
0x72: {  	[sflag:s17] =	ssyncset.done $0x0;
	(pc) =	sbr.rel @p0 .LBB2_7-.Ltmp4, $4  }
0x73: {  	[sflag:s17] =	ssyncadd.s32 $0xFFFFC000  }
0x74: {  	_ =	swait.ge [sflag:s18], $0x4000  }
0x75: {  	[sflag:s18] =	ssyncset.done $0x0  }
0x76: {  	s29 =	sadd.s32 $0x2780, s28;
	[sflag:s18] =	ssyncadd.s32 $0xFFFFC000  }
.Ltmp5:
0x77: {  	(pc) =	sbr.rel .LBB2_5-.Ltmp5, $4  }
0x78: {  	s28 =	sadd.s32 $0x1400, s28  }
0x79: {  	[tilespmem:s14], [sflag:$0x1] =	stream.indirect.gather [hbm4b:s4+s13], $0x80, s28, s13, $0xb8;
	[tilespmem:$0x1E400] =	vst v63  }
0x7a: {  	s26 =	sadd.s32 $0x400, s26  }
0x7b: {  	[spmem:s2] =	stream.indirect.scatter.add.f32 [tilespmem:s16], [sflag:$0x4], $0x80, s29, s13, $0xb8;
	[tilespmem:$0x1E400] =	vst v63  }
.LBB2_8:
0x7c: {  	_ =	sfence.sel $0x180000  }
0x7d: {  	[bflag:$0x0] =	sbarrier.arrive $0xFFFF  }
0x7e: {  	p0 =	sne.s32 s0, $0x0;
	_ =	strace $0x9000004A  }
0x7f: {  	s0 =	sadd.s32 @!p0 $0x100000, s1;
	[bflag:$0x2] =	sbarrier.arrive $0xFFFF  }
0x80: {  	[sflag:s0] =	ssyncadd.tile.s32 @!p0 $0x1;
	_ =	shalt  }
.Lfunc_end2:
_tile_overlayer_lowered:
.L_overlay_start_2:
0x81: {  	(tag) =	ssettag $0x2  }
0x82: {  	s0 =	rddreg [dreg:$0x0];
	s2 =	stileid.u32  }
0x83: {  	s1 =	rddreg [dreg:$0x1];
	p0 =	sne.s32 s2, $0x0  }
0x84: {  	s3 =	rddreg [dreg:$0x2];
	[bflag:$0x3] =	sbarrier.arrive $0xFFFF;
	s2 =	simm.s32 @!p0 $0x1C05  }
0x85: {  	[timem:s3], [sflag:s2] =	dma.local @!p0 [hbm:s0], s1  }
0x86: {  	s0 =	simm.s32 @!p0 $0x5  }
0x87: {  	_ =	swait.ge @!p0 [sflag:s0], s1  }
0x88: {  	s1 =	ssub.s32 @!p0 $0x0, s1;
	[sflag:s0] =	ssyncset.done @!p0 $0x0  }
0x89: {  	[sflag:s0] =	ssyncadd.s32 @!p0 s1  }
0x8a: {  	[bflag:$0x3] =	sbarrier.arrive $0xFFFF  }
0x8b: {  	_ =	shalt  }

// kernel: kernel.16.cloned.1.call-start
scs
__scs_entry_jumppad:
0x0: {  	(pc) =	sbr.rel $0x88, $3  }
0x1: {  	(tag) =	ssettag $0x0;
	lr =	simm.s32 $0x1  }
0x2: {  	[smem:$0x3F9A] =	sst lr;
	_ =	strace $0xD0000000  }
0x3: {  	_ = 	snop  }
0x4: {  	_ = 	snop  }
0x5: {  	_ = 	snop  }
0x6: {  	_ = 	snop  }
0x7: {  	_ = 	snop  }
__scs_overlays_trampoline_lowered:
0x8: {  	[smem:$0x3FA9] =	sst s0  }
0x9: {  	[smem:$0x3FAA] =	sst s1  }
0xa: {  	[smem:$0x3FAB] =	sst s2  }
0xb: {  	[smem:$0x3FAC] =	sst s3  }
0xc: {  	[smem:$0x3FAD] =	sst s4  }
0xd: {  	[smem:$0x3FAE] =	sst s5  }
0xe: {  	[smem:$0x3FAF] =	sst s6  }
0xf: {  	[smem:$0x3FB0] =	sst s7  }
0x10: {  	[smem:$0x3FB1] =	sst s8  }
0x11: {  	[smem:$0x3FB2] =	sst s9;
	s0 =	simm.s32 @!p0 $0x0  }
0x12: {  	s1 =	sld [smem:$0x3F98];
	s0 =	simm.s32 @p0 $0x1  }
0x13: {  	[smem:$0x3FB3] =	sst s0;
	s0 =	simm.s32 @!p1 $0x0  }
0x14: {  	s2 =	sld [smem:$0x3F97];
	s0 =	simm.s32 @p1 $0x1  }
0x15: {  	[smem:$0x3FB4] =	sst s0;
	s0 =	simm.s32 @!p2 $0x0  }
0x16: {  	s3 =	sld [smem:$0x3FDB];
	s0 =	simm.s32 @p2 $0x1  }
0x17: {  	s4 =	simm.s32 $0x1BF5;
	[smem:$0x3FB6] =	sst s0  }
0x18: {  	s0 =	sld [smem:$0x3F99];
	_ =	swait.ge [sflag:s4], $0x0  }
0x19: {  	s7 =	sld [smem:$0x3F9A]  }
0x1a: {  	s8 =	sadd.s32 $0xFFFFE003, lr  }
0x1b: {  	s9 =	sadd.s32 $0xFFFFFEF7, lr;
	s5 =	simm.s32 $0xFFFFFFFF;
	p2 =	slt.u32 s8, $0xFFFFF086  }
0x1c: {  	p1 =	slt.u32 s9, $0xF7A;
	s5 =	simm.s32 @!p2 $0x0  }
0x1d: {  	s5 =	simm.s32 @p1 $0x1;
	p0 =	seq.s32 s7, s2  }
0x1e: {  	s7 =	smul.u32 @!p0 $0xF7A, s2;
	p2 =	seq.s32 @!p0 s5, $0x0  }
0x1f: {  	s9 =	smul.u32 $0xF7A, s1;
	s8 =	simm.s32 @!p0 $0x1BF5;
	p2 =	por !p2, p0  }
0x20: {  	[sflag:s8] =	ssyncset.s32 @!p0 $0xFFFFF086;
	s6 =	sadd.s32 @!p0 s3, s7;
	s7 =	simm.s32 @!p0 $0x108  }
0x21: {  	s3 =	sadd.s32 s3, s9;
	s6 =	sadd.s32 @!p0 $0x88, s6;
	s7 =	simm.s32 @p2 $0x1082  }
0x22: {  	[simem:s7], [sflag:s8] =	dma.local @!p0 [hbm:s6], $0xF7A  }
0x23: {  	s9 =	sor.u32 $0xD0000000, s2;
	s6 =	simm.s32 $0x108;
	_ =	swait.ge @!p0 [sflag:s8], $0x0  }
0x24: {  	s3 =	sadd.s32 $0x88, s3;
	s6 =	simm.s32 @!p1 $0x1082;
	[sflag:s4] =	ssyncset.s32 $0xFFFFF086  }
0x25: {  	[simem:s6], [sflag:s4] =	dma.local [hbm:s3], $0xF7A  }
0x26: {  	[smem:$0x3F9A] =	sst s1;
	(tag) =	ssettag s2;
	_ =	strace s9  }
0x27: {  	s1 =	sld [smem:$0x3FAA]  }
0x28: {  	s2 =	sld [smem:$0x3FAB]  }
0x29: {  	s4 =	sld [smem:$0x3FAD]  }
0x2a: {  	p0 =	seq.s32 s5, $0x0;
	s5 =	sld [smem:$0x3FAE]  }
0x2b: {  	s6 =	sld [smem:$0x3FAF]  }
0x2c: {  	s7 =	sld [smem:$0x3FB0]  }
0x2d: {  	s3 =	simm.s32 $0x108;
	s8 =	sld [smem:$0x3FB1]  }
0x2e: {  	s3 =	simm.s32 @!p0 $0x1082;
	s9 =	sld [smem:$0x3FB2]  }
0x2f: {  	lr =	sadd.s32 s0, s3;
	s0 =	sld [smem:$0x3FA9]  }
0x30: {  	s3 =	sld [smem:$0x3FAC]  }
0x31: {  	[smem:$0x3FB5] =	sst s10  }
0x32: {  	s10 =	sld [smem:$0x3FB3];
	_ =	sdelay $0x3  }
0x33: {  	p0 =	seq.s32 s10, $0x1;
	s10 =	sld [smem:$0x3FB5];
	_ =	sdelay $0x3  }
0x34: {  	[smem:$0x3FB5] =	sst s10  }
0x35: {  	s10 =	sld [smem:$0x3FB4];
	_ =	sdelay $0x3  }
0x36: {  	p1 =	seq.s32 s10, $0x1;
	s10 =	sld [smem:$0x3FB5];
	_ =	sdelay $0x3  }
0x37: {  	[smem:$0x3FB5] =	sst s10  }
0x38: {  	s10 =	sld [smem:$0x3FB6]  }
0x39: {  	_ = 	snop;
	(pc) =	sbr.ind lr, $3  }
0x3a: {  	_ = 	snop  }
0x3b: {  	_ = 	snop  }
0x3c: {  	p2 =	seq.s32 s10, $0x1;
	s10 =	sld [smem:$0x3FB5]  }
0x3d: {  	_ =	shalt  }
0x3e: {  	_ =	shalt  }
0x3f: {  	_ =	shalt  }
0x40: {  	_ =	shalt  }
0x41: {  	_ =	shalt  }
0x42: {  	_ =	shalt  }
0x43: {  	_ =	shalt  }
0x44: {  	_ =	shalt  }
0x45: {  	_ =	shalt  }
0x46: {  	_ =	shalt  }
0x47: {  	_ =	shalt  }
0x48: {  	_ =	shalt  }
0x49: {  	_ =	shalt  }
0x4a: {  	_ =	shalt  }
0x4b: {  	_ =	shalt  }
0x4c: {  	_ =	shalt  }
0x4d: {  	_ =	shalt  }
0x4e: {  	_ =	shalt  }
0x4f: {  	_ =	shalt  }
0x50: {  	_ =	shalt  }
0x51: {  	_ =	shalt  }
0x52: {  	_ =	shalt  }
0x53: {  	_ =	shalt  }
0x54: {  	_ =	shalt  }
0x55: {  	_ =	shalt  }
0x56: {  	_ =	shalt  }
0x57: {  	_ =	shalt  }
0x58: {  	_ =	shalt  }
0x59: {  	_ =	shalt  }
0x5a: {  	_ =	shalt  }
0x5b: {  	_ =	shalt  }
0x5c: {  	_ =	shalt  }
0x5d: {  	_ =	shalt  }
0x5e: {  	_ =	shalt  }
0x5f: {  	_ =	shalt  }
0x60: {  	_ =	shalt  }
0x61: {  	_ =	shalt  }
0x62: {  	_ =	shalt  }
0x63: {  	_ =	shalt  }
0x64: {  	_ =	shalt  }
0x65: {  	_ =	shalt  }
0x66: {  	_ =	shalt  }
0x67: {  	_ =	shalt  }
0x68: {  	_ =	shalt  }
0x69: {  	_ =	shalt  }
0x6a: {  	_ =	shalt  }
0x6b: {  	_ =	shalt  }
0x6c: {  	_ =	shalt  }
0x6d: {  	_ =	shalt  }
0x6e: {  	_ =	shalt  }
0x6f: {  	_ =	shalt  }
0x70: {  	_ =	shalt  }
0x71: {  	_ =	shalt  }
0x72: {  	_ =	shalt  }
0x73: {  	_ =	shalt  }
0x74: {  	_ =	shalt  }
0x75: {  	_ =	shalt  }
0x76: {  	_ =	shalt  }
0x77: {  	_ =	shalt  }
0x78: {  	_ =	shalt  }
0x79: {  	_ =	shalt  }
0x7a: {  	_ =	shalt  }
0x7b: {  	_ =	shalt  }
0x7c: {  	_ =	shalt  }
0x7d: {  	_ =	shalt  }
0x7e: {  	_ =	shalt  }
0x7f: {  	_ =	shalt  }
0x80: {  	_ =	shalt  }
0x81: {  	_ =	shalt  }
0x82: {  	_ =	shalt  }
0x83: {  	_ =	shalt  }
0x84: {  	_ =	shalt  }
0x85: {  	_ =	shalt  }
0x86: {  	_ =	shalt  }
0x87: {  	_ =	shalt  }
.Lfunc_end0:
.L_simem_size_0:
called_computation.2_lowered:
.L_overlay_start_0:
0x88: {  	s2 =	sld [smem:$0x3FD9]  }
0x89: {  	s3 =	sld [smem:$0x3FFE];
	_ =	sdelay $0x1  }
0x8a: {  	s1 =	srdreg.scid  }
0x8b: {  	s0 =	sand.u32 $0x1, s1  }
0x8c: {  	s16 =	sshll.u32 s0, $0xA;
	s2 =	sadd.s32 s3, s2  }
0x8d: {  	s2 =	sadd.s32 s2, s16  }
0x8e: {  	[smem:$0x3FC1] =	sst s2  }
0x8f: {  	_ = 	snop  }
0x90: {  	(tm) =	ssettm $0x1  }
0x91: {  	s17 =	sld [smem:$0x3FFB];
	_ =	sdelay $0x3  }
0x92: {  	_ =	strace s17  }
0x93: {  	s2 =	sld [smem:$0x3FFC];
	_ =	sdelay $0x3  }
0x94: {  	_ =	strace s2  }
0x95: {  	s2 =	sld [smem:$0x3FFD];
	_ =	sdelay $0x3  }
0x96: {  	_ =	strace s2  }
0x97: {  	_ =	strace $0x8FFFFFFF  }
0x98: {  	s18 =	sld [smem:$0x3FDB];
	_ =	sdelay $0x1  }
0x99: {  	s19 =	simm.s32 $_scs_section_size  }
0x9a: {  	s4 =	simm.s32 $_size__tile_overlayer_lowered;
	s5 =	simm.s32 $_tile_overlayer_lowered  }
0x9b: {  	s22 =	simm.s32 $0x1BFF;
	s21 =	sshll.u32 s5, $0x1;
	s2 =	sadd.s32 s19, s18  }
0x9c: {  	s6 =	simm.s32 $0x0;
	s20 =	sshll.u32 s4, $0x1;
	s4 =	sadd.s32 s21, s2  }
0x9d: {  	[timem:s6], [sflag:s22] =	dma.local [hbm:s4], s20  }
0x9e: {  	_ =	swait.ge [sflag:s22], s20  }
0x9f: {  	s3 =	ssub.s32 $0x0, s20;
	[sflag:s22] =	ssyncset.done $0x0  }
0xa0: {  	[sflag:s22] =	ssyncadd.s32 s3;
	_ =	sdelay $0x1  }
0xa1: {  	s23 =	simm.s32 $0x1B8B  }
0xa2: {  	_ =	swait.ge [sflag:s23], $0x1  }
0xa3: {  	[sflag:s23] =	ssyncset.done $0x0  }
0xa4: {  	s25 =	simm.s32 $0x1B8E;
	s24 =	sld [smem:$0x3FFE];
	[sflag:s23] =	ssyncadd.s32 $0xFFFFFFFF  }
0xa5: {  	s26 =	simm.s32 $execute0_lowered;
	[smem:$0x3FD2] =	sst s25  }
0xa6: {  	s4 =	sshll.u32 s26, $0x1;
	_ =	strace $0x8000004C;
	[dreg:$0x1] =	wrdreg $0xFFFFFFFF  }
0xa7: {  	s28 =	simm.s32 $_size_execute0_lowered;
	s2 =	sadd.s32 s2, s4;
	[dreg:$0x0] =	wrdreg $0x0  }
0xa8: {  	s4 =	sshll.u32 s28, $0x1;
	[dreg:$0x2] =	wrdreg s2  }
0xa9: {  	[dreg:$0x3] =	wrdreg s4  }
0xaa: {  	[dreg:$0x4] =	wrdreg $0xC0  }
0xab: {  	_ =	task [dreg:s6], $0x5FFFF  }
0xac: {  	[dreg:$0x1] =	wrdreg $0xFFFFFFFF  }
0xad: {  	[dreg:$0x0] =	wrdreg $0x60  }
0xae: {  	[dreg:$0x2] =	wrdreg s24  }
0xaf: {  	[dreg:$0x3] =	wrdreg $0xA8000  }
0xb0: {  	[dreg:$0x4] =	wrdreg $0x9  }
0xb1: {  	_ =	task.clear_ibuf [dreg:s6], $0x5FFFF;
	_ =	strace $0x9000004C  }
0xb2: {  	s29 =	simm.s32 $0x9;
	_ =	strace $0x8000004E  }
0xb3: {  	_ =	swait.ge [sflag:s29], $0x1  }
0xb4: {  	[sflag:s29] =	ssyncadd.s32 $0xFFFFFFFF  }
0xb5: {  	_ =	strace $0x9000004E  }
0xb6: {  	_ =	sfence  }
0xb7: {  	s30 =	sld [smem:$0x0];
	_ =	sdelay $0x2  }
0xb8: {  	s31 =	sshll.u32 s1, $0xD;
	s1 =	sshrl.u32 s1, $0x2  }
0xb9: {  	s3 =	sand.u32 $0x4000, s31;
	s1 =	sadd.s32 s1, s30  }
0xba: {  	s0 =	sor.u32 s3, s0;
	s1 =	sshll.u32 s1, $0x11  }
0xbb: {  	s0 =	sor.u32 s1, s0  }
0xbc: {  	s0 =	sadd.s32 $0x8F2B, s0  }
0xbd: {  	[sflag:s0] =	ssyncadd.remote.s32 $0x1  }
0xbe: {  	_ =	sfence.sel $0xFFFF  }
0xbf: {  	[dreg:$0x0] =	wrdreg $0xFFFFFFFF;
	(pc) =	sbr.abs _section_cstart, $3  }
0xc0: {  	[dreg:$0x1] =	wrdreg $0xFFFFFFFF  }
0xc1: {  	_ =	task.clear_ibuf [dreg:s6], $0x2FFFF;
	_ =	strace $0x9FFFFFFF  }
0xc2: {  	(tm) =	ssettm $0x7FFFFFFF  }
0xc3: {  	_ =	shalt  }
tec
execute0_lowered:
.L_overlay_start_1:
0x0: {  	(tag) =	ssettag $0x1  }
0x1: {  	s6 =	rddreg [dreg:$0x0]  }
0x2: {  	s0 =	srdreg.scid;
	s2 =	rddreg [dreg:$0x1]  }
0x3: {  	s3 =	simm.s32 $0x0;
	s14 =	simm.s32 $0x2800;
	s15 =	simm.s32 $0x1  }
0x4: {  	s16 =	simm.s32 $0x6800;
	s17 =	simm.s32 $0x2;
	s18 =	simm.s32 $0x3  }
0x5: {  	s19 =	simm.s32 $0x100;
	s5 =	sand.u32 $0x1, s0;
	s0 =	stileid.u32  }
0x6: {  	s20 =	simm.s32 $0x1480;
	s21 =	simm.s32 $0x4;
	s24 =	smul.u32 $0x2780, s0  }
0x7: {  	[smem:$0x7FF] =	sst s3;
	s1 =	sshll.u32 s5, $0x4;
	s8 =	smul.u32 $0x27800, s5  }
0x8: {  	s5 =	ssub.s32 $0x2, s5;
	s9 =	smul.u32 $0x4F000, s0;
	s31 =	sshll.u32 s0, $0x6  }
0x9: {  	s4 =	sor.u32 s0, s1;
	s1 =	rddreg [dreg:$0x2];
	_ =	strace $0x8000004D  }
0xa: {  	s11 =	sshrl.u32 s5, $0x1;
	s7 =	smul.u32 $0x500, s4;
	s4 =	sadd.s32 $0x20200, s6  }
0xb: {  	s29 =	sadd.s32 s24, s6;
	s12 =	sadd.s32 s8, s6;
	s30 =	sshrl.u32 s9, $0x2  }
0xc: {  	s11 =	ssub.s32 s5, s11;
	s13 =	sadd.s32 s30, s2;
	s5 =	sadd.s32 $0x47A00, s29  }
.Ltmp0:
0xd: {  	s25 =	sadd.s32 $0x6F200, s12;
	s9 =	smax.u32 s11, $0x1;
	(pc) =	sbr.rel .LBB2_1-.Ltmp0, $4  }
0xe: {  	s11 =	simm.s32 $0x5;
	s12 =	simm.s32 $0x1400;
	s10 =	sadd.s32 s7, s6  }
0xf: {  	s6 =	sor.u32 $0x1C05, s31;
	s24 =	sadd.s32 s24, s25;
	s25 =	simm.s32 $0x0  }
0x10: {  	s7 =	sadd.s32 $0x16200, s10;
	s8 =	sadd.s32 $0x2400, s10;
	s10 =	sshrl.u32 s13, $0x3  }
0x11: {  	s13 =	simm.s32 $0x80;
	s22 =	sadd.s32 $0x280, s7;
	s23 =	sadd.s32 $0x280, s8  }
.LBB2_7:
0x12: {  	[spmem:s2] =	stream.indirect.scatter.add.f32 [tilespmem:s16], [sflag:$0x4], $0x80, s29, s13, $0xb8;
	[tilespmem:$0x1E400] =	vst v63  }
0x13: {  	_ =	swait.ge [sflag:s21], $0x4000  }
0x14: {  	s25 =	sadd.s32 $0x1, s25;
	[sflag:s21] =	ssyncset.done $0x0  }
0x15: {  	p0 =	sne.s32 s25, s9;
	[sflag:s21] =	ssyncadd.s32 $0xFFFFC000  }
.Ltmp1:
0x16: {  	[bflag:$0x0] =	sbarrier.arrive $0xFFFF;
	(pc) =	sbr.rel @!p0 .LBB2_8-.Ltmp1, $4  }
0x17: {  	[hbm:s24], [sflag:s6] =	dma.local [spmem:s10], $0x2780  }
0x18: {  	_ =	swait.ge [sflag:s11], $0x2780  }
0x19: {  	[sflag:s11] =	ssyncset.done $0x0  }
0x1a: {  	[sflag:s11] =	ssyncadd.s32 $0xFFFFD880  }
.LBB2_1:
0x1b: {  	[spmem:s10], [sflag:s6] =	dma.local [hbm:s5], $0x2780  }
0x1c: {  	_ =	swait.ge [sflag:s11], $0x2780  }
0x1d: {  	[sflag:s11] =	ssyncset.done $0x0  }
0x1e: {  	[sflag:s11] =	ssyncadd.s32 $0xFFFFD880  }
0x1f: {  	[bflag:$0x0] =	sbarrier.arrive $0xFFFF  }
0x20: {  	[tilespmem:s3], [sflag:$0x5] =	stream.linear.gather [hbm4b:s7+s3], $0x1400, $0x38;
	[tilespmem:$0x1E400] =	vst v63  }
0x21: {  	_ =	swait.ge [sflag:s11], $0x1400  }
0x22: {  	[sflag:s11] =	ssyncset.done $0x0  }
0x23: {  	[sflag:s11] =	ssyncadd.s32 $0xFFFFEC00  }
0x24: {  	[tilespmem:s12], [sflag:$0x5] =	stream.linear.gather [hbm4b:s8+s3], $0x1400, $0x38;
	[tilespmem:$0x1E400] =	vst v63  }
0x25: {  	_ =	swait.ge [sflag:s11], $0x1400  }
0x26: {  	[sflag:s11] =	ssyncset.done $0x0  }
0x27: {  	[sflag:s11] =	ssyncadd.s32 $0xFFFFEC00  }
0x28: {  	[tilespmem:s14], [sflag:$0x1] =	stream.indirect.gather [hbm4b:s4+s13], $0x80, s3, s13, $0xb8;
	[tilespmem:$0x1E400] =	vst v63  }
0x29: {  	_ =	swait.ge [sflag:s15], $0x4000  }
0x2a: {  	[sflag:s15] =	ssyncset.done $0x0  }
0x2b: {  	[sflag:s15] =	ssyncadd.s32 $0xFFFFC000  }
0x2c: {  	[tilespmem:s16], [sflag:$0x2] =	stream.indirect.gather [hbm4b:s4+s13], $0x80, s13, s13, $0xb8;
	[tilespmem:$0x1E400] =	vst v63  }
0x2d: {  	_ = 	snop  }
0x2e: {  	[spmem:s2] =	stream.indirect.scatter.add.f32 [tilespmem:s14], [sflag:$0x3], $0x80, s12, s13, $0xb8;
	[tilespmem:$0x1E400] =	vst v63  }
0x2f: {  	_ =	swait.ge [sflag:s17], $0x4000  }
0x30: {  	[sflag:s17] =	ssyncset.done $0x0  }
0x31: {  	[sflag:s17] =	ssyncadd.s32 $0xFFFFC000  }
0x32: {  	_ =	swait.ge [sflag:s18], $0x4000  }
0x33: {  	[sflag:s18] =	ssyncset.done $0x0  }
0x34: {  	[sflag:s18] =	ssyncadd.s32 $0xFFFFC000  }
0x35: {  	[tilespmem:s14], [sflag:$0x1] =	stream.indirect.gather [hbm4b:s4+s13], $0x80, s19, s13, $0xb8;
	[tilespmem:$0x1E400] =	vst v63  }
0x36: {  	s26 =	simm.s32 $0xFFFFB800  }
0x37: {  	[spmem:s2] =	stream.indirect.scatter.add.f32 [tilespmem:s16], [sflag:$0x4], $0x80, s20, s13, $0xb8;
	[tilespmem:$0x1E400] =	vst v63  }
.LBB2_2:
0x38: {  	_ =	swait.ge [sflag:s15], $0x4000  }
0x39: {  	[sflag:s15] =	ssyncset.done $0x0  }
0x3a: {  	[sflag:s15] =	ssyncadd.s32 $0xFFFFC000  }
0x3b: {  	_ =	swait.ge [sflag:s21], $0x4000  }
0x3c: {  	s28 =	sshra.s32 s26, $0x2;
	[sflag:s21] =	ssyncset.done $0x0  }
0x3d: {  	s29 =	sadd.s32 $0x1380, s28;
	[sflag:s21] =	ssyncadd.s32 $0xFFFFC000  }
0x3e: {  	[tilespmem:s16], [sflag:$0x2] =	stream.indirect.gather [hbm4b:s4+s13], $0x80, s29, s13, $0xb8;
	[tilespmem:$0x1E400] =	vst v63  }
0x3f: {  	s29 =	sadd.s32 $0x2700, s28  }
0x40: {  	[spmem:s2] =	stream.indirect.scatter.add.f32 [tilespmem:s14], [sflag:$0x3], $0x80, s29, s13, $0xb8;
	[tilespmem:$0x1E400] =	vst v63  }
0x41: {  	p0 =	seq.s32 s26, $0x0;
	_ =	swait.ge [sflag:s17], $0x4000  }
.Ltmp2:
0x42: {  	[sflag:s17] =	ssyncset.done $0x0;
	(pc) =	sbr.rel @p0 .LBB2_4-.Ltmp2, $4  }
0x43: {  	[sflag:s17] =	ssyncadd.s32 $0xFFFFC000  }
0x44: {  	_ =	swait.ge [sflag:s18], $0x4000  }
0x45: {  	[sflag:s18] =	ssyncset.done $0x0  }
0x46: {  	s29 =	sadd.s32 $0x2780, s28;
	[sflag:s18] =	ssyncadd.s32 $0xFFFFC000  }
.Ltmp3:
0x47: {  	(pc) =	sbr.rel .LBB2_2-.Ltmp3, $4  }
0x48: {  	s28 =	sadd.s32 $0x1400, s28  }
0x49: {  	[tilespmem:s14], [sflag:$0x1] =	stream.indirect.gather [hbm4b:s4+s13], $0x80, s28, s13, $0xb8;
	[tilespmem:$0x1E400] =	vst v63  }
0x4a: {  	s26 =	sadd.s32 $0x400, s26  }
0x4b: {  	[spmem:s2] =	stream.indirect.scatter.add.f32 [tilespmem:s16], [sflag:$0x4], $0x80, s29, s13, $0xb8;
	[tilespmem:$0x1E400] =	vst v63  }
.LBB2_4:
0x4c: {  	[spmem:s2] =	stream.indirect.scatter.add.f32 [tilespmem:s16], [sflag:$0x4], $0x80, s29, s13, $0xb8;
	[tilespmem:$0x1E400] =	vst v63  }
0x4d: {  	_ =	swait.ge [sflag:s21], $0x4000  }
0x4e: {  	[sflag:s21] =	ssyncset.done $0x0  }
0x4f: {  	[sflag:s21] =	ssyncadd.s32 $0xFFFFC000  }
0x50: {  	[tilespmem:s3], [sflag:$0x5] =	stream.linear.gather [hbm4b:s22+s3], $0x1400, $0x38;
	[tilespmem:$0x1E400] =	vst v63  }
0x51: {  	_ =	swait.ge [sflag:s11], $0x1400  }
0x52: {  	[sflag:s11] =	ssyncset.done $0x0  }
0x53: {  	[sflag:s11] =	ssyncadd.s32 $0xFFFFEC00  }
0x54: {  	[tilespmem:s12], [sflag:$0x5] =	stream.linear.gather [hbm4b:s23+s3], $0x1400, $0x38;
	[tilespmem:$0x1E400] =	vst v63  }
0x55: {  	_ =	swait.ge [sflag:s11], $0x1400  }
0x56: {  	[sflag:s11] =	ssyncset.done $0x0  }
0x57: {  	[sflag:s11] =	ssyncadd.s32 $0xFFFFEC00  }
0x58: {  	[tilespmem:s14], [sflag:$0x1] =	stream.indirect.gather [hbm4b:s4+s13], $0x80, s3, s13, $0xb8;
	[tilespmem:$0x1E400] =	vst v63  }
0x59: {  	_ =	swait.ge [sflag:s15], $0x4000  }
0x5a: {  	[sflag:s15] =	ssyncset.done $0x0  }
0x5b: {  	[sflag:s15] =	ssyncadd.s32 $0xFFFFC000  }
0x5c: {  	[tilespmem:s16], [sflag:$0x2] =	stream.indirect.gather [hbm4b:s4+s13], $0x80, s13, s13, $0xb8;
	[tilespmem:$0x1E400] =	vst v63  }
0x5d: {  	_ = 	snop  }
0x5e: {  	[spmem:s2] =	stream.indirect.scatter.add.f32 [tilespmem:s14], [sflag:$0x3], $0x80, s12, s13, $0xb8;
	[tilespmem:$0x1E400] =	vst v63  }
0x5f: {  	_ =	swait.ge [sflag:s17], $0x4000  }
0x60: {  	[sflag:s17] =	ssyncset.done $0x0  }
0x61: {  	[sflag:s17] =	ssyncadd.s32 $0xFFFFC000  }
0x62: {  	_ =	swait.ge [sflag:s18], $0x4000  }
0x63: {  	[sflag:s18] =	ssyncset.done $0x0  }
0x64: {  	[sflag:s18] =	ssyncadd.s32 $0xFFFFC000  }
0x65: {  	[tilespmem:s14], [sflag:$0x1] =	stream.indirect.gather [hbm4b:s4+s13], $0x80, s19, s13, $0xb8;
	[tilespmem:$0x1E400] =	vst v63  }
0x66: {  	s26 =	simm.s32 $0xFFFFB800  }
0x67: {  	[spmem:s2] =	stream.indirect.scatter.add.f32 [tilespmem:s16], [sflag:$0x4], $0x80, s20, s13, $0xb8;
	[tilespmem:$0x1E400] =	vst v63  }
.LBB2_5:
0x68: {  	_ =	swait.ge [sflag:s15], $0x4000  }
0x69: {  	[sflag:s15] =	ssyncset.done $0x0  }
0x6a: {  	[sflag:s15] =	ssyncadd.s32 $0xFFFFC000  }
0x6b: {  	_ =	swait.ge [sflag:s21], $0x4000  }
0x6c: {  	s28 =	sshra.s32 s26, $0x2;
	[sflag:s21] =	ssyncset.done $0x0  }
0x6d: {  	s29 =	sadd.s32 $0x1380, s28;
	[sflag:s21] =	ssyncadd.s32 $0xFFFFC000  }
0x6e: {  	[tilespmem:s16], [sflag:$0x2] =	stream.indirect.gather [hbm4b:s4+s13], $0x80, s29, s13, $0xb8;
	[tilespmem:$0x1E400] =	vst v63  }
0x6f: {  	s29 =	sadd.s32 $0x2700, s28  }
0x70: {  	[spmem:s2] =	stream.indirect.scatter.add.f32 [tilespmem:s14], [sflag:$0x3], $0x80, s29, s13, $0xb8;
	[tilespmem:$0x1E400] =	vst v63  }
0x71: {  	p0 =	seq.s32 s26, $0x0;
	_ =	swait.ge [sflag:s17], $0x4000  }
.Ltmp4:
0x72: {  	[sflag:s17] =	ssyncset.done $0x0;
	(pc) =	sbr.rel @p0 .LBB2_7-.Ltmp4, $4  }
0x73: {  	[sflag:s17] =	ssyncadd.s32 $0xFFFFC000  }
0x74: {  	_ =	swait.ge [sflag:s18], $0x4000  }
0x75: {  	[sflag:s18] =	ssyncset.done $0x0  }
0x76: {  	s29 =	sadd.s32 $0x2780, s28;
	[sflag:s18] =	ssyncadd.s32 $0xFFFFC000  }
.Ltmp5:
0x77: {  	(pc) =	sbr.rel .LBB2_5-.Ltmp5, $4  }
0x78: {  	s28 =	sadd.s32 $0x1400, s28  }
0x79: {  	[tilespmem:s14], [sflag:$0x1] =	stream.indirect.gather [hbm4b:s4+s13], $0x80, s28, s13, $0xb8;
	[tilespmem:$0x1E400] =	vst v63  }
0x7a: {  	s26 =	sadd.s32 $0x400, s26  }
0x7b: {  	[spmem:s2] =	stream.indirect.scatter.add.f32 [tilespmem:s16], [sflag:$0x4], $0x80, s29, s13, $0xb8;
	[tilespmem:$0x1E400] =	vst v63  }
.LBB2_8:
0x7c: {  	_ =	sfence.sel $0x180000  }
0x7d: {  	[bflag:$0x0] =	sbarrier.arrive $0xFFFF  }
0x7e: {  	p0 =	sne.s32 s0, $0x0;
	_ =	strace $0x9000004D  }
0x7f: {  	s0 =	sadd.s32 @!p0 $0x100000, s1;
	[bflag:$0x2] =	sbarrier.arrive $0xFFFF  }
0x80: {  	[sflag:s0] =	ssyncadd.tile.s32 @!p0 $0x1;
	_ =	shalt  }
.Lfunc_end2:
_tile_overlayer_lowered:
.L_overlay_start_2:
0x81: {  	(tag) =	ssettag $0x2  }
0x82: {  	s0 =	rddreg [dreg:$0x0];
	s2 =	stileid.u32  }
0x83: {  	s1 =	rddreg [dreg:$0x1];
	p0 =	sne.s32 s2, $0x0  }
0x84: {  	s3 =	rddreg [dreg:$0x2];
	[bflag:$0x3] =	sbarrier.arrive $0xFFFF;
	s2 =	simm.s32 @!p0 $0x1C05  }
0x85: {  	[timem:s3], [sflag:s2] =	dma.local @!p0 [hbm:s0], s1  }
0x86: {  	s0 =	simm.s32 @!p0 $0x5  }
0x87: {  	_ =	swait.ge @!p0 [sflag:s0], s1  }
0x88: {  	s1 =	ssub.s32 @!p0 $0x0, s1;
	[sflag:s0] =	ssyncset.done @!p0 $0x0  }
0x89: {  	[sflag:s0] =	ssyncadd.s32 @!p0 s1  }
0x8a: {  	[bflag:$0x3] =	sbarrier.arrive $0xFFFF  }
0x8b: {  	_ =	shalt  }

// kernel: kernel.19.cloned.1.call-start
scs
__scs_entry_jumppad:
0x0: {  	(pc) =	sbr.rel $0x88, $3  }
0x1: {  	(tag) =	ssettag $0x0;
	lr =	simm.s32 $0x1  }
0x2: {  	[smem:$0x3F9A] =	sst lr;
	_ =	strace $0xD0000000  }
0x3: {  	_ = 	snop  }
0x4: {  	_ = 	snop  }
0x5: {  	_ = 	snop  }
0x6: {  	_ = 	snop  }
0x7: {  	_ = 	snop  }
__scs_overlays_trampoline_lowered:
0x8: {  	[smem:$0x3FA9] =	sst s0  }
0x9: {  	[smem:$0x3FAA] =	sst s1  }
0xa: {  	[smem:$0x3FAB] =	sst s2  }
0xb: {  	[smem:$0x3FAC] =	sst s3  }
0xc: {  	[smem:$0x3FAD] =	sst s4  }
0xd: {  	[smem:$0x3FAE] =	sst s5  }
0xe: {  	[smem:$0x3FAF] =	sst s6  }
0xf: {  	[smem:$0x3FB0] =	sst s7  }
0x10: {  	[smem:$0x3FB1] =	sst s8  }
0x11: {  	[smem:$0x3FB2] =	sst s9;
	s0 =	simm.s32 @!p0 $0x0  }
0x12: {  	s1 =	sld [smem:$0x3F98];
	s0 =	simm.s32 @p0 $0x1  }
0x13: {  	[smem:$0x3FB3] =	sst s0;
	s0 =	simm.s32 @!p1 $0x0  }
0x14: {  	s2 =	sld [smem:$0x3F97];
	s0 =	simm.s32 @p1 $0x1  }
0x15: {  	[smem:$0x3FB4] =	sst s0;
	s0 =	simm.s32 @!p2 $0x0  }
0x16: {  	s3 =	sld [smem:$0x3FDB];
	s0 =	simm.s32 @p2 $0x1  }
0x17: {  	s4 =	simm.s32 $0x1BF5;
	[smem:$0x3FB6] =	sst s0  }
0x18: {  	s0 =	sld [smem:$0x3F99];
	_ =	swait.ge [sflag:s4], $0x0  }
0x19: {  	s7 =	sld [smem:$0x3F9A]  }
0x1a: {  	s8 =	sadd.s32 $0xFFFFE003, lr  }
0x1b: {  	s9 =	sadd.s32 $0xFFFFFEF7, lr;
	s5 =	simm.s32 $0xFFFFFFFF;
	p2 =	slt.u32 s8, $0xFFFFF086  }
0x1c: {  	p1 =	slt.u32 s9, $0xF7A;
	s5 =	simm.s32 @!p2 $0x0  }
0x1d: {  	s5 =	simm.s32 @p1 $0x1;
	p0 =	seq.s32 s7, s2  }
0x1e: {  	s7 =	smul.u32 @!p0 $0xF7A, s2;
	p2 =	seq.s32 @!p0 s5, $0x0  }
0x1f: {  	s9 =	smul.u32 $0xF7A, s1;
	s8 =	simm.s32 @!p0 $0x1BF5;
	p2 =	por !p2, p0  }
0x20: {  	[sflag:s8] =	ssyncset.s32 @!p0 $0xFFFFF086;
	s6 =	sadd.s32 @!p0 s3, s7;
	s7 =	simm.s32 @!p0 $0x108  }
0x21: {  	s3 =	sadd.s32 s3, s9;
	s6 =	sadd.s32 @!p0 $0x88, s6;
	s7 =	simm.s32 @p2 $0x1082  }
0x22: {  	[simem:s7], [sflag:s8] =	dma.local @!p0 [hbm:s6], $0xF7A  }
0x23: {  	s9 =	sor.u32 $0xD0000000, s2;
	s6 =	simm.s32 $0x108;
	_ =	swait.ge @!p0 [sflag:s8], $0x0  }
0x24: {  	s3 =	sadd.s32 $0x88, s3;
	s6 =	simm.s32 @!p1 $0x1082;
	[sflag:s4] =	ssyncset.s32 $0xFFFFF086  }
0x25: {  	[simem:s6], [sflag:s4] =	dma.local [hbm:s3], $0xF7A  }
0x26: {  	[smem:$0x3F9A] =	sst s1;
	(tag) =	ssettag s2;
	_ =	strace s9  }
0x27: {  	s1 =	sld [smem:$0x3FAA]  }
0x28: {  	s2 =	sld [smem:$0x3FAB]  }
0x29: {  	s4 =	sld [smem:$0x3FAD]  }
0x2a: {  	p0 =	seq.s32 s5, $0x0;
	s5 =	sld [smem:$0x3FAE]  }
0x2b: {  	s6 =	sld [smem:$0x3FAF]  }
0x2c: {  	s7 =	sld [smem:$0x3FB0]  }
0x2d: {  	s3 =	simm.s32 $0x108;
	s8 =	sld [smem:$0x3FB1]  }
0x2e: {  	s3 =	simm.s32 @!p0 $0x1082;
	s9 =	sld [smem:$0x3FB2]  }
0x2f: {  	lr =	sadd.s32 s0, s3;
	s0 =	sld [smem:$0x3FA9]  }
0x30: {  	s3 =	sld [smem:$0x3FAC]  }
0x31: {  	[smem:$0x3FB5] =	sst s10  }
0x32: {  	s10 =	sld [smem:$0x3FB3];
	_ =	sdelay $0x3  }
0x33: {  	p0 =	seq.s32 s10, $0x1;
	s10 =	sld [smem:$0x3FB5];
	_ =	sdelay $0x3  }
0x34: {  	[smem:$0x3FB5] =	sst s10  }
0x35: {  	s10 =	sld [smem:$0x3FB4];
	_ =	sdelay $0x3  }
0x36: {  	p1 =	seq.s32 s10, $0x1;
	s10 =	sld [smem:$0x3FB5];
	_ =	sdelay $0x3  }
0x37: {  	[smem:$0x3FB5] =	sst s10  }
0x38: {  	s10 =	sld [smem:$0x3FB6]  }
0x39: {  	_ = 	snop;
	(pc) =	sbr.ind lr, $3  }
0x3a: {  	_ = 	snop  }
0x3b: {  	_ = 	snop  }
0x3c: {  	p2 =	seq.s32 s10, $0x1;
	s10 =	sld [smem:$0x3FB5]  }
0x3d: {  	_ =	shalt  }
0x3e: {  	_ =	shalt  }
0x3f: {  	_ =	shalt  }
0x40: {  	_ =	shalt  }
0x41: {  	_ =	shalt  }
0x42: {  	_ =	shalt  }
0x43: {  	_ =	shalt  }
0x44: {  	_ =	shalt  }
0x45: {  	_ =	shalt  }
0x46: {  	_ =	shalt  }
0x47: {  	_ =	shalt  }
0x48: {  	_ =	shalt  }
0x49: {  	_ =	shalt  }
0x4a: {  	_ =	shalt  }
0x4b: {  	_ =	shalt  }
0x4c: {  	_ =	shalt  }
0x4d: {  	_ =	shalt  }
0x4e: {  	_ =	shalt  }
0x4f: {  	_ =	shalt  }
0x50: {  	_ =	shalt  }
0x51: {  	_ =	shalt  }
0x52: {  	_ =	shalt  }
0x53: {  	_ =	shalt  }
0x54: {  	_ =	shalt  }
0x55: {  	_ =	shalt  }
0x56: {  	_ =	shalt  }
0x57: {  	_ =	shalt  }
0x58: {  	_ =	shalt  }
0x59: {  	_ =	shalt  }
0x5a: {  	_ =	shalt  }
0x5b: {  	_ =	shalt  }
0x5c: {  	_ =	shalt  }
0x5d: {  	_ =	shalt  }
0x5e: {  	_ =	shalt  }
0x5f: {  	_ =	shalt  }
0x60: {  	_ =	shalt  }
0x61: {  	_ =	shalt  }
0x62: {  	_ =	shalt  }
0x63: {  	_ =	shalt  }
0x64: {  	_ =	shalt  }
0x65: {  	_ =	shalt  }
0x66: {  	_ =	shalt  }
0x67: {  	_ =	shalt  }
0x68: {  	_ =	shalt  }
0x69: {  	_ =	shalt  }
0x6a: {  	_ =	shalt  }
0x6b: {  	_ =	shalt  }
0x6c: {  	_ =	shalt  }
0x6d: {  	_ =	shalt  }
0x6e: {  	_ =	shalt  }
0x6f: {  	_ =	shalt  }
0x70: {  	_ =	shalt  }
0x71: {  	_ =	shalt  }
0x72: {  	_ =	shalt  }
0x73: {  	_ =	shalt  }
0x74: {  	_ =	shalt  }
0x75: {  	_ =	shalt  }
0x76: {  	_ =	shalt  }
0x77: {  	_ =	shalt  }
0x78: {  	_ =	shalt  }
0x79: {  	_ =	shalt  }
0x7a: {  	_ =	shalt  }
0x7b: {  	_ =	shalt  }
0x7c: {  	_ =	shalt  }
0x7d: {  	_ =	shalt  }
0x7e: {  	_ =	shalt  }
0x7f: {  	_ =	shalt  }
0x80: {  	_ =	shalt  }
0x81: {  	_ =	shalt  }
0x82: {  	_ =	shalt  }
0x83: {  	_ =	shalt  }
0x84: {  	_ =	shalt  }
0x85: {  	_ =	shalt  }
0x86: {  	_ =	shalt  }
0x87: {  	_ =	shalt  }
.Lfunc_end0:
.L_simem_size_0:
called_computation.3_lowered:
.L_overlay_start_0:
0x88: {  	s2 =	sld [smem:$0x3FD9]  }
0x89: {  	s3 =	sld [smem:$0x3FFE];
	_ =	sdelay $0x1  }
0x8a: {  	s1 =	srdreg.scid  }
0x8b: {  	s0 =	sand.u32 $0x1, s1  }
0x8c: {  	s16 =	sshll.u32 s0, $0xA;
	s2 =	sadd.s32 s3, s2  }
0x8d: {  	s2 =	sadd.s32 s2, s16  }
0x8e: {  	[smem:$0x3FC1] =	sst s2  }
0x8f: {  	_ = 	snop  }
0x90: {  	(tm) =	ssettm $0x1  }
0x91: {  	s17 =	sld [smem:$0x3FFB];
	_ =	sdelay $0x3  }
0x92: {  	_ =	strace s17  }
0x93: {  	s2 =	sld [smem:$0x3FFC];
	_ =	sdelay $0x3  }
0x94: {  	_ =	strace s2  }
0x95: {  	s2 =	sld [smem:$0x3FFD];
	_ =	sdelay $0x3  }
0x96: {  	_ =	strace s2  }
0x97: {  	_ =	strace $0x8FFFFFFF  }
0x98: {  	s18 =	sld [smem:$0x3FDB];
	_ =	sdelay $0x1  }
0x99: {  	s19 =	simm.s32 $_scs_section_size  }
0x9a: {  	s4 =	simm.s32 $_size__tile_overlayer_lowered;
	s5 =	simm.s32 $_tile_overlayer_lowered  }
0x9b: {  	s22 =	simm.s32 $0x1BFF;
	s21 =	sshll.u32 s5, $0x1;
	s2 =	sadd.s32 s19, s18  }
0x9c: {  	s6 =	simm.s32 $0x0;
	s20 =	sshll.u32 s4, $0x1;
	s4 =	sadd.s32 s21, s2  }
0x9d: {  	[timem:s6], [sflag:s22] =	dma.local [hbm:s4], s20  }
0x9e: {  	_ =	swait.ge [sflag:s22], s20  }
0x9f: {  	s3 =	ssub.s32 $0x0, s20;
	[sflag:s22] =	ssyncset.done $0x0  }
0xa0: {  	[sflag:s22] =	ssyncadd.s32 s3;
	_ =	sdelay $0x1  }
0xa1: {  	s23 =	simm.s32 $0x1B8B  }
0xa2: {  	_ =	swait.ge [sflag:s23], $0x1  }
0xa3: {  	[sflag:s23] =	ssyncset.done $0x0  }
0xa4: {  	s25 =	simm.s32 $0x1B8E;
	s24 =	sld [smem:$0x3FFE];
	[sflag:s23] =	ssyncadd.s32 $0xFFFFFFFF  }
0xa5: {  	s26 =	simm.s32 $execute0_lowered;
	[smem:$0x3FD2] =	sst s25  }
0xa6: {  	s4 =	sshll.u32 s26, $0x1;
	_ =	strace $0x8000004F;
	[dreg:$0x1] =	wrdreg $0xFFFFFFFF  }
0xa7: {  	s28 =	simm.s32 $_size_execute0_lowered;
	s2 =	sadd.s32 s2, s4;
	[dreg:$0x0] =	wrdreg $0x0  }
0xa8: {  	s4 =	sshll.u32 s28, $0x1;
	[dreg:$0x2] =	wrdreg s2  }
0xa9: {  	[dreg:$0x3] =	wrdreg s4  }
0xaa: {  	[dreg:$0x4] =	wrdreg $0xC0  }
0xab: {  	_ =	task [dreg:s6], $0x5FFFF  }
0xac: {  	[dreg:$0x1] =	wrdreg $0xFFFFFFFF  }
0xad: {  	[dreg:$0x0] =	wrdreg $0x60  }
0xae: {  	[dreg:$0x2] =	wrdreg s24  }
0xaf: {  	[dreg:$0x3] =	wrdreg $0x9  }
0xb0: {  	_ =	task.clear_ibuf [dreg:s6], $0x4FFFF;
	_ =	strace $0x9000004F  }
0xb1: {  	s29 =	simm.s32 $0x9;
	_ =	strace $0x80000051  }
0xb2: {  	_ =	swait.ge [sflag:s29], $0x1  }
0xb3: {  	[sflag:s29] =	ssyncadd.s32 $0xFFFFFFFF  }
0xb4: {  	_ =	strace $0x90000051  }
0xb5: {  	_ =	sfence  }
0xb6: {  	s30 =	sld [smem:$0x0];
	_ =	sdelay $0x2  }
0xb7: {  	s31 =	sshll.u32 s1, $0xD;
	s1 =	sshrl.u32 s1, $0x2  }
0xb8: {  	s3 =	sand.u32 $0x4000, s31;
	s1 =	sadd.s32 s1, s30  }
0xb9: {  	s0 =	sor.u32 s3, s0;
	s1 =	sshll.u32 s1, $0x11  }
0xba: {  	s0 =	sor.u32 s1, s0  }
0xbb: {  	s0 =	sadd.s32 $0x8F2B, s0  }
0xbc: {  	[sflag:s0] =	ssyncadd.remote.s32 $0x1  }
0xbd: {  	_ =	sfence.sel $0xFFFF  }
0xbe: {  	[dreg:$0x0] =	wrdreg $0xFFFFFFFF;
	(pc) =	sbr.abs _section_cstart, $3  }
0xbf: {  	[dreg:$0x1] =	wrdreg $0xFFFFFFFF  }
0xc0: {  	_ =	task.clear_ibuf [dreg:s6], $0x2FFFF;
	_ =	strace $0x9FFFFFFF  }
0xc1: {  	(tm) =	ssettm $0x7FFFFFFF  }
tec
execute0_lowered:
.L_overlay_start_1:
0x0: {  	(tag) =	ssettag $0x1  }
0x1: {  	s0 =	rddreg [dreg:$0x0];
	s1 =	srdreg.scid;
	s2 =	simm.s32 $0x0  }
0x2: {  	s9 =	stileid.u32;
	s18 =	simm.s32 $0x9;
	s28 =	simm.s32 $0xE000  }
0x3: {  	s29 =	simm.s32 $0x3;
	s30 =	simm.s32 $0x4;
	s31 =	simm.s32 $0x5  }
0x4: {  	s1 =	sand.u32 $0x1, s1;
	[smem:$0x7FF] =	sst s2;
	s7 =	sadd.s32 $0x3BC00, s0  }
0x5: {  	s15 =	smul.u32 $0xD000, s9;
	s3 =	sshll.u32 s1, $0x4;
	_ =	strace $0x80000050  }
0x6: {  	s6 =	ssub.s32 $0x2, s1;
	s1 =	smul.u32 $0xD0000, s1;
	s4 =	sor.u32 s9, s3  }
0x7: {  	s3 =	sadd.s32 $0x14400, s0;
	s8 =	sshrl.u32 s6, $0x1;
	s5 =	sshll.u32 s4, $0x9  }
0x8: {  	s6 =	ssub.s32 s6, s8;
	s4 =	smul.u32 $0xD000, s4;
	s16 =	sadd.s32 s1, s7  }
0x9: {  	s5 =	sadd.s32 s5, s0;
	s0 =	sadd.s32 $0x1DBC00, s0;
	s20 =	smax.u32 s6, $0x1  }
0xa: {  	s19 =	sadd.s32 $0x10400, s5;
	s5 =	sadd.s32 $0xC400, s5;
	[dreg:$0x4] =	wrdreg s20  }
0xb: {  	s21 =	sadd.s32 s7, s4;
	s22 =	sadd.s32 s0, s4;
	[dreg:$0x2] =	wrdreg s19  }
0xc: {  	s23 =	sor.u32 $0x800, s4;
	s25 =	sadd.s32 $0xC000, s4;
	[dreg:$0x3] =	wrdreg s5  }
0xd: {  	s4 =	sadd.s32 $0xC800, s4;
	s17 =	sadd.s32 s1, s0;
	[dreg:$0x5] =	wrdreg s21  }
0xe: {  	s20 =	simm.s32 $0x80;
	s1 =	simm.s32 $0x7;
	[dreg:$0x6] =	wrdreg s22  }
0xf: {  	s24 =	sadd.s32 s7, s23;
	s5 =	sadd.s32 s0, s23;
	s26 =	sadd.s32 s7, s25  }
0x10: {  	s12 =	sadd.s32 s0, s25;
	s13 =	sadd.s32 s7, s4;
	s14 =	sadd.s32 s0, s4  }
0x11: {  	s19 =	simm.s32 $0x1000;
	s21 =	simm.s32 $0x2000;
	s22 =	simm.s32 $0x6000  }
0x12: {  	s23 =	simm.s32 $0x1;
	s25 =	simm.s32 $0xA000;
	[dreg:$0x7] =	wrdreg s24  }
0x13: {  	s0 =	simm.s32 $0x6;
	s4 =	simm.s32 $0x0;
	[dreg:$0x8] =	wrdreg s5  }
0x14: {  	[dreg:$0x9] =	wrdreg s26;
	s24 =	simm.s32 $0x2;
	s26 =	simm.s32 $0x8  }
.LBB2_1:
0x15: {  	s5 =	rddreg [dreg:$0x2]  }
0x16: {  	[tilespmem:s2], [sflag:$0x9] =	stream.linear.gather [hbm4b:s5+s2], $0x1000, $0x38;
	[tilespmem:$0x12000] =	vst v63  }
0x17: {  	_ =	swait.ge [sflag:s18], $0x1000  }
0x18: {  	[sflag:s18] =	ssyncset.done $0x0  }
0x19: {  	s7 =	rddreg [dreg:$0x3];
	[sflag:s18] =	ssyncadd.s32 $0xFFFFF000  }
0x1a: {  	[tilespmem:s19], [sflag:$0x9] =	stream.linear.gather [hbm4b:s7+s2], $0x1000, $0x38;
	[tilespmem:$0x12000] =	vst v63  }
0x1b: {  	_ =	swait.ge [sflag:s18], $0x1000  }
0x1c: {  	[sflag:s18] =	ssyncset.done $0x0  }
0x1d: {  	[sflag:s18] =	ssyncadd.s32 $0xFFFFF000  }
0x1e: {  	[tilespmem:s21], [sflag:$0x1] =	stream.indirect.gather [hbm4b:s3+s20], $0x80, s2, s20, $0xb8;
	[tilespmem:$0x12000] =	vst v63  }
0x1f: {  	_ = 	snop  }
0x20: {  	[tilespmem:s22], [sflag:$0x2] =	stream.indirect.gather [hbm4b:s3+s20], $0x80, s19, s20, $0xb8;
	[tilespmem:$0x12000] =	vst v63  }
0x21: {  	_ =	swait.ge [sflag:s23], $0x4000  }
0x22: {  	[sflag:s23] =	ssyncset.done $0x0  }
0x23: {  	[sflag:s23] =	ssyncadd.s32 $0xFFFFC000  }
0x24: {  	_ =	swait.ge [sflag:s24], $0x4000  }
0x25: {  	[sflag:s24] =	ssyncset.done $0x0  }
0x26: {  	[sflag:s24] =	ssyncadd.s32 $0xFFFFC000  }
0x27: {  	[tilespmem:s25], [sflag:$0x3] =	stream.indirect.gather [hbm4b:s3+s20], $0x80, s20, s20, $0xb8;
	[tilespmem:$0x12000] =	vst v63  }
0x28: {  	s8 =	simm.s32 $0x1080  }
0x29: {  	[tilespmem:s28], [sflag:$0x4] =	stream.indirect.gather [hbm4b:s3+s20], $0x80, s8, s20, $0xb8;
	[tilespmem:$0x12000] =	vst v63  }
0x2a: {  	s9 =	rddreg [dreg:$0x5]  }
0x2b: {  	[hbm4b:s9+s2] =	stream.linear.scatter [tilespmem:s21], [sflag:$0x5], $0x4000, $0x38;
	[tilespmem:$0x12000] =	vst v63  }
0x2c: {  	s10 =	rddreg [dreg:$0x6]  }
0x2d: {  	[hbm4b:s10+s2] =	stream.linear.scatter [tilespmem:s22], [sflag:$0x6], $0x4000, $0x38;
	[tilespmem:$0x12000] =	vst v63  }
0x2e: {  	_ =	swait.ge [sflag:s29], $0x4000  }
0x2f: {  	[sflag:s29] =	ssyncset.done $0x0  }
0x30: {  	[sflag:s29] =	ssyncadd.s32 $0xFFFFC000  }
0x31: {  	_ =	swait.ge [sflag:s30], $0x4000  }
0x32: {  	[sflag:s30] =	ssyncset.done $0x0  }
0x33: {  	[sflag:s30] =	ssyncadd.s32 $0xFFFFC000  }
0x34: {  	_ =	swait.ge [sflag:s31], $0x4000  }
0x35: {  	[sflag:s31] =	ssyncset.done $0x0  }
0x36: {  	[sflag:s31] =	ssyncadd.s32 $0xFFFFC000  }
0x37: {  	_ =	swait.ge [sflag:s0], $0x4000  }
0x38: {  	[sflag:s0] =	ssyncset.done $0x0  }
0x39: {  	s11 =	simm.s32 $0x100;
	[sflag:s0] =	ssyncadd.s32 $0xFFFFC000  }
0x3a: {  	[tilespmem:s21], [sflag:$0x1] =	stream.indirect.gather [hbm4b:s3+s20], $0x80, s11, s20, $0xb8;
	[tilespmem:$0x12000] =	vst v63  }
0x3b: {  	s6 =	simm.s32 $0x1100  }
0x3c: {  	[tilespmem:s22], [sflag:$0x2] =	stream.indirect.gather [hbm4b:s3+s20], $0x80, s6, s20, $0xb8;
	[tilespmem:$0x12000] =	vst v63  }
0x3d: {  	s7 =	rddreg [dreg:$0x7]  }
0x3e: {  	[hbm4b:s7+s2] =	stream.linear.scatter [tilespmem:s25], [sflag:$0x7], $0x4000, $0x38;
	[tilespmem:$0x12000] =	vst v63  }
0x3f: {  	s8 =	rddreg [dreg:$0x8]  }
0x40: {  	[hbm4b:s8+s2] =	stream.linear.scatter [tilespmem:s28], [sflag:$0x8], $0x4000, $0x38;
	[tilespmem:$0x12000] =	vst v63  }
0x41: {  	_ =	swait.ge [sflag:s23], $0x4000  }
0x42: {  	[sflag:s23] =	ssyncset.done $0x0  }
0x43: {  	[sflag:s23] =	ssyncadd.s32 $0xFFFFC000  }
0x44: {  	_ =	swait.ge [sflag:s24], $0x4000  }
0x45: {  	[sflag:s24] =	ssyncset.done $0x0  }
0x46: {  	[sflag:s24] =	ssyncadd.s32 $0xFFFFC000  }
0x47: {  	_ =	swait.ge [sflag:s1], $0x4000  }
0x48: {  	[sflag:s1] =	ssyncset.done $0x0  }
0x49: {  	[sflag:s1] =	ssyncadd.s32 $0xFFFFC000  }
0x4a: {  	_ =	swait.ge [sflag:s26], $0x4000  }
0x4b: {  	[sflag:s26] =	ssyncset.done $0x0  }
0x4c: {  	s9 =	simm.s32 $0x180;
	[sflag:s26] =	ssyncadd.s32 $0xFFFFC000  }
0x4d: {  	[tilespmem:s25], [sflag:$0x3] =	stream.indirect.gather [hbm4b:s3+s20], $0x80, s9, s20, $0xb8;
	[tilespmem:$0x12000] =	vst v63  }
0x4e: {  	s10 =	simm.s32 $0x1180;
	s6 =	sadd.s32 s16, s15  }
0x4f: {  	[tilespmem:s28], [sflag:$0x4] =	stream.indirect.gather [hbm4b:s3+s20], $0x80, s10, s20, $0xb8;
	[tilespmem:$0x12000] =	vst v63  }
0x50: {  	s11 =	sadd.s32 $0x1000, s6;
	s7 =	sadd.s32 s17, s15  }
0x51: {  	[hbm4b:s11+s2] =	stream.linear.scatter [tilespmem:s21], [sflag:$0x5], $0x4000, $0x38;
	[tilespmem:$0x12000] =	vst v63  }
0x52: {  	s8 =	sadd.s32 $0x1000, s7  }
0x53: {  	[hbm4b:s8+s2] =	stream.linear.scatter [tilespmem:s22], [sflag:$0x6], $0x4000, $0x38;
	[tilespmem:$0x12000] =	vst v63  }
0x54: {  	_ =	swait.ge [sflag:s29], $0x4000  }
0x55: {  	[sflag:s29] =	ssyncset.done $0x0  }
0x56: {  	[sflag:s29] =	ssyncadd.s32 $0xFFFFC000  }
0x57: {  	_ =	swait.ge [sflag:s30], $0x4000  }
0x58: {  	[sflag:s30] =	ssyncset.done $0x0  }
0x59: {  	[sflag:s30] =	ssyncadd.s32 $0xFFFFC000  }
0x5a: {  	_ =	swait.ge [sflag:s31], $0x4000  }
0x5b: {  	[sflag:s31] =	ssyncset.done $0x0  }
0x5c: {  	[sflag:s31] =	ssyncadd.s32 $0xFFFFC000  }
0x5d: {  	_ =	swait.ge [sflag:s0], $0x4000  }
0x5e: {  	[sflag:s0] =	ssyncset.done $0x0  }
0x5f: {  	s9 =	simm.s32 $0x200;
	[sflag:s0] =	ssyncadd.s32 $0xFFFFC000  }
0x60: {  	[tilespmem:s21], [sflag:$0x1] =	stream.indirect.gather [hbm4b:s3+s20], $0x80, s9, s20, $0xb8;
	[tilespmem:$0x12000] =	vst v63  }
0x61: {  	s5 =	simm.s32 $0x400;
	s10 =	simm.s32 $0x1200;
	s11 =	sadd.s32 $0x1800, s6  }
0x62: {  	[tilespmem:s22], [sflag:$0x2] =	stream.indirect.gather [hbm4b:s3+s20], $0x80, s10, s20, $0xb8;
	[tilespmem:$0x12000] =	vst v63  }
0x63: {  	s6 =	sadd.s32 $0x1000, s16;
	s8 =	sadd.s32 $0x1800, s7;
	s7 =	sadd.s32 $0x1000, s17  }
0x64: {  	[hbm4b:s11+s2] =	stream.linear.scatter [tilespmem:s25], [sflag:$0x7], $0x4000, $0x38;
	[tilespmem:$0x12000] =	vst v63  }
.LBB2_2:
0x65: {  	[hbm4b:s8+s2] =	stream.linear.scatter [tilespmem:s28], [sflag:$0x8], $0x4000, $0x38;
	[tilespmem:$0x12000] =	vst v63  }
0x66: {  	s8 =	smov.u32 s5  }
0x67: {  	p0 =	sne.s32 s5, $0x2800;
	s5 =	sadd.s32 $0x400, s5;
	_ =	swait.ge [sflag:s23], $0x4000  }
0x68: {  	[sflag:s23] =	ssyncset.done $0x0  }
0x69: {  	[sflag:s23] =	ssyncadd.s32 $0xFFFFC000  }
0x6a: {  	_ =	swait.ge [sflag:s24], $0x4000  }
0x6b: {  	[sflag:s24] =	ssyncset.done $0x0  }
0x6c: {  	[sflag:s24] =	ssyncadd.s32 $0xFFFFC000  }
0x6d: {  	_ =	swait.ge [sflag:s1], $0x4000  }
0x6e: {  	[sflag:s1] =	ssyncset.done $0x0  }
0x6f: {  	[sflag:s1] =	ssyncadd.s32 $0xFFFFC000  }
0x70: {  	_ =	swait.ge [sflag:s26], $0x4000  }
0x71: {  	s8 =	sshra.s32 s8, $0x2;
	[sflag:s26] =	ssyncset.done $0x0  }
0x72: {  	s9 =	sadd.s32 $0x180, s8;
	[sflag:s26] =	ssyncadd.s32 $0xFFFFC000  }
0x73: {  	[tilespmem:s25], [sflag:$0x3] =	stream.indirect.gather [hbm4b:s3+s20], $0x80, s9, s20, $0xb8;
	[tilespmem:$0x12000] =	vst v63  }
0x74: {  	s10 =	sadd.s32 s6, s15;
	s9 =	sadd.s32 $0x1180, s8  }
0x75: {  	[tilespmem:s28], [sflag:$0x4] =	stream.indirect.gather [hbm4b:s3+s20], $0x80, s9, s20, $0xb8;
	[tilespmem:$0x12000] =	vst v63  }
0x76: {  	s11 =	sadd.s32 s7, s15;
	s9 =	sadd.s32 $0x1000, s10  }
0x77: {  	[hbm4b:s9+s2] =	stream.linear.scatter [tilespmem:s21], [sflag:$0x5], $0x4000, $0x38;
	[tilespmem:$0x12000] =	vst v63  }
0x78: {  	s9 =	sadd.s32 $0x1000, s11  }
0x79: {  	[hbm4b:s9+s2] =	stream.linear.scatter [tilespmem:s22], [sflag:$0x6], $0x4000, $0x38;
	[tilespmem:$0x12000] =	vst v63  }
0x7a: {  	_ =	swait.ge [sflag:s29], $0x4000  }
0x7b: {  	[sflag:s29] =	ssyncset.done $0x0  }
0x7c: {  	[sflag:s29] =	ssyncadd.s32 $0xFFFFC000  }
0x7d: {  	_ =	swait.ge [sflag:s30], $0x4000  }
0x7e: {  	[sflag:s30] =	ssyncset.done $0x0  }
0x7f: {  	[sflag:s30] =	ssyncadd.s32 $0xFFFFC000  }
0x80: {  	_ =	swait.ge [sflag:s31], $0x4000  }
0x81: {  	[sflag:s31] =	ssyncset.done $0x0  }
0x82: {  	[sflag:s31] =	ssyncadd.s32 $0xFFFFC000  }
0x83: {  	_ =	swait.ge [sflag:s0], $0x4000  }
0x84: {  	[sflag:s0] =	ssyncset.done $0x0  }
0x85: {  	s9 =	sadd.s32 $0x200, s8;
	[sflag:s0] =	ssyncadd.s32 $0xFFFFC000  }
0x86: {  	[tilespmem:s21], [sflag:$0x1] =	stream.indirect.gather [hbm4b:s3+s20], $0x80, s9, s20, $0xb8;
	[tilespmem:$0x12000] =	vst v63  }
.Ltmp0:
0x87: {  	s8 =	sadd.s32 $0x1200, s8;
	(pc) =	sbr.rel @p0 .LBB2_2-.Ltmp0, $4  }
0x88: {  	[tilespmem:s22], [sflag:$0x2] =	stream.indirect.gather [hbm4b:s3+s20], $0x80, s8, s20, $0xb8;
	[tilespmem:$0x12000] =	vst v63  }
0x89: {  	s8 =	sadd.s32 $0x1800, s10  }
0x8a: {  	[hbm4b:s8+s2] =	stream.linear.scatter [tilespmem:s25], [sflag:$0x7], $0x4000, $0x38;
	[tilespmem:$0x12000] =	vst v63  }
0x8b: {  	s6 =	sadd.s32 $0x1000, s6;
	s7 =	sadd.s32 $0x1000, s7;
	s8 =	sadd.s32 $0x1800, s11  }
0x8c: {  	[hbm4b:s8+s2] =	stream.linear.scatter [tilespmem:s28], [sflag:$0x8], $0x4000, $0x38;
	[tilespmem:$0x12000] =	vst v63  }
0x8d: {  	_ =	swait.ge [sflag:s23], $0x4000  }
0x8e: {  	[sflag:s23] =	ssyncset.done $0x0  }
0x8f: {  	[sflag:s23] =	ssyncadd.s32 $0xFFFFC000  }
0x90: {  	_ =	swait.ge [sflag:s24], $0x4000  }
0x91: {  	[sflag:s24] =	ssyncset.done $0x0  }
0x92: {  	[sflag:s24] =	ssyncadd.s32 $0xFFFFC000  }
0x93: {  	_ =	swait.ge [sflag:s1], $0x4000  }
0x94: {  	[sflag:s1] =	ssyncset.done $0x0  }
0x95: {  	[sflag:s1] =	ssyncadd.s32 $0xFFFFC000  }
0x96: {  	_ =	swait.ge [sflag:s26], $0x4000  }
0x97: {  	[sflag:s26] =	ssyncset.done $0x0  }
0x98: {  	s5 =	simm.s32 $0xC80;
	[sflag:s26] =	ssyncadd.s32 $0xFFFFC000  }
0x99: {  	[tilespmem:s25], [sflag:$0x3] =	stream.indirect.gather [hbm4b:s3+s20], $0x80, s5, s20, $0xb8;
	[tilespmem:$0x12000] =	vst v63  }
0x9a: {  	s9 =	simm.s32 $0x1C80  }
0x9b: {  	[tilespmem:s28], [sflag:$0x4] =	stream.indirect.gather [hbm4b:s3+s20], $0x80, s9, s20, $0xb8;
	[tilespmem:$0x12000] =	vst v63  }
0x9c: {  	s10 =	rddreg [dreg:$0x9]  }
0x9d: {  	[hbm4b:s10+s2] =	stream.linear.scatter [tilespmem:s21], [sflag:$0x5], $0x4000, $0x38;
	[tilespmem:$0x12000] =	vst v63  }
0x9e: {  	_ = 	snop  }
0x9f: {  	[hbm4b:s12+s2] =	stream.linear.scatter [tilespmem:s22], [sflag:$0x6], $0x4000, $0x38;
	[tilespmem:$0x12000] =	vst v63  }
0xa0: {  	_ =	swait.ge [sflag:s29], $0x4000  }
0xa1: {  	[sflag:s29] =	ssyncset.done $0x0  }
0xa2: {  	[sflag:s29] =	ssyncadd.s32 $0xFFFFC000  }
0xa3: {  	_ =	swait.ge [sflag:s30], $0x4000  }
0xa4: {  	[sflag:s30] =	ssyncset.done $0x0  }
0xa5: {  	[sflag:s30] =	ssyncadd.s32 $0xFFFFC000  }
0xa6: {  	_ =	swait.ge [sflag:s31], $0x4000  }
0xa7: {  	[sflag:s31] =	ssyncset.done $0x0  }
0xa8: {  	[sflag:s31] =	ssyncadd.s32 $0xFFFFC000  }
0xa9: {  	_ =	swait.ge [sflag:s0], $0x4000  }
0xaa: {  	[sflag:s0] =	ssyncset.done $0x0  }
0xab: {  	[sflag:s0] =	ssyncadd.s32 $0xFFFFC000  }
0xac: {  	[hbm4b:s13+s2] =	stream.linear.scatter [tilespmem:s25], [sflag:$0x7], $0x4000, $0x38;
	[tilespmem:$0x12000] =	vst v63  }
0xad: {  	_ = 	snop  }
0xae: {  	[hbm4b:s14+s2] =	stream.linear.scatter [tilespmem:s28], [sflag:$0x8], $0x4000, $0x38;
	[tilespmem:$0x12000] =	vst v63  }
0xaf: {  	_ =	swait.ge [sflag:s1], $0x4000  }
0xb0: {  	[sflag:s1] =	ssyncset.done $0x0  }
0xb1: {  	[sflag:s1] =	ssyncadd.s32 $0xFFFFC000  }
0xb2: {  	_ =	swait.ge [sflag:s26], $0x4000  }
0xb3: {  	s4 =	sadd.s32 $0x1, s4;
	s11 =	rddreg [dreg:$0x4]  }
0xb4: {  	p0 =	sne.s32 s4, s11  }
.Ltmp1:
0xb5: {  	_ = 	snop;
	(pc) =	sbr.rel @p0 .LBB2_1-.Ltmp1, $3  }
0xb6: {  	_ =	sdelay $0x1  }
0xb7: {  	[sflag:s26] =	ssyncset.done $0x0  }
0xb8: {  	[sflag:s26] =	ssyncadd.s32 $0xFFFFC000  }
0xb9: {  	_ =	sfence.sel $0x180000  }
0xba: {  	[bflag:$0x0] =	sbarrier.arrive $0xFFFF  }
0xbb: {  	_ =	strace $0x90000050  }
0xbc: {  	s0 =	stileid.u32;
	[bflag:$0x2] =	sbarrier.arrive $0xFFFF  }
0xbd: {  	p0 =	sne.s32 s0, $0x0;
	s0 =	rddreg [dreg:$0x1]  }
0xbe: {  	s0 =	sadd.s32 @!p0 $0x100000, s0  }
0xbf: {  	[sflag:s0] =	ssyncadd.tile.s32 @!p0 $0x1;
	_ =	shalt  }
.Lfunc_end2:
_tile_overlayer_lowered:
.L_overlay_start_2:
0xc0: {  	(tag) =	ssettag $0x2  }
0xc1: {  	s0 =	rddreg [dreg:$0x0];
	s2 =	stileid.u32  }
0xc2: {  	s1 =	rddreg [dreg:$0x1];
	p0 =	sne.s32 s2, $0x0  }
0xc3: {  	s3 =	rddreg [dreg:$0x2];
	[bflag:$0x3] =	sbarrier.arrive $0xFFFF;
	s2 =	simm.s32 @!p0 $0x1C09  }
0xc4: {  	[timem:s3], [sflag:s2] =	dma.local @!p0 [hbm:s0], s1  }
0xc5: {  	s0 =	simm.s32 @!p0 $0x9  }
0xc6: {  	_ =	swait.ge @!p0 [sflag:s0], s1  }
0xc7: {  	s1 =	ssub.s32 @!p0 $0x0, s1;
	[sflag:s0] =	ssyncset.done @!p0 $0x0  }
0xc8: {  	[sflag:s0] =	ssyncadd.s32 @!p0 s1  }
0xc9: {  	[bflag:$0x3] =	sbarrier.arrive $0xFFFF  }
0xca: {  	_ =	shalt  }

</sc_bundles>
